<compile_context>
chip_gen: v7x
topology: tpu7x:2x2x1
jax: 0.10.2.dev20260603
libtpu: 0.0.44.dev20260713+nightly
codegen_flags: <defaults>
</compile_context>

<pallas_src>
import functools

import jax
import jax.numpy as jnp
from jax import lax
from jax.experimental import pallas as pl
from jax.experimental.pallas import tpu as pltpu
from jax.experimental.pallas import tpu_sc as plsc

_F32 = jnp.float32
_NT = 32
_NSUB = 16


def _sc_mesh():
    return plsc.VectorSubcoreMesh(core_axis_name="c", subcore_axis_name="s")


_SC_PARAMS = dict(
    compiler_params=pltpu.CompilerParams(
        needs_layout_passes=False, use_tc_tiling_on_sc=False),
)


@functools.lru_cache(maxsize=None)
def _build_deg_kernel(E, NP):
    EPT = E // _NT

    def body(ei_hbm, out_hbm, dstb, acc):
        cid = lax.axis_index("c")
        sid = lax.axis_index("s")
        t = cid * _NSUB + sid
        zero = jnp.zeros((16,), _F32)

        def zb(i, c):
            base = i * 64
            for u in range(4):
                acc[pl.ds(base + u * 16, 16)] = zero
            return c

        lax.fori_loop(0, NP // 64, zb, 0)
        pltpu.sync_copy(ei_hbm.at[1, pl.ds(t * EPT, EPT)], dstb)
        ones = jnp.ones((16,), _F32)

        def eb(i, c):
            base = i * 80
            for u in range(5):
                idx = dstb[pl.ds(base + u * 16, 16)]
                plsc.addupdate_scatter(acc, [idx], ones)
            return c

        lax.fori_loop(0, EPT // 80, eb, 0)
        pltpu.sync_copy(acc, out_hbm.at[t])

    return pl.kernel(
        body,
        out_type=jax.ShapeDtypeStruct((_NT, NP), _F32),
        mesh=_sc_mesh(),
        scratch_types=[
            pltpu.VMEM((EPT,), jnp.int32),
            pltpu.VMEM((NP,), _F32),
        ],
        **_SC_PARAMS,
    )


def _tc_matmul1(x, W1):
    N = x.shape[0]
    DH = W1.shape[1]

    def body(x_ref, w1_ref, h1_ref):
        h1_ref[...] = jnp.dot(x_ref[...], w1_ref[...],
                              preferred_element_type=_F32)

    return pl.pallas_call(
        body,
        out_shape=jax.ShapeDtypeStruct((N, DH), _F32),
    )(x, W1)


def _tc_prep(p, h1, NP):
    N, DH = h1.shape
    G = 5
    BL = NP // G

    def body(p_ref, h1_ref, g1_ref, dis2_ref, dis1_ref):
        deg = jnp.sum(p_ref[...], axis=0) + 1.0
        dis = lax.rsqrt(deg)
        dis1_ref[...] = dis
        dis2_ref[...] = dis[:, None]
        g1_ref[...] = h1_ref[...] * dis[:, None]

    return pl.pallas_call(
        body,
        grid=(G,),
        in_specs=[
            pl.BlockSpec((32, BL), lambda i: (0, i)),
            pl.BlockSpec((BL, DH), lambda i: (i, 0)),
        ],
        out_specs=[
            pl.BlockSpec((BL, DH), lambda i: (i, 0)),
            pl.BlockSpec((BL, 1), lambda i: (i, 0)),
            pl.BlockSpec((BL,), lambda i: (i,)),
        ],
        out_shape=[
            jax.ShapeDtypeStruct((NP, DH), _F32),
            jax.ShapeDtypeStruct((NP, 1), _F32),
            jax.ShapeDtypeStruct((NP,), _F32),
        ],
    )(p, h1)


@functools.lru_cache(maxsize=None)
def _build_prop1_kernel(E, NP, DH, CH, NSLOT):
    EPT = E // _NT
    NIT = EPT // CH
    NPT = NP // _NSUB

    def body(ei_hbm, g1_hbm, out_hbm, srcb, dstb, rows, zbuf, sacc, *sems):
        gsem = sems[:NSLOT]
        ssem = sems[NSLOT:]
        cid = lax.axis_index("c")
        sid = lax.axis_index("s")
        t = cid * _NSUB + sid
        pltpu.sync_copy(ei_hbm.at[0, pl.ds(t * EPT, EPT)], srcb)
        pltpu.sync_copy(ei_hbm.at[1, pl.ds(t * EPT, EPT)], dstb)
        zero = jnp.zeros((16,), _F32)

        def zb(i, c):
            def zc(j, c2):
                zbuf[i, pl.ds(j * 16, 16)] = zero
                return c2
            lax.fori_loop(0, DH // 16, zc, 0)
            return c

        lax.fori_loop(0, 128, zb, 0)
        for r in range(NPT // 128):
            pltpu.sync_copy(zbuf, sacc.at[pl.ds(sid * NPT + r * 128, 128)])
        plsc.subcore_barrier()

        def start_g(i, s):
            pltpu.async_copy(g1_hbm.at[srcb.at[pl.ds(i * CH, CH)]],
                             rows.at[s], gsem[s])

        def wait_g(s):
            pltpu.make_async_copy(g1_hbm.at[srcb.at[pl.ds(0, CH)]],
                                  rows.at[s], gsem[s]).wait()

        def start_s(i, s):
            pltpu.async_copy(rows.at[s],
                             sacc.at[dstb.at[pl.ds(i * CH, CH)]],
                             ssem[s], add=True)

        def wait_s(s):
            pltpu.make_async_copy(rows.at[s],
                                  sacc.at[dstb.at[pl.ds(0, CH)]],
                                  ssem[s]).wait()

        for s in range(NSLOT):
            start_g(s, s)

        def eb(j, c):
            i0 = NSLOT * j
            for s in range(NSLOT):
                wait_g(s)
                start_s(i0 + s, s)

            @pl.when(j < NIT // NSLOT - 1)
            def _():
                for s in range(NSLOT):
                    wait_s(s)
                    start_g(i0 + NSLOT + s, s)

            return c

        lax.fori_loop(0, NIT // NSLOT, eb, 0)
        for s in range(NSLOT):
            wait_s(s)
        plsc.subcore_barrier()
        pltpu.sync_copy(sacc.at[pl.ds(sid * NPT, NPT)],
                        out_hbm.at[cid, pl.ds(sid * NPT, NPT)])

    return pl.kernel(
        body,
        out_type=jax.ShapeDtypeStruct((2, NP, DH), _F32),
        mesh=_sc_mesh(),
        scratch_types=(
            [pltpu.VMEM((EPT,), jnp.int32),
             pltpu.VMEM((EPT,), jnp.int32),
             pltpu.VMEM((NSLOT, CH, DH), _F32),
             pltpu.VMEM((128, DH), _F32),
             pltpu.VMEM_SHARED((NP, DH), _F32)]
            + [pltpu.SemaphoreType.DMA] * (2 * NSLOT)
        ),
        **_SC_PARAMS,
    )


def _tc_mid(accp, g1, dis2d, dis1, b1, W2, b2):
    NP, DH = g1.shape

    G = 5
    BL = NP // G

    def body(a_ref, g1_ref, dis2_ref, dis1_ref, b1_ref, w2_ref, b2_ref,
             g2_ref, c2_ref):
        acc = a_ref[0] + a_ref[1] + g1_ref[...]
        out1 = acc * dis2_ref[...] + b1_ref[...]
        h = jnp.maximum(out1, 0.0)
        h2 = jnp.dot(h, w2_ref[...],
                     preferred_element_type=_F32)[:, 0]
        dis = dis1_ref[...]
        g2 = dis * h2
        g2_ref[...] = g2
        c2_ref[...] = dis * g2 + b2_ref[...]

    return pl.pallas_call(
        body,
        grid=(G,),
        in_specs=[
            pl.BlockSpec((2, BL, DH), lambda i: (0, i, 0)),
            pl.BlockSpec((BL, DH), lambda i: (i, 0)),
            pl.BlockSpec((BL, 1), lambda i: (i, 0)),
            pl.BlockSpec((BL,), lambda i: (i,)),
            pl.BlockSpec((1, DH), lambda i: (0, 0)),
            pl.BlockSpec((DH, 1), lambda i: (0, 0)),
            pl.BlockSpec((1,), lambda i: (0,)),
        ],
        out_specs=[
            pl.BlockSpec((BL,), lambda i: (i,)),
            pl.BlockSpec((BL,), lambda i: (i,)),
        ],
        out_shape=[
            jax.ShapeDtypeStruct((NP,), _F32),
            jax.ShapeDtypeStruct((NP,), _F32),
        ],
    )(accp, g1, dis2d, dis1, b1.reshape(1, DH), W2,
      b2.reshape(1))


@functools.lru_cache(maxsize=None)
def _build_prop2_kernel(E, NP):
    EPT = E // _NT
    NPT = NP // _NSUB

    def body(g2_hbm, ei_hbm, out_hbm, g2b, srcb, dstb, acc2, outb, redb,
             slots):
        cid = lax.axis_index("c")
        sid = lax.axis_index("s")
        t = cid * _NSUB + sid
        pltpu.sync_copy(g2_hbm, g2b)
        zero = jnp.zeros((16,), _F32)

        def zb(i, c):
            base = i * 64
            for u in range(4):
                acc2[pl.ds(base + u * 16, 16)] = zero
            return c

        lax.fori_loop(0, NP // 64, zb, 0)
        pltpu.sync_copy(ei_hbm.at[0, pl.ds(t * EPT, EPT)], srcb)
        pltpu.sync_copy(ei_hbm.at[1, pl.ds(t * EPT, EPT)], dstb)

        def eb(i, c):
            base = i * 80
            for u in range(5):
                s = srcb[pl.ds(base + u * 16, 16)]
                d = dstb[pl.ds(base + u * 16, 16)]
                v = plsc.load_gather(g2b, [s])
                plsc.addupdate_scatter(acc2, [d], v)
            return c

        lax.fori_loop(0, EPT // 80, eb, 0)
        pltpu.sync_copy(acc2, slots.at[sid])
        plsc.subcore_barrier()
        for j in range(_NSUB):
            pltpu.sync_copy(slots.at[j, pl.ds(sid * NPT, NPT)], redb.at[j])

        def cb(ci, c):
            base = ci * 16
            tot = redb[0, pl.ds(base, 16)]
            for j in range(1, _NSUB):
                tot = tot + redb[j, pl.ds(base, 16)]
            outb[pl.ds(base, 16)] = tot
            return c

        lax.fori_loop(0, NPT // 16, cb, 0)
        pltpu.sync_copy(outb, out_hbm.at[cid, pl.ds(sid * NPT, NPT)])

    return pl.kernel(
        body,
        out_type=jax.ShapeDtypeStruct((2, NP), _F32),
        mesh=_sc_mesh(),
        scratch_types=[
            pltpu.VMEM((NP,), _F32),
            pltpu.VMEM((EPT,), jnp.int32),
            pltpu.VMEM((EPT,), jnp.int32),
            pltpu.VMEM((NP,), _F32),
            pltpu.VMEM((NPT,), _F32),
            pltpu.VMEM((_NSUB, NPT), _F32),
            pltpu.VMEM_SHARED((_NSUB, NP), _F32),
        ],
        **_SC_PARAMS,
    )


def _tc_final(p2, dis1, c2):
    NP = dis1.shape[0]

    def body(p_ref, dis_ref, c2_ref, out_ref):
        out_ref[...] = (dis_ref[...] * (p_ref[0] + p_ref[1])
                        + c2_ref[...])

    return pl.pallas_call(
        body,
        out_shape=jax.ShapeDtypeStruct((NP,), _F32),
    )(p2, dis1, c2)


def kernel(x, edge_index, W1, b1, W2, b2):
    N, _ = x.shape
    E = edge_index.shape[1]
    DH = W1.shape[1]
    NP = ((N + 16 * 128 - 1) // (16 * 128)) * (16 * 128)
    CH = 80
    NSLOT = 5

    h1 = _tc_matmul1(x, W1)
    p = _build_deg_kernel(E, NP)(edge_index)
    g1, dis2d, dis = _tc_prep(p, h1, NP)
    accp = _build_prop1_kernel(E, NP, DH, CH, NSLOT)(edge_index, g1)
    g2, c2 = _tc_mid(accp, g1, dis2d, dis, b1, W2, b2)
    p2 = _build_prop2_kernel(E, NP)(g2, edge_index)
    out = _tc_final(p2, dis, c2)
    return out[:N, None]

# --- scband reference (transcript-rebuilt; emitter-appended) ---
"""Pipeline reference for scband-gcn-85950885527623 (READ-ONLY COPY).

The authoritative reference and input builder live on the scoring server;
editing this copy changes nothing except your own understanding.
"""

import jax, jax.numpy as jnp
import numpy as np

N = 10000
E = 320000
D_IN = 128
D_HID = 64
D_OUT = 1


def gcn_conv(x, edge_index, W, b):
    # PyG GCNConv: add self-loops, symmetric normalization D^-1/2 (A+I) D^-1/2 X W + b
    src = edge_index[0]
    dst = edge_index[1]
    loop = jnp.arange(N, dtype=edge_index.dtype)
    src = jnp.concatenate([src, loop])
    dst = jnp.concatenate([dst, loop])
    ones = jnp.ones(src.shape[0], dtype=x.dtype)
    deg = jnp.zeros((N,), dtype=x.dtype).at[dst].add(ones)
    deg_inv_sqrt = jnp.where(deg > 0, jax.lax.rsqrt(jnp.maximum(deg, 1e-12)), 0.0)
    norm = deg_inv_sqrt[src] * deg_inv_sqrt[dst]
    h = x @ W
    msg = h[src] * norm[:, None]
    out = jnp.zeros((N, h.shape[1]), dtype=x.dtype).at[dst].add(msg)
    return out + b


def setup_inputs(seed: int = 0):
    key = jax.random.key(seed)
    k1, k2, k3, k4 = jax.random.split(key, 4)
    x = jax.random.normal(k1, (N, D_IN), dtype=jnp.float32)
    edge_index = jax.random.randint(k2, (2, E), 0, N, dtype=jnp.int32)
    W1 = jax.random.normal(k3, (D_IN, D_HID), dtype=jnp.float32) * (1.0 / np.sqrt(D_IN))
    b1 = jnp.zeros((D_HID,), dtype=jnp.float32)
    W2 = jax.random.normal(k4, (D_HID, D_OUT), dtype=jnp.float32) * (1.0 / np.sqrt(D_HID))
    b2 = jnp.zeros((D_OUT,), dtype=jnp.float32)
    return {"x": x, "edge_index": edge_index, "W1": W1, "b1": b1, "W2": W2, "b2": b2}


def reference(x, edge_index, W1, b1, W2, b2):
    h = gcn_conv(x, edge_index, W1, b1)
    h = jax.nn.relu(h)
    # F.dropout(training=self.training): identity in eval mode
    out = gcn_conv(h, edge_index, W2, b2)
    return out

if __name__ == "__main__":
    import jax
    _d = setup_inputs()
    print(jax.jit(kernel)(*tuple(_d.values())))

</pallas_src>

<mosaic_0001>
#map = affine_map<(d0, d1) -> (0, 0)>
module attributes {stable_mosaic.version = 14 : i64} {
  func.func @body(%arg0: i32, %arg1: i32, %arg2: memref<2x320000xi32, #tpu.memory_space<hbm>>, %arg3: memref<32x10240xf32, #tpu.memory_space<hbm>>, %arg4: memref<10000xi32, #tpu.memory_space<vmem>>, %arg5: memref<10240xf32, #tpu.memory_space<vmem>>) attributes {dimension_semantics = [#tpu.dimension_semantics<core_parallel>, #tpu.dimension_semantics<subcore_parallel>], iteration_bounds = array<i64: 2, 16>, scalar_prefetch = 0 : i64, scratch_operands = 2 : i64, tpu.core_type = #tpu.core_type<sc_vector_subcore>, window_params = [{transform_indices = #map}, {transform_indices = #map}]} {
    %mul3A = arith.constant 16 : i32
    %mul3A_0 = arith.muli %arg0, %mul3A : i32
    %add3A = arith.addi %mul3A_0, %arg1 : i32
    %broadcast_in_dim3A = arith.constant 0.000000e+00 : f32
    %broadcast_in_dim3A_1 = vector.broadcast %broadcast_in_dim3A : f32 to vector<16xf32>
    %scan3A = arith.constant 0 : i32
    %scan3A_2 = arith.constant 0 : i32
    %scan3A_3 = arith.constant 160 : i32
    %scan3A_4 = arith.addi %scan3A_2, %scan3A_3 : i32
    %scan3A_5 = arith.constant 1 : i32
    scf.for %scan3A_17 = %scan3A_2 to %scan3A_4 step %scan3A_5  : i32 {
      %mul3A_18 = arith.constant 64 : i32
      %mul3A_19 = arith.muli %scan3A_17, %mul3A_18 : i32
      %add3A_20 = arith.constant 0 : i32
      %add3A_21 = arith.addi %mul3A_19, %add3A_20 : i32
      %swap3A = arith.index_cast %add3A_21 : i32 to index
      %swap3A_22 = tpu.vector_load %arg5[%swap3A] {strides = array<i32>} : memref<10240xf32, #tpu.memory_space<vmem>>, vector<16xf32>,
      tpu.vector_store %arg5[%swap3A], %broadcast_in_dim3A_1 {strides = array<i32>} : memref<10240xf32, #tpu.memory_space<vmem>>, vector<16xf32>,
      %add3A_23 = arith.constant 16 : i32
      %add3A_24 = arith.addi %mul3A_19, %add3A_23 : i32
      %swap3A_25 = arith.index_cast %add3A_24 : i32 to index
      %swap3A_26 = tpu.vector_load %arg5[%swap3A_25] {strides = array<i32>} : memref<10240xf32, #tpu.memory_space<vmem>>, vector<16xf32>,
      tpu.vector_store %arg5[%swap3A_25], %broadcast_in_dim3A_1 {strides = array<i32>} : memref<10240xf32, #tpu.memory_space<vmem>>, vector<16xf32>,
      %add3A_27 = arith.constant 32 : i32
      %add3A_28 = arith.addi %mul3A_19, %add3A_27 : i32
      %swap3A_29 = arith.index_cast %add3A_28 : i32 to index
      %swap3A_30 = tpu.vector_load %arg5[%swap3A_29] {strides = array<i32>} : memref<10240xf32, #tpu.memory_space<vmem>>, vector<16xf32>,
      tpu.vector_store %arg5[%swap3A_29], %broadcast_in_dim3A_1 {strides = array<i32>} : memref<10240xf32, #tpu.memory_space<vmem>>, vector<16xf32>,
      %add3A_31 = arith.constant 48 : i32
      %add3A_32 = arith.addi %mul3A_19, %add3A_31 : i32
      %swap3A_33 = arith.index_cast %add3A_32 : i32 to index
      %swap3A_34 = tpu.vector_load %arg5[%swap3A_33] {strides = array<i32>} : memref<10240xf32, #tpu.memory_space<vmem>>, vector<16xf32>,
      tpu.vector_store %arg5[%swap3A_33], %broadcast_in_dim3A_1 {strides = array<i32>} : memref<10240xf32, #tpu.memory_space<vmem>>, vector<16xf32>,
    }
    %scan3A_6 = arith.constant 160 : i32
    %mul3A_7 = arith.constant 10000 : i32
    %mul3A_8 = arith.muli %add3A, %mul3A_7 : i32
    %run_scoped3A = arith.constant 1 : i32
    "tpu.region"() ({
      %run_scoped3A_17 = tpu.sem_alloc : memref<!tpu.dma_semaphore, #tpu.memory_space<semaphore_mem>>
      %dma_start3A = tpu.memref_slice %arg2[%run_scoped3A, %mul3A_8] : memref<2x320000xi32, #tpu.memory_space<hbm>> -> memref<1x10000xi32, #tpu.memory_space<hbm>>
      %dma_start3A_18 = tpu.memref_squeeze %dma_start3A : memref<1x10000xi32, #tpu.memory_space<hbm>> -> memref<10000xi32, #tpu.memory_space<hbm>>
      %dma_start3A_19 = tpu.memref_slice %arg2[%run_scoped3A, %mul3A_8] : memref<2x320000xi32, #tpu.memory_space<hbm>> -> memref<1x10000xi32, #tpu.memory_space<hbm>>
      %dma_start3A_20 = tpu.memref_squeeze %dma_start3A_19 : memref<1x10000xi32, #tpu.memory_space<hbm>> -> memref<10000xi32, #tpu.memory_space<hbm>>
      tpu.enqueue_dma source(%dma_start3A_20 : memref<10000xi32, #tpu.memory_space<hbm>>) target(%arg4 : memref<10000xi32, #tpu.memory_space<vmem>>) target_semaphore(%run_scoped3A_17 : memref<!tpu.dma_semaphore, #tpu.memory_space<semaphore_mem>>)
      %dma_wait3A = tpu.memref_slice %arg2[%run_scoped3A, %mul3A_8] : memref<2x320000xi32, #tpu.memory_space<hbm>> -> memref<1x10000xi32, #tpu.memory_space<hbm>>
      %dma_wait3A_21 = tpu.memref_squeeze %dma_wait3A : memref<1x10000xi32, #tpu.memory_space<hbm>> -> memref<10000xi32, #tpu.memory_space<hbm>>
      %dma_wait3A_22 = tpu.memref_slice %arg2[%run_scoped3A, %mul3A_8] : memref<2x320000xi32, #tpu.memory_space<hbm>> -> memref<1x10000xi32, #tpu.memory_space<hbm>>
      %dma_wait3A_23 = tpu.memref_squeeze %dma_wait3A_22 : memref<1x10000xi32, #tpu.memory_space<hbm>> -> memref<10000xi32, #tpu.memory_space<hbm>>
      tpu.wait_dma2 semaphore(%run_scoped3A_17 : memref<!tpu.dma_semaphore, #tpu.memory_space<semaphore_mem>>) src(%dma_wait3A_23 : memref<10000xi32, #tpu.memory_space<hbm>>) dst(%arg4 : memref<10000xi32, #tpu.memory_space<vmem>>)
      tpu.yield
    }) : () -> ()
    %broadcast_in_dim3A_9 = arith.constant 1.000000e+00 : f32
    %broadcast_in_dim3A_10 = vector.broadcast %broadcast_in_dim3A_9 : f32 to vector<16xf32>
    %scan3A_11 = arith.constant 0 : i32
    %scan3A_12 = arith.constant 0 : i32
    %scan3A_13 = arith.constant 125 : i32
    %scan3A_14 = arith.addi %scan3A_12, %scan3A_13 : i32
    %scan3A_15 = arith.constant 1 : i32
    scf.for %scan3A_17 = %scan3A_12 to %scan3A_14 step %scan3A_15  : i32 {
      %mul3A_18 = arith.constant 80 : i32
      %mul3A_19 = arith.muli %scan3A_17, %mul3A_18 : i32
      %add3A_20 = arith.constant 0 : i32
      %add3A_21 = arith.addi %mul3A_19, %add3A_20 : i32
      %get3A = arith.index_cast %add3A_21 : i32 to index
      %get3A_22 = tpu.vector_load %arg4[%get3A] {strides = array<i32>} : memref<10000xi32, #tpu.memory_space<vmem>>, vector<16xi32>,
      tpu.vector_store_idx %arg5[%get3A_22], %broadcast_in_dim3A_10 {add = true} : memref<10240xf32, #tpu.memory_space<vmem>>[vector<16xi32>], vector<16xf32>,
      %add3A_23 = arith.constant 16 : i32
      %add3A_24 = arith.addi %mul3A_19, %add3A_23 : i32
      %get3A_25 = arith.index_cast %add3A_24 : i32 to index
      %get3A_26 = tpu.vector_load %arg4[%get3A_25] {strides = array<i32>} : memref<10000xi32, #tpu.memory_space<vmem>>, vector<16xi32>,
      tpu.vector_store_idx %arg5[%get3A_26], %broadcast_in_dim3A_10 {add = true} : memref<10240xf32, #tpu.memory_space<vmem>>[vector<16xi32>], vector<16xf32>,
      %add3A_27 = arith.constant 32 : i32
      %add3A_28 = arith.addi %mul3A_19, %add3A_27 : i32
      %get3A_29 = arith.index_cast %add3A_28 : i32 to index
      %get3A_30 = tpu.vector_load %arg4[%get3A_29] {strides = array<i32>} : memref<10000xi32, #tpu.memory_space<vmem>>, vector<16xi32>,
      tpu.vector_store_idx %arg5[%get3A_30], %broadcast_in_dim3A_10 {add = true} : memref<10240xf32, #tpu.memory_space<vmem>>[vector<16xi32>], vector<16xf32>,
      %add3A_31 = arith.constant 48 : i32
      %add3A_32 = arith.addi %mul3A_19, %add3A_31 : i32
      %get3A_33 = arith.index_cast %add3A_32 : i32 to index
      %get3A_34 = tpu.vector_load %arg4[%get3A_33] {strides = array<i32>} : memref<10000xi32, #tpu.memory_space<vmem>>, vector<16xi32>,
      tpu.vector_store_idx %arg5[%get3A_34], %broadcast_in_dim3A_10 {add = true} : memref<10240xf32, #tpu.memory_space<vmem>>[vector<16xi32>], vector<16xf32>,
      %add3A_35 = arith.constant 64 : i32
      %add3A_36 = arith.addi %mul3A_19, %add3A_35 : i32
      %get3A_37 = arith.index_cast %add3A_36 : i32 to index
      %get3A_38 = tpu.vector_load %arg4[%get3A_37] {strides = array<i32>} : memref<10000xi32, #tpu.memory_space<vmem>>, vector<16xi32>,
      tpu.vector_store_idx %arg5[%get3A_38], %broadcast_in_dim3A_10 {add = true} : memref<10240xf32, #tpu.memory_space<vmem>>[vector<16xi32>], vector<16xf32>,
    }
    %scan3A_16 = arith.constant 125 : i32
    "tpu.region"() ({
      %run_scoped3A_17 = tpu.sem_alloc : memref<!tpu.dma_semaphore, #tpu.memory_space<semaphore_mem>>
      %dma_start3A = arith.constant 0 : i32
      %dma_start3A_18 = tpu.memref_slice %arg3[%add3A, %dma_start3A] : memref<32x10240xf32, #tpu.memory_space<hbm>> -> memref<1x10240xf32, #tpu.memory_space<hbm>>
      %dma_start3A_19 = tpu.memref_squeeze %dma_start3A_18 : memref<1x10240xf32, #tpu.memory_space<hbm>> -> memref<10240xf32, #tpu.memory_space<hbm>>
      %dma_start3A_20 = arith.constant 0 : i32
      %dma_start3A_21 = tpu.memref_slice %arg3[%add3A, %dma_start3A_20] : memref<32x10240xf32, #tpu.memory_space<hbm>> -> memref<1x10240xf32, #tpu.memory_space<hbm>>
      %dma_start3A_22 = tpu.memref_squeeze %dma_start3A_21 : memref<1x10240xf32, #tpu.memory_space<hbm>> -> memref<10240xf32, #tpu.memory_space<hbm>>
      tpu.enqueue_dma source(%arg5 : memref<10240xf32, #tpu.memory_space<vmem>>) target(%dma_start3A_22 : memref<10240xf32, #tpu.memory_space<hbm>>) target_semaphore(%run_scoped3A_17 : memref<!tpu.dma_semaphore, #tpu.memory_space<semaphore_mem>>)
      %dma_wait3A = arith.constant 0 : i32
      %dma_wait3A_23 = tpu.memref_slice %arg3[%add3A, %dma_wait3A] : memref<32x10240xf32, #tpu.memory_space<hbm>> -> memref<1x10240xf32, #tpu.memory_space<hbm>>
      %dma_wait3A_24 = tpu.memref_squeeze %dma_wait3A_23 : memref<1x10240xf32, #tpu.memory_space<hbm>> -> memref<10240xf32, #tpu.memory_space<hbm>>
      %dma_wait3A_25 = arith.constant 0 : i32
      %dma_wait3A_26 = tpu.memref_slice %arg3[%add3A, %dma_wait3A_25] : memref<32x10240xf32, #tpu.memory_space<hbm>> -> memref<1x10240xf32, #tpu.memory_space<hbm>>
      %dma_wait3A_27 = tpu.memref_squeeze %dma_wait3A_26 : memref<1x10240xf32, #tpu.memory_space<hbm>> -> memref<10240xf32, #tpu.memory_space<hbm>>
      tpu.wait_dma2 semaphore(%run_scoped3A_17 : memref<!tpu.dma_semaphore, #tpu.memory_space<semaphore_mem>>) src(%arg5 : memref<10240xf32, #tpu.memory_space<vmem>>) dst(%dma_wait3A_27 : memref<10240xf32, #tpu.memory_space<hbm>>)
      tpu.yield
    }) : () -> ()
    return
  }
}

#map = affine_map<(d0, d1) -> (0, 0)>
#map1 = affine_map<(d0, d1) -> (0, 0, 0)>
module attributes {stable_mosaic.version = 14 : i64} {
  func.func @body(%arg0: i32, %arg1: i32, %arg2: memref<2x320000xi32, #tpu.memory_space<hbm>>, %arg3: memref<10240x64xf32, #tpu.memory_space<hbm>>, %arg4: memref<2x10240x64xf32, #tpu.memory_space<hbm>>, %arg5: memref<10000xi32, #tpu.memory_space<vmem>>, %arg6: memref<10000xi32, #tpu.memory_space<vmem>>, %arg7: memref<5x80x64xf32, #tpu.memory_space<vmem>>, %arg8: memref<128x64xf32, #tpu.memory_space<vmem>>, %arg9: memref<10240x64xf32, #tpu.memory_space<vmem_shared>>, %arg10: memref<!tpu.dma_semaphore, #tpu.memory_space<semaphore_mem>>, %arg11: memref<!tpu.dma_semaphore, #tpu.memory_space<semaphore_mem>>, %arg12: memref<!tpu.dma_semaphore, #tpu.memory_space<semaphore_mem>>, %arg13: memref<!tpu.dma_semaphore, #tpu.memory_space<semaphore_mem>>, %arg14: memref<!tpu.dma_semaphore, #tpu.memory_space<semaphore_mem>>, %arg15: memref<!tpu.dma_semaphore, #tpu.memory_space<semaphore_mem>>, %arg16: memref<!tpu.dma_semaphore, #tpu.memory_space<semaphore_mem>>, %arg17: memref<!tpu.dma_semaphore, #tpu.memory_space<semaphore_mem>>, %arg18: memref<!tpu.dma_semaphore, #tpu.memory_space<semaphore_mem>>, %arg19: memref<!tpu.dma_semaphore, #tpu.memory_space<semaphore_mem>>) attributes {dimension_semantics = [#tpu.dimension_semantics<core_parallel>, #tpu.dimension_semantics<subcore_parallel>], iteration_bounds = array<i64: 2, 16>, scalar_prefetch = 0 : i64, scratch_operands = 15 : i64, tpu.core_type = #tpu.core_type<sc_vector_subcore>, window_params = [{transform_indices = #map}, {transform_indices = #map}, {transform_indices = #map1}]} {
    %mul3A = arith.constant 16 : i32
    %mul3A_0 = arith.muli %arg0, %mul3A : i32
    %add3A = arith.addi %mul3A_0, %arg1 : i32
    %mul3A_1 = arith.constant 10000 : i32
    %mul3A_2 = arith.muli %add3A, %mul3A_1 : i32
    %run_scoped3A = arith.constant 0 : i32
    "tpu.region"() ({
      %run_scoped3A_141 = tpu.sem_alloc : memref<!tpu.dma_semaphore, #tpu.memory_space<semaphore_mem>>
      %dma_start3A_142 = tpu.memref_slice %arg2[%run_scoped3A, %mul3A_2] : memref<2x320000xi32, #tpu.memory_space<hbm>> -> memref<1x10000xi32, #tpu.memory_space<hbm>>
      %dma_start3A_143 = tpu.memref_squeeze %dma_start3A_142 : memref<1x10000xi32, #tpu.memory_space<hbm>> -> memref<10000xi32, #tpu.memory_space<hbm>>
      %dma_start3A_144 = tpu.memref_slice %arg2[%run_scoped3A, %mul3A_2] : memref<2x320000xi32, #tpu.memory_space<hbm>> -> memref<1x10000xi32, #tpu.memory_space<hbm>>
      %dma_start3A_145 = tpu.memref_squeeze %dma_start3A_144 : memref<1x10000xi32, #tpu.memory_space<hbm>> -> memref<10000xi32, #tpu.memory_space<hbm>>
      tpu.enqueue_dma source(%dma_start3A_145 : memref<10000xi32, #tpu.memory_space<hbm>>) target(%arg5 : memref<10000xi32, #tpu.memory_space<vmem>>) target_semaphore(%run_scoped3A_141 : memref<!tpu.dma_semaphore, #tpu.memory_space<semaphore_mem>>)
      %dma_wait3A_146 = tpu.memref_slice %arg2[%run_scoped3A, %mul3A_2] : memref<2x320000xi32, #tpu.memory_space<hbm>> -> memref<1x10000xi32, #tpu.memory_space<hbm>>
      %dma_wait3A_147 = tpu.memref_squeeze %dma_wait3A_146 : memref<1x10000xi32, #tpu.memory_space<hbm>> -> memref<10000xi32, #tpu.memory_space<hbm>>
      %dma_wait3A_148 = tpu.memref_slice %arg2[%run_scoped3A, %mul3A_2] : memref<2x320000xi32, #tpu.memory_space<hbm>> -> memref<1x10000xi32, #tpu.memory_space<hbm>>
      %dma_wait3A_149 = tpu.memref_squeeze %dma_wait3A_148 : memref<1x10000xi32, #tpu.memory_space<hbm>> -> memref<10000xi32, #tpu.memory_space<hbm>>
      tpu.wait_dma2 semaphore(%run_scoped3A_141 : memref<!tpu.dma_semaphore, #tpu.memory_space<semaphore_mem>>) src(%dma_wait3A_149 : memref<10000xi32, #tpu.memory_space<hbm>>) dst(%arg5 : memref<10000xi32, #tpu.memory_space<vmem>>)
      tpu.yield
    }) : () -> ()
    %mul3A_3 = arith.constant 10000 : i32
    %mul3A_4 = arith.muli %add3A, %mul3A_3 : i32
    %run_scoped3A_5 = arith.constant 1 : i32
    "tpu.region"() ({
      %run_scoped3A_141 = tpu.sem_alloc : memref<!tpu.dma_semaphore, #tpu.memory_space<semaphore_mem>>
      %dma_start3A_142 = tpu.memref_slice %arg2[%run_scoped3A_5, %mul3A_4] : memref<2x320000xi32, #tpu.memory_space<hbm>> -> memref<1x10000xi32, #tpu.memory_space<hbm>>
      %dma_start3A_143 = tpu.memref_squeeze %dma_start3A_142 : memref<1x10000xi32, #tpu.memory_space<hbm>> -> memref<10000xi32, #tpu.memory_space<hbm>>
      %dma_start3A_144 = tpu.memref_slice %arg2[%run_scoped3A_5, %mul3A_4] : memref<2x320000xi32, #tpu.memory_space<hbm>> -> memref<1x10000xi32, #tpu.memory_space<hbm>>
      %dma_start3A_145 = tpu.memref_squeeze %dma_start3A_144 : memref<1x10000xi32, #tpu.memory_space<hbm>> -> memref<10000xi32, #tpu.memory_space<hbm>>
      tpu.enqueue_dma source(%dma_start3A_145 : memref<10000xi32, #tpu.memory_space<hbm>>) target(%arg6 : memref<10000xi32, #tpu.memory_space<vmem>>) target_semaphore(%run_scoped3A_141 : memref<!tpu.dma_semaphore, #tpu.memory_space<semaphore_mem>>)
      %dma_wait3A_146 = tpu.memref_slice %arg2[%run_scoped3A_5, %mul3A_4] : memref<2x320000xi32, #tpu.memory_space<hbm>> -> memref<1x10000xi32, #tpu.memory_space<hbm>>
      %dma_wait3A_147 = tpu.memref_squeeze %dma_wait3A_146 : memref<1x10000xi32, #tpu.memory_space<hbm>> -> memref<10000xi32, #tpu.memory_space<hbm>>
      %dma_wait3A_148 = tpu.memref_slice %arg2[%run_scoped3A_5, %mul3A_4] : memref<2x320000xi32, #tpu.memory_space<hbm>> -> memref<1x10000xi32, #tpu.memory_space<hbm>>
      %dma_wait3A_149 = tpu.memref_squeeze %dma_wait3A_148 : memref<1x10000xi32, #tpu.memory_space<hbm>> -> memref<10000xi32, #tpu.memory_space<hbm>>
      tpu.wait_dma2 semaphore(%run_scoped3A_141 : memref<!tpu.dma_semaphore, #tpu.memory_space<semaphore_mem>>) src(%dma_wait3A_149 : memref<10000xi32, #tpu.memory_space<hbm>>) dst(%arg6 : memref<10000xi32, #tpu.memory_space<vmem>>)
      tpu.yield
    }) : () -> ()
    %broadcast_in_dim3A = arith.constant 0.000000e+00 : f32
    %broadcast_in_dim3A_6 = vector.broadcast %broadcast_in_dim3A : f32 to vector<16xf32>
    %scan3A = arith.constant 0 : i32
    %scan3A_7 = arith.constant 0 : i32
    %scan3A_8 = arith.constant 128 : i32
    %scan3A_9 = arith.addi %scan3A_7, %scan3A_8 : i32
    %scan3A_10 = arith.constant 1 : i32
    scf.for %scan3A_141 = %scan3A_7 to %scan3A_9 step %scan3A_10  : i32 {
      %scan3A_142 = arith.constant 0 : i32
      %scan3A_143 = arith.constant 0 : i32
      %scan3A_144 = arith.constant 4 : i32
      %scan3A_145 = arith.addi %scan3A_143, %scan3A_144 : i32
      %scan3A_146 = arith.constant 1 : i32
      scf.for %scan3A_148 = %scan3A_143 to %scan3A_145 step %scan3A_146  : i32 {
        %mul3A_149 = arith.constant 16 : i32
        %mul3A_150 = arith.muli %scan3A_148, %mul3A_149 : i32
        %swap3A = arith.index_cast %scan3A_141 : i32 to index
        %swap3A_151 = arith.index_cast %mul3A_150 : i32 to index
        %swap3A_152 = tpu.vector_load %arg8[%swap3A, %swap3A_151] {strides = array<i32>} : memref<128x64xf32, #tpu.memory_space<vmem>>, vector<16xf32>,
        tpu.vector_store %arg8[%swap3A, %swap3A_151], %broadcast_in_dim3A_6 {strides = array<i32>} : memref<128x64xf32, #tpu.memory_space<vmem>>, vector<16xf32>,
      }
      %scan3A_147 = arith.constant 4 : i32
    }
    %scan3A_11 = arith.constant 128 : i32
    %mul3A_12 = arith.constant 640 : i32
    %mul3A_13 = arith.muli %arg1, %mul3A_12 : i32
    %add3A_14 = arith.constant 0 : i32
    %add3A_15 = arith.addi %mul3A_13, %add3A_14 : i32
    "tpu.region"() ({
      %run_scoped3A_141 = tpu.sem_alloc : memref<!tpu.dma_semaphore, #tpu.memory_space<semaphore_mem>>
      %dma_start3A_142 = arith.constant 0 : i32
      %dma_start3A_143 = tpu.memref_slice %arg9[%add3A_15, %dma_start3A_142] : memref<10240x64xf32, #tpu.memory_space<vmem_shared>> -> memref<128x64xf32, #tpu.memory_space<vmem_shared>>
      %dma_start3A_144 = arith.constant 0 : i32
      %dma_start3A_145 = tpu.memref_slice %arg9[%add3A_15, %dma_start3A_144] : memref<10240x64xf32, #tpu.memory_space<vmem_shared>> -> memref<128x64xf32, #tpu.memory_space<vmem_shared>>
      tpu.enqueue_dma source(%arg8 : memref<128x64xf32, #tpu.memory_space<vmem>>) target(%dma_start3A_145 : memref<128x64xf32, #tpu.memory_space<vmem_shared>>) target_semaphore(%run_scoped3A_141 : memref<!tpu.dma_semaphore, #tpu.memory_space<semaphore_mem>>)
      %dma_wait3A_146 = arith.constant 0 : i32
      %dma_wait3A_147 = tpu.memref_slice %arg9[%add3A_15, %dma_wait3A_146] : memref<10240x64xf32, #tpu.memory_space<vmem_shared>> -> memref<128x64xf32, #tpu.memory_space<vmem_shared>>
      %dma_wait3A_148 = arith.constant 0 : i32
      %dma_wait3A_149 = tpu.memref_slice %arg9[%add3A_15, %dma_wait3A_148] : memref<10240x64xf32, #tpu.memory_space<vmem_shared>> -> memref<128x64xf32, #tpu.memory_space<vmem_shared>>
      tpu.wait_dma2 semaphore(%run_scoped3A_141 : memref<!tpu.dma_semaphore, #tpu.memory_space<semaphore_mem>>) src(%arg8 : memref<128x64xf32, #tpu.memory_space<vmem>>) dst(%dma_wait3A_149 : memref<128x64xf32, #tpu.memory_space<vmem_shared>>)
      tpu.yield
    }) : () -> ()
    %mul3A_16 = arith.constant 640 : i32
    %mul3A_17 = arith.muli %arg1, %mul3A_16 : i32
    %add3A_18 = arith.constant 128 : i32
    %add3A_19 = arith.addi %mul3A_17, %add3A_18 : i32
    "tpu.region"() ({
      %run_scoped3A_141 = tpu.sem_alloc : memref<!tpu.dma_semaphore, #tpu.memory_space<semaphore_mem>>
      %dma_start3A_142 = arith.constant 0 : i32
      %dma_start3A_143 = tpu.memref_slice %arg9[%add3A_19, %dma_start3A_142] : memref<10240x64xf32, #tpu.memory_space<vmem_shared>> -> memref<128x64xf32, #tpu.memory_space<vmem_shared>>
      %dma_start3A_144 = arith.constant 0 : i32
      %dma_start3A_145 = tpu.memref_slice %arg9[%add3A_19, %dma_start3A_144] : memref<10240x64xf32, #tpu.memory_space<vmem_shared>> -> memref<128x64xf32, #tpu.memory_space<vmem_shared>>
      tpu.enqueue_dma source(%arg8 : memref<128x64xf32, #tpu.memory_space<vmem>>) target(%dma_start3A_145 : memref<128x64xf32, #tpu.memory_space<vmem_shared>>) target_semaphore(%run_scoped3A_141 : memref<!tpu.dma_semaphore, #tpu.memory_space<semaphore_mem>>)
      %dma_wait3A_146 = arith.constant 0 : i32
      %dma_wait3A_147 = tpu.memref_slice %arg9[%add3A_19, %dma_wait3A_146] : memref<10240x64xf32, #tpu.memory_space<vmem_shared>> -> memref<128x64xf32, #tpu.memory_space<vmem_shared>>
      %dma_wait3A_148 = arith.constant 0 : i32
      %dma_wait3A_149 = tpu.memref_slice %arg9[%add3A_19, %dma_wait3A_148] : memref<10240x64xf32, #tpu.memory_space<vmem_shared>> -> memref<128x64xf32, #tpu.memory_space<vmem_shared>>
      tpu.wait_dma2 semaphore(%run_scoped3A_141 : memref<!tpu.dma_semaphore, #tpu.memory_space<semaphore_mem>>) src(%arg8 : memref<128x64xf32, #tpu.memory_space<vmem>>) dst(%dma_wait3A_149 : memref<128x64xf32, #tpu.memory_space<vmem_shared>>)
      tpu.yield
    }) : () -> ()
    %mul3A_20 = arith.constant 640 : i32
    %mul3A_21 = arith.muli %arg1, %mul3A_20 : i32
    %add3A_22 = arith.constant 256 : i32
    %add3A_23 = arith.addi %mul3A_21, %add3A_22 : i32
    "tpu.region"() ({
      %run_scoped3A_141 = tpu.sem_alloc : memref<!tpu.dma_semaphore, #tpu.memory_space<semaphore_mem>>
      %dma_start3A_142 = arith.constant 0 : i32
      %dma_start3A_143 = tpu.memref_slice %arg9[%add3A_23, %dma_start3A_142] : memref<10240x64xf32, #tpu.memory_space<vmem_shared>> -> memref<128x64xf32, #tpu.memory_space<vmem_shared>>
      %dma_start3A_144 = arith.constant 0 : i32
      %dma_start3A_145 = tpu.memref_slice %arg9[%add3A_23, %dma_start3A_144] : memref<10240x64xf32, #tpu.memory_space<vmem_shared>> -> memref<128x64xf32, #tpu.memory_space<vmem_shared>>
      tpu.enqueue_dma source(%arg8 : memref<128x64xf32, #tpu.memory_space<vmem>>) target(%dma_start3A_145 : memref<128x64xf32, #tpu.memory_space<vmem_shared>>) target_semaphore(%run_scoped3A_141 : memref<!tpu.dma_semaphore, #tpu.memory_space<semaphore_mem>>)
      %dma_wait3A_146 = arith.constant 0 : i32
      %dma_wait3A_147 = tpu.memref_slice %arg9[%add3A_23, %dma_wait3A_146] : memref<10240x64xf32, #tpu.memory_space<vmem_shared>> -> memref<128x64xf32, #tpu.memory_space<vmem_shared>>
      %dma_wait3A_148 = arith.constant 0 : i32
      %dma_wait3A_149 = tpu.memref_slice %arg9[%add3A_23, %dma_wait3A_148] : memref<10240x64xf32, #tpu.memory_space<vmem_shared>> -> memref<128x64xf32, #tpu.memory_space<vmem_shared>>
      tpu.wait_dma2 semaphore(%run_scoped3A_141 : memref<!tpu.dma_semaphore, #tpu.memory_space<semaphore_mem>>) src(%arg8 : memref<128x64xf32, #tpu.memory_space<vmem>>) dst(%dma_wait3A_149 : memref<128x64xf32, #tpu.memory_space<vmem_shared>>)
      tpu.yield
    }) : () -> ()
    %mul3A_24 = arith.constant 640 : i32
    %mul3A_25 = arith.muli %arg1, %mul3A_24 : i32
    %add3A_26 = arith.constant 384 : i32
    %add3A_27 = arith.addi %mul3A_25, %add3A_26 : i32
    "tpu.region"() ({
      %run_scoped3A_141 = tpu.sem_alloc : memref<!tpu.dma_semaphore, #tpu.memory_space<semaphore_mem>>
      %dma_start3A_142 = arith.constant 0 : i32
      %dma_start3A_143 = tpu.memref_slice %arg9[%add3A_27, %dma_start3A_142] : memref<10240x64xf32, #tpu.memory_space<vmem_shared>> -> memref<128x64xf32, #tpu.memory_space<vmem_shared>>
      %dma_start3A_144 = arith.constant 0 : i32
      %dma_start3A_145 = tpu.memref_slice %arg9[%add3A_27, %dma_start3A_144] : memref<10240x64xf32, #tpu.memory_space<vmem_shared>> -> memref<128x64xf32, #tpu.memory_space<vmem_shared>>
      tpu.enqueue_dma source(%arg8 : memref<128x64xf32, #tpu.memory_space<vmem>>) target(%dma_start3A_145 : memref<128x64xf32, #tpu.memory_space<vmem_shared>>) target_semaphore(%run_scoped3A_141 : memref<!tpu.dma_semaphore, #tpu.memory_space<semaphore_mem>>)
      %dma_wait3A_146 = arith.constant 0 : i32
      %dma_wait3A_147 = tpu.memref_slice %arg9[%add3A_27, %dma_wait3A_146] : memref<10240x64xf32, #tpu.memory_space<vmem_shared>> -> memref<128x64xf32, #tpu.memory_space<vmem_shared>>
      %dma_wait3A_148 = arith.constant 0 : i32
      %dma_wait3A_149 = tpu.memref_slice %arg9[%add3A_27, %dma_wait3A_148] : memref<10240x64xf32, #tpu.memory_space<vmem_shared>> -> memref<128x64xf32, #tpu.memory_space<vmem_shared>>
      tpu.wait_dma2 semaphore(%run_scoped3A_141 : memref<!tpu.dma_semaphore, #tpu.memory_space<semaphore_mem>>) src(%arg8 : memref<128x64xf32, #tpu.memory_space<vmem>>) dst(%dma_wait3A_149 : memref<128x64xf32, #tpu.memory_space<vmem_shared>>)
      tpu.yield
    }) : () -> ()
    %mul3A_28 = arith.constant 640 : i32
    %mul3A_29 = arith.muli %arg1, %mul3A_28 : i32
    %add3A_30 = arith.constant 512 : i32
    %add3A_31 = arith.addi %mul3A_29, %add3A_30 : i32
    "tpu.region"() ({
      %run_scoped3A_141 = tpu.sem_alloc : memref<!tpu.dma_semaphore, #tpu.memory_space<semaphore_mem>>
      %dma_start3A_142 = arith.constant 0 : i32
      %dma_start3A_143 = tpu.memref_slice %arg9[%add3A_31, %dma_start3A_142] : memref<10240x64xf32, #tpu.memory_space<vmem_shared>> -> memref<128x64xf32, #tpu.memory_space<vmem_shared>>
      %dma_start3A_144 = arith.constant 0 : i32
      %dma_start3A_145 = tpu.memref_slice %arg9[%add3A_31, %dma_start3A_144] : memref<10240x64xf32, #tpu.memory_space<vmem_shared>> -> memref<128x64xf32, #tpu.memory_space<vmem_shared>>
      tpu.enqueue_dma source(%arg8 : memref<128x64xf32, #tpu.memory_space<vmem>>) target(%dma_start3A_145 : memref<128x64xf32, #tpu.memory_space<vmem_shared>>) target_semaphore(%run_scoped3A_141 : memref<!tpu.dma_semaphore, #tpu.memory_space<semaphore_mem>>)
      %dma_wait3A_146 = arith.constant 0 : i32
      %dma_wait3A_147 = tpu.memref_slice %arg9[%add3A_31, %dma_wait3A_146] : memref<10240x64xf32, #tpu.memory_space<vmem_shared>> -> memref<128x64xf32, #tpu.memory_space<vmem_shared>>
      %dma_wait3A_148 = arith.constant 0 : i32
      %dma_wait3A_149 = tpu.memref_slice %arg9[%add3A_31, %dma_wait3A_148] : memref<10240x64xf32, #tpu.memory_space<vmem_shared>> -> memref<128x64xf32, #tpu.memory_space<vmem_shared>>
      tpu.wait_dma2 semaphore(%run_scoped3A_141 : memref<!tpu.dma_semaphore, #tpu.memory_space<semaphore_mem>>) src(%arg8 : memref<128x64xf32, #tpu.memory_space<vmem>>) dst(%dma_wait3A_149 : memref<128x64xf32, #tpu.memory_space<vmem_shared>>)
      tpu.yield
    }) : () -> ()
    %barrier3A = arith.constant 0 : index
    tpu.barrier barrier_id(%barrier3A)
    %dma_start3A = arith.constant 0 : i32
    %dma_start3A_32 = arith.constant 0 : i32
    %dma_start3A_33 = arith.constant 0 : i32
    %dma_start3A_34 = tpu.memref_slice %arg7[%dma_start3A, %dma_start3A_32, %dma_start3A_33] : memref<5x80x64xf32, #tpu.memory_space<vmem>> -> memref<1x80x64xf32, #tpu.memory_space<vmem>>
    %dma_start3A_35 = tpu.memref_squeeze %dma_start3A_34 : memref<1x80x64xf32, #tpu.memory_space<vmem>> -> memref<80x64xf32, #tpu.memory_space<vmem>>
    %dma_start3A_36 = arith.constant 0 : i32
    %dma_start3A_37 = tpu.memref_slice %arg5[%dma_start3A_36] : memref<10000xi32, #tpu.memory_space<vmem>> -> memref<80xi32, #tpu.memory_space<vmem>>
    %dma_start3A_38 = arith.constant 0 : i32
    %dma_start3A_39 = arith.constant 0 : i32
    %dma_start3A_40 = tpu.memref_slice %arg3[%dma_start3A_38, %dma_start3A_39] : memref<10240x64xf32, #tpu.memory_space<hbm>> -> memref<10240x64xf32, #tpu.memory_space<hbm>>
    tpu.enqueue_indirect_dma source(%dma_start3A_40 : memref<10240x64xf32, #tpu.memory_space<hbm>>) target(%dma_start3A_35 : memref<80x64xf32, #tpu.memory_space<vmem>>) offsets(%dma_start3A_37 : memref<80xi32, #tpu.memory_space<vmem>>) semaphore(%arg10 : memref<!tpu.dma_semaphore, #tpu.memory_space<semaphore_mem>>)
    %dma_start3A_41 = arith.constant 1 : i32
    %dma_start3A_42 = arith.constant 0 : i32
    %dma_start3A_43 = arith.constant 0 : i32
    %dma_start3A_44 = tpu.memref_slice %arg7[%dma_start3A_41, %dma_start3A_42, %dma_start3A_43] : memref<5x80x64xf32, #tpu.memory_space<vmem>> -> memref<1x80x64xf32, #tpu.memory_space<vmem>>
    %dma_start3A_45 = tpu.memref_squeeze %dma_start3A_44 : memref<1x80x64xf32, #tpu.memory_space<vmem>> -> memref<80x64xf32, #tpu.memory_space<vmem>>
    %dma_start3A_46 = arith.constant 80 : i32
    %dma_start3A_47 = tpu.memref_slice %arg5[%dma_start3A_46] : memref<10000xi32, #tpu.memory_space<vmem>> -> memref<80xi32, #tpu.memory_space<vmem>>
    %dma_start3A_48 = arith.constant 0 : i32
    %dma_start3A_49 = arith.constant 0 : i32
    %dma_start3A_50 = tpu.memref_slice %arg3[%dma_start3A_48, %dma_start3A_49] : memref<10240x64xf32, #tpu.memory_space<hbm>> -> memref<10240x64xf32, #tpu.memory_space<hbm>>
    tpu.enqueue_indirect_dma source(%dma_start3A_50 : memref<10240x64xf32, #tpu.memory_space<hbm>>) target(%dma_start3A_45 : memref<80x64xf32, #tpu.memory_space<vmem>>) offsets(%dma_start3A_47 : memref<80xi32, #tpu.memory_space<vmem>>) semaphore(%arg11 : memref<!tpu.dma_semaphore, #tpu.memory_space<semaphore_mem>>)
    %dma_start3A_51 = arith.constant 2 : i32
    %dma_start3A_52 = arith.constant 0 : i32
    %dma_start3A_53 = arith.constant 0 : i32
    %dma_start3A_54 = tpu.memref_slice %arg7[%dma_start3A_51, %dma_start3A_52, %dma_start3A_53] : memref<5x80x64xf32, #tpu.memory_space<vmem>> -> memref<1x80x64xf32, #tpu.memory_space<vmem>>
    %dma_start3A_55 = tpu.memref_squeeze %dma_start3A_54 : memref<1x80x64xf32, #tpu.memory_space<vmem>> -> memref<80x64xf32, #tpu.memory_space<vmem>>
    %dma_start3A_56 = arith.constant 160 : i32
    %dma_start3A_57 = tpu.memref_slice %arg5[%dma_start3A_56] : memref<10000xi32, #tpu.memory_space<vmem>> -> memref<80xi32, #tpu.memory_space<vmem>>
    %dma_start3A_58 = arith.constant 0 : i32
    %dma_start3A_59 = arith.constant 0 : i32
    %dma_start3A_60 = tpu.memref_slice %arg3[%dma_start3A_58, %dma_start3A_59] : memref<10240x64xf32, #tpu.memory_space<hbm>> -> memref<10240x64xf32, #tpu.memory_space<hbm>>
    tpu.enqueue_indirect_dma source(%dma_start3A_60 : memref<10240x64xf32, #tpu.memory_space<hbm>>) target(%dma_start3A_55 : memref<80x64xf32, #tpu.memory_space<vmem>>) offsets(%dma_start3A_57 : memref<80xi32, #tpu.memory_space<vmem>>) semaphore(%arg12 : memref<!tpu.dma_semaphore, #tpu.memory_space<semaphore_mem>>)
    %dma_start3A_61 = arith.constant 3 : i32
    %dma_start3A_62 = arith.constant 0 : i32
    %dma_start3A_63 = arith.constant 0 : i32
    %dma_start3A_64 = tpu.memref_slice %arg7[%dma_start3A_61, %dma_start3A_62, %dma_start3A_63] : memref<5x80x64xf32, #tpu.memory_space<vmem>> -> memref<1x80x64xf32, #tpu.memory_space<vmem>>
    %dma_start3A_65 = tpu.memref_squeeze %dma_start3A_64 : memref<1x80x64xf32, #tpu.memory_space<vmem>> -> memref<80x64xf32, #tpu.memory_space<vmem>>
    %dma_start3A_66 = arith.constant 240 : i32
    %dma_start3A_67 = tpu.memref_slice %arg5[%dma_start3A_66] : memref<10000xi32, #tpu.memory_space<vmem>> -> memref<80xi32, #tpu.memory_space<vmem>>
    %dma_start3A_68 = arith.constant 0 : i32
    %dma_start3A_69 = arith.constant 0 : i32
    %dma_start3A_70 = tpu.memref_slice %arg3[%dma_start3A_68, %dma_start3A_69] : memref<10240x64xf32, #tpu.memory_space<hbm>> -> memref<10240x64xf32, #tpu.memory_space<hbm>>
    tpu.enqueue_indirect_dma source(%dma_start3A_70 : memref<10240x64xf32, #tpu.memory_space<hbm>>) target(%dma_start3A_65 : memref<80x64xf32, #tpu.memory_space<vmem>>) offsets(%dma_start3A_67 : memref<80xi32, #tpu.memory_space<vmem>>) semaphore(%arg13 : memref<!tpu.dma_semaphore, #tpu.memory_space<semaphore_mem>>)
    %dma_start3A_71 = arith.constant 4 : i32
    %dma_start3A_72 = arith.constant 0 : i32
    %dma_start3A_73 = arith.constant 0 : i32
    %dma_start3A_74 = tpu.memref_slice %arg7[%dma_start3A_71, %dma_start3A_72, %dma_start3A_73] : memref<5x80x64xf32, #tpu.memory_space<vmem>> -> memref<1x80x64xf32, #tpu.memory_space<vmem>>
    %dma_start3A_75 = tpu.memref_squeeze %dma_start3A_74 : memref<1x80x64xf32, #tpu.memory_space<vmem>> -> memref<80x64xf32, #tpu.memory_space<vmem>>
    %dma_start3A_76 = arith.constant 320 : i32
    %dma_start3A_77 = tpu.memref_slice %arg5[%dma_start3A_76] : memref<10000xi32, #tpu.memory_space<vmem>> -> memref<80xi32, #tpu.memory_space<vmem>>
    %dma_start3A_78 = arith.constant 0 : i32
    %dma_start3A_79 = arith.constant 0 : i32
    %dma_start3A_80 = tpu.memref_slice %arg3[%dma_start3A_78, %dma_start3A_79] : memref<10240x64xf32, #tpu.memory_space<hbm>> -> memref<10240x64xf32, #tpu.memory_space<hbm>>
    tpu.enqueue_indirect_dma source(%dma_start3A_80 : memref<10240x64xf32, #tpu.memory_space<hbm>>) target(%dma_start3A_75 : memref<80x64xf32, #tpu.memory_space<vmem>>) offsets(%dma_start3A_77 : memref<80xi32, #tpu.memory_space<vmem>>) semaphore(%arg14 : memref<!tpu.dma_semaphore, #tpu.memory_space<semaphore_mem>>)
    %scan3A_81 = arith.constant 0 : i32
    %scan3A_82 = arith.constant 0 : i32
    %scan3A_83 = arith.constant 25 : i32
    %scan3A_84 = arith.addi %scan3A_82, %scan3A_83 : i32
    %scan3A_85 = arith.constant 1 : i32
    scf.for %scan3A_141 = %scan3A_82 to %scan3A_84 step %scan3A_85  : i32 {
      %mul3A_142 = arith.constant 5 : i32
      %mul3A_143 = arith.muli %mul3A_142, %scan3A_141 : i32
      %dma_wait3A_144 = arith.constant 0 : i32
      %dma_wait3A_145 = arith.constant 0 : i32
      %dma_wait3A_146 = arith.constant 0 : i32
      %dma_wait3A_147 = tpu.memref_slice %arg7[%dma_wait3A_144, %dma_wait3A_145, %dma_wait3A_146] : memref<5x80x64xf32, #tpu.memory_space<vmem>> -> memref<1x80x64xf32, #tpu.memory_space<vmem>>
      %dma_wait3A_148 = tpu.memref_squeeze %dma_wait3A_147 : memref<1x80x64xf32, #tpu.memory_space<vmem>> -> memref<80x64xf32, #tpu.memory_space<vmem>>
      %dma_wait3A_149 = arith.constant 0 : i32
      %dma_wait3A_150 = tpu.memref_slice %arg5[%dma_wait3A_149] : memref<10000xi32, #tpu.memory_space<vmem>> -> memref<80xi32, #tpu.memory_space<vmem>>
      %dma_wait3A_151 = arith.constant 0 : i32
      %dma_wait3A_152 = arith.constant 0 : i32
      %dma_wait3A_153 = tpu.memref_slice %arg3[%dma_wait3A_151, %dma_wait3A_152] : memref<10240x64xf32, #tpu.memory_space<hbm>> -> memref<10240x64xf32, #tpu.memory_space<hbm>>
      tpu.wait_indirect_dma semaphore(%arg10 : memref<!tpu.dma_semaphore, #tpu.memory_space<semaphore_mem>>) src(%dma_wait3A_153 : memref<10240x64xf32, #tpu.memory_space<hbm>>) dst(%dma_wait3A_148 : memref<80x64xf32, #tpu.memory_space<vmem>>)
      %add3A_154 = arith.constant 0 : i32
      %add3A_155 = arith.addi %mul3A_143, %add3A_154 : i32
      %mul3A_156 = arith.constant 80 : i32
      %mul3A_157 = arith.muli %add3A_155, %mul3A_156 : i32
      %dma_start3A_158 = arith.constant 0 : i32
      %dma_start3A_159 = arith.constant 0 : i32
      %dma_start3A_160 = arith.constant 0 : i32
      %dma_start3A_161 = tpu.memref_slice %arg7[%dma_start3A_158, %dma_start3A_159, %dma_start3A_160] : memref<5x80x64xf32, #tpu.memory_space<vmem>> -> memref<1x80x64xf32, #tpu.memory_space<vmem>>
      %dma_start3A_162 = tpu.memref_squeeze %dma_start3A_161 : memref<1x80x64xf32, #tpu.memory_space<vmem>> -> memref<80x64xf32, #tpu.memory_space<vmem>>
      %dma_start3A_163 = tpu.memref_slice %arg6[%mul3A_157] : memref<10000xi32, #tpu.memory_space<vmem>> -> memref<80xi32, #tpu.memory_space<vmem>>
      %dma_start3A_164 = arith.constant 0 : i32
      %dma_start3A_165 = arith.constant 0 : i32
      %dma_start3A_166 = tpu.memref_slice %arg9[%dma_start3A_164, %dma_start3A_165] : memref<10240x64xf32, #tpu.memory_space<vmem_shared>> -> memref<10240x64xf32, #tpu.memory_space<vmem_shared>>
      tpu.enqueue_indirect_dma source(%dma_start3A_162 : memref<80x64xf32, #tpu.memory_space<vmem>>) target(%dma_start3A_166 : memref<10240x64xf32, #tpu.memory_space<vmem_shared>>) offsets(%dma_start3A_163 : memref<80xi32, #tpu.memory_space<vmem>>) semaphore(%arg15 : memref<!tpu.dma_semaphore, #tpu.memory_space<semaphore_mem>>) {add = true}
      %dma_wait3A_167 = arith.constant 1 : i32
      %dma_wait3A_168 = arith.constant 0 : i32
      %dma_wait3A_169 = arith.constant 0 : i32
      %dma_wait3A_170 = tpu.memref_slice %arg7[%dma_wait3A_167, %dma_wait3A_168, %dma_wait3A_169] : memref<5x80x64xf32, #tpu.memory_space<vmem>> -> memref<1x80x64xf32, #tpu.memory_space<vmem>>
      %dma_wait3A_171 = tpu.memref_squeeze %dma_wait3A_170 : memref<1x80x64xf32, #tpu.memory_space<vmem>> -> memref<80x64xf32, #tpu.memory_space<vmem>>
      %dma_wait3A_172 = arith.constant 0 : i32
      %dma_wait3A_173 = tpu.memref_slice %arg5[%dma_wait3A_172] : memref<10000xi32, #tpu.memory_space<vmem>> -> memref<80xi32, #tpu.memory_space<vmem>>
      %dma_wait3A_174 = arith.constant 0 : i32
      %dma_wait3A_175 = arith.constant 0 : i32
      %dma_wait3A_176 = tpu.memref_slice %arg3[%dma_wait3A_174, %dma_wait3A_175] : memref<10240x64xf32, #tpu.memory_space<hbm>> -> memref<10240x64xf32, #tpu.memory_space<hbm>>
      tpu.wait_indirect_dma semaphore(%arg11 : memref<!tpu.dma_semaphore, #tpu.memory_space<semaphore_mem>>) src(%dma_wait3A_176 : memref<10240x64xf32, #tpu.memory_space<hbm>>) dst(%dma_wait3A_171 : memref<80x64xf32, #tpu.memory_space<vmem>>)
      %add3A_177 = arith.constant 1 : i32
      %add3A_178 = arith.addi %mul3A_143, %add3A_177 : i32
      %mul3A_179 = arith.constant 80 : i32
      %mul3A_180 = arith.muli %add3A_178, %mul3A_179 : i32
      %dma_start3A_181 = arith.constant 1 : i32
      %dma_start3A_182 = arith.constant 0 : i32
      %dma_start3A_183 = arith.constant 0 : i32
      %dma_start3A_184 = tpu.memref_slice %arg7[%dma_start3A_181, %dma_start3A_182, %dma_start3A_183] : memref<5x80x64xf32, #tpu.memory_space<vmem>> -> memref<1x80x64xf32, #tpu.memory_space<vmem>>
      %dma_start3A_185 = tpu.memref_squeeze %dma_start3A_184 : memref<1x80x64xf32, #tpu.memory_space<vmem>> -> memref<80x64xf32, #tpu.memory_space<vmem>>
      %dma_start3A_186 = tpu.memref_slice %arg6[%mul3A_180] : memref<10000xi32, #tpu.memory_space<vmem>> -> memref<80xi32, #tpu.memory_space<vmem>>
      %dma_start3A_187 = arith.constant 0 : i32
      %dma_start3A_188 = arith.constant 0 : i32
      %dma_start3A_189 = tpu.memref_slice %arg9[%dma_start3A_187, %dma_start3A_188] : memref<10240x64xf32, #tpu.memory_space<vmem_shared>> -> memref<10240x64xf32, #tpu.memory_space<vmem_shared>>
      tpu.enqueue_indirect_dma source(%dma_start3A_185 : memref<80x64xf32, #tpu.memory_space<vmem>>) target(%dma_start3A_189 : memref<10240x64xf32, #tpu.memory_space<vmem_shared>>) offsets(%dma_start3A_186 : memref<80xi32, #tpu.memory_space<vmem>>) semaphore(%arg16 : memref<!tpu.dma_semaphore, #tpu.memory_space<semaphore_mem>>) {add = true}
      %dma_wait3A_190 = arith.constant 2 : i32
      %dma_wait3A_191 = arith.constant 0 : i32
      %dma_wait3A_192 = arith.constant 0 : i32
      %dma_wait3A_193 = tpu.memref_slice %arg7[%dma_wait3A_190, %dma_wait3A_191, %dma_wait3A_192] : memref<5x80x64xf32, #tpu.memory_space<vmem>> -> memref<1x80x64xf32, #tpu.memory_space<vmem>>
      %dma_wait3A_194 = tpu.memref_squeeze %dma_wait3A_193 : memref<1x80x64xf32, #tpu.memory_space<vmem>> -> memref<80x64xf32, #tpu.memory_space<vmem>>
      %dma_wait3A_195 = arith.constant 0 : i32
      %dma_wait3A_196 = tpu.memref_slice %arg5[%dma_wait3A_195] : memref<10000xi32, #tpu.memory_space<vmem>> -> memref<80xi32, #tpu.memory_space<vmem>>
      %dma_wait3A_197 = arith.constant 0 : i32
      %dma_wait3A_198 = arith.constant 0 : i32
      %dma_wait3A_199 = tpu.memref_slice %arg3[%dma_wait3A_197, %dma_wait3A_198] : memref<10240x64xf32, #tpu.memory_space<hbm>> -> memref<10240x64xf32, #tpu.memory_space<hbm>>
      tpu.wait_indirect_dma semaphore(%arg12 : memref<!tpu.dma_semaphore, #tpu.memory_space<semaphore_mem>>) src(%dma_wait3A_199 : memref<10240x64xf32, #tpu.memory_space<hbm>>) dst(%dma_wait3A_194 : memref<80x64xf32, #tpu.memory_space<vmem>>)
      %add3A_200 = arith.constant 2 : i32
      %add3A_201 = arith.addi %mul3A_143, %add3A_200 : i32
      %mul3A_202 = arith.constant 80 : i32
      %mul3A_203 = arith.muli %add3A_201, %mul3A_202 : i32
      %dma_start3A_204 = arith.constant 2 : i32
      %dma_start3A_205 = arith.constant 0 : i32
      %dma_start3A_206 = arith.constant 0 : i32
      %dma_start3A_207 = tpu.memref_slice %arg7[%dma_start3A_204, %dma_start3A_205, %dma_start3A_206] : memref<5x80x64xf32, #tpu.memory_space<vmem>> -> memref<1x80x64xf32, #tpu.memory_space<vmem>>
      %dma_start3A_208 = tpu.memref_squeeze %dma_start3A_207 : memref<1x80x64xf32, #tpu.memory_space<vmem>> -> memref<80x64xf32, #tpu.memory_space<vmem>>
      %dma_start3A_209 = tpu.memref_slice %arg6[%mul3A_203] : memref<10000xi32, #tpu.memory_space<vmem>> -> memref<80xi32, #tpu.memory_space<vmem>>
      %dma_start3A_210 = arith.constant 0 : i32
      %dma_start3A_211 = arith.constant 0 : i32
      %dma_start3A_212 = tpu.memref_slice %arg9[%dma_start3A_210, %dma_start3A_211] : memref<10240x64xf32, #tpu.memory_space<vmem_shared>> -> memref<10240x64xf32, #tpu.memory_space<vmem_shared>>
      tpu.enqueue_indirect_dma source(%dma_start3A_208 : memref<80x64xf32, #tpu.memory_space<vmem>>) target(%dma_start3A_212 : memref<10240x64xf32, #tpu.memory_space<vmem_shared>>) offsets(%dma_start3A_209 : memref<80xi32, #tpu.memory_space<vmem>>) semaphore(%arg17 : memref<!tpu.dma_semaphore, #tpu.memory_space<semaphore_mem>>) {add = true}
      %dma_wait3A_213 = arith.constant 3 : i32
      %dma_wait3A_214 = arith.constant 0 : i32
      %dma_wait3A_215 = arith.constant 0 : i32
      %dma_wait3A_216 = tpu.memref_slice %arg7[%dma_wait3A_213, %dma_wait3A_214, %dma_wait3A_215] : memref<5x80x64xf32, #tpu.memory_space<vmem>> -> memref<1x80x64xf32, #tpu.memory_space<vmem>>
      %dma_wait3A_217 = tpu.memref_squeeze %dma_wait3A_216 : memref<1x80x64xf32, #tpu.memory_space<vmem>> -> memref<80x64xf32, #tpu.memory_space<vmem>>
      %dma_wait3A_218 = arith.constant 0 : i32
      %dma_wait3A_219 = tpu.memref_slice %arg5[%dma_wait3A_218] : memref<10000xi32, #tpu.memory_space<vmem>> -> memref<80xi32, #tpu.memory_space<vmem>>
      %dma_wait3A_220 = arith.constant 0 : i32
      %dma_wait3A_221 = arith.constant 0 : i32
      %dma_wait3A_222 = tpu.memref_slice %arg3[%dma_wait3A_220, %dma_wait3A_221] : memref<10240x64xf32, #tpu.memory_space<hbm>> -> memref<10240x64xf32, #tpu.memory_space<hbm>>
      tpu.wait_indirect_dma semaphore(%arg13 : memref<!tpu.dma_semaphore, #tpu.memory_space<semaphore_mem>>) src(%dma_wait3A_222 : memref<10240x64xf32, #tpu.memory_space<hbm>>) dst(%dma_wait3A_217 : memref<80x64xf32, #tpu.memory_space<vmem>>)
      %add3A_223 = arith.constant 3 : i32
      %add3A_224 = arith.addi %mul3A_143, %add3A_223 : i32
      %mul3A_225 = arith.constant 80 : i32
      %mul3A_226 = arith.muli %add3A_224, %mul3A_225 : i32
      %dma_start3A_227 = arith.constant 3 : i32
      %dma_start3A_228 = arith.constant 0 : i32
      %dma_start3A_229 = arith.constant 0 : i32
      %dma_start3A_230 = tpu.memref_slice %arg7[%dma_start3A_227, %dma_start3A_228, %dma_start3A_229] : memref<5x80x64xf32, #tpu.memory_space<vmem>> -> memref<1x80x64xf32, #tpu.memory_space<vmem>>
      %dma_start3A_231 = tpu.memref_squeeze %dma_start3A_230 : memref<1x80x64xf32, #tpu.memory_space<vmem>> -> memref<80x64xf32, #tpu.memory_space<vmem>>
      %dma_start3A_232 = tpu.memref_slice %arg6[%mul3A_226] : memref<10000xi32, #tpu.memory_space<vmem>> -> memref<80xi32, #tpu.memory_space<vmem>>
      %dma_start3A_233 = arith.constant 0 : i32
      %dma_start3A_234 = arith.constant 0 : i32
      %dma_start3A_235 = tpu.memref_slice %arg9[%dma_start3A_233, %dma_start3A_234] : memref<10240x64xf32, #tpu.memory_space<vmem_shared>> -> memref<10240x64xf32, #tpu.memory_space<vmem_shared>>
      tpu.enqueue_indirect_dma source(%dma_start3A_231 : memref<80x64xf32, #tpu.memory_space<vmem>>) target(%dma_start3A_235 : memref<10240x64xf32, #tpu.memory_space<vmem_shared>>) offsets(%dma_start3A_232 : memref<80xi32, #tpu.memory_space<vmem>>) semaphore(%arg18 : memref<!tpu.dma_semaphore, #tpu.memory_space<semaphore_mem>>) {add = true}
      %dma_wait3A_236 = arith.constant 4 : i32
      %dma_wait3A_237 = arith.constant 0 : i32
      %dma_wait3A_238 = arith.constant 0 : i32
      %dma_wait3A_239 = tpu.memref_slice %arg7[%dma_wait3A_236, %dma_wait3A_237, %dma_wait3A_238] : memref<5x80x64xf32, #tpu.memory_space<vmem>> -> memref<1x80x64xf32, #tpu.memory_space<vmem>>
      %dma_wait3A_240 = tpu.memref_squeeze %dma_wait3A_239 : memref<1x80x64xf32, #tpu.memory_space<vmem>> -> memref<80x64xf32, #tpu.memory_space<vmem>>
      %dma_wait3A_241 = arith.constant 0 : i32
      %dma_wait3A_242 = tpu.memref_slice %arg5[%dma_wait3A_241] : memref<10000xi32, #tpu.memory_space<vmem>> -> memref<80xi32, #tpu.memory_space<vmem>>
      %dma_wait3A_243 = arith.constant 0 : i32
      %dma_wait3A_244 = arith.constant 0 : i32
      %dma_wait3A_245 = tpu.memref_slice %arg3[%dma_wait3A_243, %dma_wait3A_244] : memref<10240x64xf32, #tpu.memory_space<hbm>> -> memref<10240x64xf32, #tpu.memory_space<hbm>>
      tpu.wait_indirect_dma semaphore(%arg14 : memref<!tpu.dma_semaphore, #tpu.memory_space<semaphore_mem>>) src(%dma_wait3A_245 : memref<10240x64xf32, #tpu.memory_space<hbm>>) dst(%dma_wait3A_240 : memref<80x64xf32, #tpu.memory_space<vmem>>)
      %add3A_246 = arith.constant 4 : i32
      %add3A_247 = arith.addi %mul3A_143, %add3A_246 : i32
      %mul3A_248 = arith.constant 80 : i32
      %mul3A_249 = arith.muli %add3A_247, %mul3A_248 : i32
      %dma_start3A_250 = arith.constant 4 : i32
      %dma_start3A_251 = arith.constant 0 : i32
      %dma_start3A_252 = arith.constant 0 : i32
      %dma_start3A_253 = tpu.memref_slice %arg7[%dma_start3A_250, %dma_start3A_251, %dma_start3A_252] : memref<5x80x64xf32, #tpu.memory_space<vmem>> -> memref<1x80x64xf32, #tpu.memory_space<vmem>>
      %dma_start3A_254 = tpu.memref_squeeze %dma_start3A_253 : memref<1x80x64xf32, #tpu.memory_space<vmem>> -> memref<80x64xf32, #tpu.memory_space<vmem>>
      %dma_start3A_255 = tpu.memref_slice %arg6[%mul3A_249] : memref<10000xi32, #tpu.memory_space<vmem>> -> memref<80xi32, #tpu.memory_space<vmem>>
      %dma_start3A_256 = arith.constant 0 : i32
      %dma_start3A_257 = arith.constant 0 : i32
      %dma_start3A_258 = tpu.memref_slice %arg9[%dma_start3A_256, %dma_start3A_257] : memref<10240x64xf32, #tpu.memory_space<vmem_shared>> -> memref<10240x64xf32, #tpu.memory_space<vmem_shared>>
      tpu.enqueue_indirect_dma source(%dma_start3A_254 : memref<80x64xf32, #tpu.memory_space<vmem>>) target(%dma_start3A_258 : memref<10240x64xf32, #tpu.memory_space<vmem_shared>>) offsets(%dma_start3A_255 : memref<80xi32, #tpu.memory_space<vmem>>) semaphore(%arg19 : memref<!tpu.dma_semaphore, #tpu.memory_space<semaphore_mem>>) {add = true}
      %lt3A = arith.constant 24 : i32
      %lt3A_259 = arith.cmpi slt, %scan3A_141, %lt3A : i32
      %convert_element_type3A = arith.extui %lt3A_259 : i1 to i32
      %cond3A = arith.constant 0 : i32
      %cond3A_260 = arith.cmpi ne, %convert_element_type3A, %cond3A : i32
      scf.if %cond3A_260 {
        %dma_wait3A_261 = arith.constant 0 : i32
        %dma_wait3A_262 = arith.constant 0 : i32
        %dma_wait3A_263 = arith.constant 0 : i32
        %dma_wait3A_264 = tpu.memref_slice %arg7[%dma_wait3A_261, %dma_wait3A_262, %dma_wait3A_263] : memref<5x80x64xf32, #tpu.memory_space<vmem>> -> memref<1x80x64xf32, #tpu.memory_space<vmem>>
        %dma_wait3A_265 = tpu.memref_squeeze %dma_wait3A_264 : memref<1x80x64xf32, #tpu.memory_space<vmem>> -> memref<80x64xf32, #tpu.memory_space<vmem>>
        %dma_wait3A_266 = arith.constant 0 : i32
        %dma_wait3A_267 = tpu.memref_slice %arg6[%dma_wait3A_266] : memref<10000xi32, #tpu.memory_space<vmem>> -> memref<80xi32, #tpu.memory_space<vmem>>
        %dma_wait3A_268 = arith.constant 0 : i32
        %dma_wait3A_269 = arith.constant 0 : i32
        %dma_wait3A_270 = tpu.memref_slice %arg9[%dma_wait3A_268, %dma_wait3A_269] : memref<10240x64xf32, #tpu.memory_space<vmem_shared>> -> memref<10240x64xf32, #tpu.memory_space<vmem_shared>>
        tpu.wait_indirect_dma semaphore(%arg15 : memref<!tpu.dma_semaphore, #tpu.memory_space<semaphore_mem>>) src(%dma_wait3A_265 : memref<80x64xf32, #tpu.memory_space<vmem>>) dst(%dma_wait3A_270 : memref<10240x64xf32, #tpu.memory_space<vmem_shared>>)
        %add3A_271 = arith.constant 5 : i32
        %add3A_272 = arith.addi %mul3A_143, %add3A_271 : i32
        %add3A_273 = arith.constant 0 : i32
        %add3A_274 = arith.addi %add3A_272, %add3A_273 : i32
        %mul3A_275 = arith.constant 80 : i32
        %mul3A_276 = arith.muli %add3A_274, %mul3A_275 : i32
        %dma_start3A_277 = arith.constant 0 : i32
        %dma_start3A_278 = arith.constant 0 : i32
        %dma_start3A_279 = arith.constant 0 : i32
        %dma_start3A_280 = tpu.memref_slice %arg7[%dma_start3A_277, %dma_start3A_278, %dma_start3A_279] : memref<5x80x64xf32, #tpu.memory_space<vmem>> -> memref<1x80x64xf32, #tpu.memory_space<vmem>>
        %dma_start3A_281 = tpu.memref_squeeze %dma_start3A_280 : memref<1x80x64xf32, #tpu.memory_space<vmem>> -> memref<80x64xf32, #tpu.memory_space<vmem>>
        %dma_start3A_282 = tpu.memref_slice %arg5[%mul3A_276] : memref<10000xi32, #tpu.memory_space<vmem>> -> memref<80xi32, #tpu.memory_space<vmem>>
        %dma_start3A_283 = arith.constant 0 : i32
        %dma_start3A_284 = arith.constant 0 : i32
        %dma_start3A_285 = tpu.memref_slice %arg3[%dma_start3A_283, %dma_start3A_284] : memref<10240x64xf32, #tpu.memory_space<hbm>> -> memref<10240x64xf32, #tpu.memory_space<hbm>>
        tpu.enqueue_indirect_dma source(%dma_start3A_285 : memref<10240x64xf32, #tpu.memory_space<hbm>>) target(%dma_start3A_281 : memref<80x64xf32, #tpu.memory_space<vmem>>) offsets(%dma_start3A_282 : memref<80xi32, #tpu.memory_space<vmem>>) semaphore(%arg10 : memref<!tpu.dma_semaphore, #tpu.memory_space<semaphore_mem>>)
        %dma_wait3A_286 = arith.constant 1 : i32
        %dma_wait3A_287 = arith.constant 0 : i32
        %dma_wait3A_288 = arith.constant 0 : i32
        %dma_wait3A_289 = tpu.memref_slice %arg7[%dma_wait3A_286, %dma_wait3A_287, %dma_wait3A_288] : memref<5x80x64xf32, #tpu.memory_space<vmem>> -> memref<1x80x64xf32, #tpu.memory_space<vmem>>
        %dma_wait3A_290 = tpu.memref_squeeze %dma_wait3A_289 : memref<1x80x64xf32, #tpu.memory_space<vmem>> -> memref<80x64xf32, #tpu.memory_space<vmem>>
        %dma_wait3A_291 = arith.constant 0 : i32
        %dma_wait3A_292 = tpu.memref_slice %arg6[%dma_wait3A_291] : memref<10000xi32, #tpu.memory_space<vmem>> -> memref<80xi32, #tpu.memory_space<vmem>>
        %dma_wait3A_293 = arith.constant 0 : i32
        %dma_wait3A_294 = arith.constant 0 : i32
        %dma_wait3A_295 = tpu.memref_slice %arg9[%dma_wait3A_293, %dma_wait3A_294] : memref<10240x64xf32, #tpu.memory_space<vmem_shared>> -> memref<10240x64xf32, #tpu.memory_space<vmem_shared>>
        tpu.wait_indirect_dma semaphore(%arg16 : memref<!tpu.dma_semaphore, #tpu.memory_space<semaphore_mem>>) src(%dma_wait3A_290 : memref<80x64xf32, #tpu.memory_space<vmem>>) dst(%dma_wait3A_295 : memref<10240x64xf32, #tpu.memory_space<vmem_shared>>)
        %add3A_296 = arith.constant 5 : i32
        %add3A_297 = arith.addi %mul3A_143, %add3A_296 : i32
        %add3A_298 = arith.constant 1 : i32
        %add3A_299 = arith.addi %add3A_297, %add3A_298 : i32
        %mul3A_300 = arith.constant 80 : i32
        %mul3A_301 = arith.muli %add3A_299, %mul3A_300 : i32
        %dma_start3A_302 = arith.constant 1 : i32
        %dma_start3A_303 = arith.constant 0 : i32
        %dma_start3A_304 = arith.constant 0 : i32
        %dma_start3A_305 = tpu.memref_slice %arg7[%dma_start3A_302, %dma_start3A_303, %dma_start3A_304] : memref<5x80x64xf32, #tpu.memory_space<vmem>> -> memref<1x80x64xf32, #tpu.memory_space<vmem>>
        %dma_start3A_306 = tpu.memref_squeeze %dma_start3A_305 : memref<1x80x64xf32, #tpu.memory_space<vmem>> -> memref<80x64xf32, #tpu.memory_space<vmem>>
        %dma_start3A_307 = tpu.memref_slice %arg5[%mul3A_301] : memref<10000xi32, #tpu.memory_space<vmem>> -> memref<80xi32, #tpu.memory_space<vmem>>
        %dma_start3A_308 = arith.constant 0 : i32
        %dma_start3A_309 = arith.constant 0 : i32
        %dma_start3A_310 = tpu.memref_slice %arg3[%dma_start3A_308, %dma_start3A_309] : memref<10240x64xf32, #tpu.memory_space<hbm>> -> memref<10240x64xf32, #tpu.memory_space<hbm>>
        tpu.enqueue_indirect_dma source(%dma_start3A_310 : memref<10240x64xf32, #tpu.memory_space<hbm>>) target(%dma_start3A_306 : memref<80x64xf32, #tpu.memory_space<vmem>>) offsets(%dma_start3A_307 : memref<80xi32, #tpu.memory_space<vmem>>) semaphore(%arg11 : memref<!tpu.dma_semaphore, #tpu.memory_space<semaphore_mem>>)
        %dma_wait3A_311 = arith.constant 2 : i32
        %dma_wait3A_312 = arith.constant 0 : i32
        %dma_wait3A_313 = arith.constant 0 : i32
        %dma_wait3A_314 = tpu.memref_slice %arg7[%dma_wait3A_311, %dma_wait3A_312, %dma_wait3A_313] : memref<5x80x64xf32, #tpu.memory_space<vmem>> -> memref<1x80x64xf32, #tpu.memory_space<vmem>>
        %dma_wait3A_315 = tpu.memref_squeeze %dma_wait3A_314 : memref<1x80x64xf32, #tpu.memory_space<vmem>> -> memref<80x64xf32, #tpu.memory_space<vmem>>
        %dma_wait3A_316 = arith.constant 0 : i32
        %dma_wait3A_317 = tpu.memref_slice %arg6[%dma_wait3A_316] : memref<10000xi32, #tpu.memory_space<vmem>> -> memref<80xi32, #tpu.memory_space<vmem>>
        %dma_wait3A_318 = arith.constant 0 : i32
        %dma_wait3A_319 = arith.constant 0 : i32
        %dma_wait3A_320 = tpu.memref_slice %arg9[%dma_wait3A_318, %dma_wait3A_319] : memref<10240x64xf32, #tpu.memory_space<vmem_shared>> -> memref<10240x64xf32, #tpu.memory_space<vmem_shared>>
        tpu.wait_indirect_dma semaphore(%arg17 : memref<!tpu.dma_semaphore, #tpu.memory_space<semaphore_mem>>) src(%dma_wait3A_315 : memref<80x64xf32, #tpu.memory_space<vmem>>) dst(%dma_wait3A_320 : memref<10240x64xf32, #tpu.memory_space<vmem_shared>>)
        %add3A_321 = arith.constant 5 : i32
        %add3A_322 = arith.addi %mul3A_143, %add3A_321 : i32
        %add3A_323 = arith.constant 2 : i32
        %add3A_324 = arith.addi %add3A_322, %add3A_323 : i32
        %mul3A_325 = arith.constant 80 : i32
        %mul3A_326 = arith.muli %add3A_324, %mul3A_325 : i32
        %dma_start3A_327 = arith.constant 2 : i32
        %dma_start3A_328 = arith.constant 0 : i32
        %dma_start3A_329 = arith.constant 0 : i32
        %dma_start3A_330 = tpu.memref_slice %arg7[%dma_start3A_327, %dma_start3A_328, %dma_start3A_329] : memref<5x80x64xf32, #tpu.memory_space<vmem>> -> memref<1x80x64xf32, #tpu.memory_space<vmem>>
        %dma_start3A_331 = tpu.memref_squeeze %dma_start3A_330 : memref<1x80x64xf32, #tpu.memory_space<vmem>> -> memref<80x64xf32, #tpu.memory_space<vmem>>
        %dma_start3A_332 = tpu.memref_slice %arg5[%mul3A_326] : memref<10000xi32, #tpu.memory_space<vmem>> -> memref<80xi32, #tpu.memory_space<vmem>>
        %dma_start3A_333 = arith.constant 0 : i32
        %dma_start3A_334 = arith.constant 0 : i32
        %dma_start3A_335 = tpu.memref_slice %arg3[%dma_start3A_333, %dma_start3A_334] : memref<10240x64xf32, #tpu.memory_space<hbm>> -> memref<10240x64xf32, #tpu.memory_space<hbm>>
        tpu.enqueue_indirect_dma source(%dma_start3A_335 : memref<10240x64xf32, #tpu.memory_space<hbm>>) target(%dma_start3A_331 : memref<80x64xf32, #tpu.memory_space<vmem>>) offsets(%dma_start3A_332 : memref<80xi32, #tpu.memory_space<vmem>>) semaphore(%arg12 : memref<!tpu.dma_semaphore, #tpu.memory_space<semaphore_mem>>)
        %dma_wait3A_336 = arith.constant 3 : i32
        %dma_wait3A_337 = arith.constant 0 : i32
        %dma_wait3A_338 = arith.constant 0 : i32
        %dma_wait3A_339 = tpu.memref_slice %arg7[%dma_wait3A_336, %dma_wait3A_337, %dma_wait3A_338] : memref<5x80x64xf32, #tpu.memory_space<vmem>> -> memref<1x80x64xf32, #tpu.memory_space<vmem>>
        %dma_wait3A_340 = tpu.memref_squeeze %dma_wait3A_339 : memref<1x80x64xf32, #tpu.memory_space<vmem>> -> memref<80x64xf32, #tpu.memory_space<vmem>>
        %dma_wait3A_341 = arith.constant 0 : i32
        %dma_wait3A_342 = tpu.memref_slice %arg6[%dma_wait3A_341] : memref<10000xi32, #tpu.memory_space<vmem>> -> memref<80xi32, #tpu.memory_space<vmem>>
        %dma_wait3A_343 = arith.constant 0 : i32
        %dma_wait3A_344 = arith.constant 0 : i32
        %dma_wait3A_345 = tpu.memref_slice %arg9[%dma_wait3A_343, %dma_wait3A_344] : memref<10240x64xf32, #tpu.memory_space<vmem_shared>> -> memref<10240x64xf32, #tpu.memory_space<vmem_shared>>
        tpu.wait_indirect_dma semaphore(%arg18 : memref<!tpu.dma_semaphore, #tpu.memory_space<semaphore_mem>>) src(%dma_wait3A_340 : memref<80x64xf32, #tpu.memory_space<vmem>>) dst(%dma_wait3A_345 : memref<10240x64xf32, #tpu.memory_space<vmem_shared>>)
        %add3A_346 = arith.constant 5 : i32
        %add3A_347 = arith.addi %mul3A_143, %add3A_346 : i32
        %add3A_348 = arith.constant 3 : i32
        %add3A_349 = arith.addi %add3A_347, %add3A_348 : i32
        %mul3A_350 = arith.constant 80 : i32
        %mul3A_351 = arith.muli %add3A_349, %mul3A_350 : i32
        %dma_start3A_352 = arith.constant 3 : i32
        %dma_start3A_353 = arith.constant 0 : i32
        %dma_start3A_354 = arith.constant 0 : i32
        %dma_start3A_355 = tpu.memref_slice %arg7[%dma_start3A_352, %dma_start3A_353, %dma_start3A_354] : memref<5x80x64xf32, #tpu.memory_space<vmem>> -> memref<1x80x64xf32, #tpu.memory_space<vmem>>
        %dma_start3A_356 = tpu.memref_squeeze %dma_start3A_355 : memref<1x80x64xf32, #tpu.memory_space<vmem>> -> memref<80x64xf32, #tpu.memory_space<vmem>>
        %dma_start3A_357 = tpu.memref_slice %arg5[%mul3A_351] : memref<10000xi32, #tpu.memory_space<vmem>> -> memref<80xi32, #tpu.memory_space<vmem>>
        %dma_start3A_358 = arith.constant 0 : i32
        %dma_start3A_359 = arith.constant 0 : i32
        %dma_start3A_360 = tpu.memref_slice %arg3[%dma_start3A_358, %dma_start3A_359] : memref<10240x64xf32, #tpu.memory_space<hbm>> -> memref<10240x64xf32, #tpu.memory_space<hbm>>
        tpu.enqueue_indirect_dma source(%dma_start3A_360 : memref<10240x64xf32, #tpu.memory_space<hbm>>) target(%dma_start3A_356 : memref<80x64xf32, #tpu.memory_space<vmem>>) offsets(%dma_start3A_357 : memref<80xi32, #tpu.memory_space<vmem>>) semaphore(%arg13 : memref<!tpu.dma_semaphore, #tpu.memory_space<semaphore_mem>>)
        %dma_wait3A_361 = arith.constant 4 : i32
        %dma_wait3A_362 = arith.constant 0 : i32
        %dma_wait3A_363 = arith.constant 0 : i32
        %dma_wait3A_364 = tpu.memref_slice %arg7[%dma_wait3A_361, %dma_wait3A_362, %dma_wait3A_363] : memref<5x80x64xf32, #tpu.memory_space<vmem>> -> memref<1x80x64xf32, #tpu.memory_space<vmem>>
        %dma_wait3A_365 = tpu.memref_squeeze %dma_wait3A_364 : memref<1x80x64xf32, #tpu.memory_space<vmem>> -> memref<80x64xf32, #tpu.memory_space<vmem>>
        %dma_wait3A_366 = arith.constant 0 : i32
        %dma_wait3A_367 = tpu.memref_slice %arg6[%dma_wait3A_366] : memref<10000xi32, #tpu.memory_space<vmem>> -> memref<80xi32, #tpu.memory_space<vmem>>
        %dma_wait3A_368 = arith.constant 0 : i32
        %dma_wait3A_369 = arith.constant 0 : i32
        %dma_wait3A_370 = tpu.memref_slice %arg9[%dma_wait3A_368, %dma_wait3A_369] : memref<10240x64xf32, #tpu.memory_space<vmem_shared>> -> memref<10240x64xf32, #tpu.memory_space<vmem_shared>>
        tpu.wait_indirect_dma semaphore(%arg19 : memref<!tpu.dma_semaphore, #tpu.memory_space<semaphore_mem>>) src(%dma_wait3A_365 : memref<80x64xf32, #tpu.memory_space<vmem>>) dst(%dma_wait3A_370 : memref<10240x64xf32, #tpu.memory_space<vmem_shared>>)
        %add3A_371 = arith.constant 5 : i32
        %add3A_372 = arith.addi %mul3A_143, %add3A_371 : i32
        %add3A_373 = arith.constant 4 : i32
        %add3A_374 = arith.addi %add3A_372, %add3A_373 : i32
        %mul3A_375 = arith.constant 80 : i32
        %mul3A_376 = arith.muli %add3A_374, %mul3A_375 : i32
        %dma_start3A_377 = arith.constant 4 : i32
        %dma_start3A_378 = arith.constant 0 : i32
        %dma_start3A_379 = arith.constant 0 : i32
        %dma_start3A_380 = tpu.memref_slice %arg7[%dma_start3A_377, %dma_start3A_378, %dma_start3A_379] : memref<5x80x64xf32, #tpu.memory_space<vmem>> -> memref<1x80x64xf32, #tpu.memory_space<vmem>>
        %dma_start3A_381 = tpu.memref_squeeze %dma_start3A_380 : memref<1x80x64xf32, #tpu.memory_space<vmem>> -> memref<80x64xf32, #tpu.memory_space<vmem>>
        %dma_start3A_382 = tpu.memref_slice %arg5[%mul3A_376] : memref<10000xi32, #tpu.memory_space<vmem>> -> memref<80xi32, #tpu.memory_space<vmem>>
        %dma_start3A_383 = arith.constant 0 : i32
        %dma_start3A_384 = arith.constant 0 : i32
        %dma_start3A_385 = tpu.memref_slice %arg3[%dma_start3A_383, %dma_start3A_384] : memref<10240x64xf32, #tpu.memory_space<hbm>> -> memref<10240x64xf32, #tpu.memory_space<hbm>>
        tpu.enqueue_indirect_dma source(%dma_start3A_385 : memref<10240x64xf32, #tpu.memory_space<hbm>>) target(%dma_start3A_381 : memref<80x64xf32, #tpu.memory_space<vmem>>) offsets(%dma_start3A_382 : memref<80xi32, #tpu.memory_space<vmem>>) semaphore(%arg14 : memref<!tpu.dma_semaphore, #tpu.memory_space<semaphore_mem>>)
      } else {
      }
    }
    %scan3A_86 = arith.constant 25 : i32
    %dma_wait3A = arith.constant 0 : i32
    %dma_wait3A_87 = arith.constant 0 : i32
    %dma_wait3A_88 = arith.constant 0 : i32
    %dma_wait3A_89 = tpu.memref_slice %arg7[%dma_wait3A, %dma_wait3A_87, %dma_wait3A_88] : memref<5x80x64xf32, #tpu.memory_space<vmem>> -> memref<1x80x64xf32, #tpu.memory_space<vmem>>
    %dma_wait3A_90 = tpu.memref_squeeze %dma_wait3A_89 : memref<1x80x64xf32, #tpu.memory_space<vmem>> -> memref<80x64xf32, #tpu.memory_space<vmem>>
    %dma_wait3A_91 = arith.constant 0 : i32
    %dma_wait3A_92 = tpu.memref_slice %arg6[%dma_wait3A_91] : memref<10000xi32, #tpu.memory_space<vmem>> -> memref<80xi32, #tpu.memory_space<vmem>>
    %dma_wait3A_93 = arith.constant 0 : i32
    %dma_wait3A_94 = arith.constant 0 : i32
    %dma_wait3A_95 = tpu.memref_slice %arg9[%dma_wait3A_93, %dma_wait3A_94] : memref<10240x64xf32, #tpu.memory_space<vmem_shared>> -> memref<10240x64xf32, #tpu.memory_space<vmem_shared>>
    tpu.wait_indirect_dma semaphore(%arg15 : memref<!tpu.dma_semaphore, #tpu.memory_space<semaphore_mem>>) src(%dma_wait3A_90 : memref<80x64xf32, #tpu.memory_space<vmem>>) dst(%dma_wait3A_95 : memref<10240x64xf32, #tpu.memory_space<vmem_shared>>)
    %dma_wait3A_96 = arith.constant 1 : i32
    %dma_wait3A_97 = arith.constant 0 : i32
    %dma_wait3A_98 = arith.constant 0 : i32
    %dma_wait3A_99 = tpu.memref_slice %arg7[%dma_wait3A_96, %dma_wait3A_97, %dma_wait3A_98] : memref<5x80x64xf32, #tpu.memory_space<vmem>> -> memref<1x80x64xf32, #tpu.memory_space<vmem>>
    %dma_wait3A_100 = tpu.memref_squeeze %dma_wait3A_99 : memref<1x80x64xf32, #tpu.memory_space<vmem>> -> memref<80x64xf32, #tpu.memory_space<vmem>>
    %dma_wait3A_101 = arith.constant 0 : i32
    %dma_wait3A_102 = tpu.memref_slice %arg6[%dma_wait3A_101] : memref<10000xi32, #tpu.memory_space<vmem>> -> memref<80xi32, #tpu.memory_space<vmem>>
    %dma_wait3A_103 = arith.constant 0 : i32
    %dma_wait3A_104 = arith.constant 0 : i32
    %dma_wait3A_105 = tpu.memref_slice %arg9[%dma_wait3A_103, %dma_wait3A_104] : memref<10240x64xf32, #tpu.memory_space<vmem_shared>> -> memref<10240x64xf32, #tpu.memory_space<vmem_shared>>
    tpu.wait_indirect_dma semaphore(%arg16 : memref<!tpu.dma_semaphore, #tpu.memory_space<semaphore_mem>>) src(%dma_wait3A_100 : memref<80x64xf32, #tpu.memory_space<vmem>>) dst(%dma_wait3A_105 : memref<10240x64xf32, #tpu.memory_space<vmem_shared>>)
    %dma_wait3A_106 = arith.constant 2 : i32
    %dma_wait3A_107 = arith.constant 0 : i32
    %dma_wait3A_108 = arith.constant 0 : i32
    %dma_wait3A_109 = tpu.memref_slice %arg7[%dma_wait3A_106, %dma_wait3A_107, %dma_wait3A_108] : memref<5x80x64xf32, #tpu.memory_space<vmem>> -> memref<1x80x64xf32, #tpu.memory_space<vmem>>
    %dma_wait3A_110 = tpu.memref_squeeze %dma_wait3A_109 : memref<1x80x64xf32, #tpu.memory_space<vmem>> -> memref<80x64xf32, #tpu.memory_space<vmem>>
    %dma_wait3A_111 = arith.constant 0 : i32
    %dma_wait3A_112 = tpu.memref_slice %arg6[%dma_wait3A_111] : memref<10000xi32, #tpu.memory_space<vmem>> -> memref<80xi32, #tpu.memory_space<vmem>>
    %dma_wait3A_113 = arith.constant 0 : i32
    %dma_wait3A_114 = arith.constant 0 : i32
    %dma_wait3A_115 = tpu.memref_slice %arg9[%dma_wait3A_113, %dma_wait3A_114] : memref<10240x64xf32, #tpu.memory_space<vmem_shared>> -> memref<10240x64xf32, #tpu.memory_space<vmem_shared>>
    tpu.wait_indirect_dma semaphore(%arg17 : memref<!tpu.dma_semaphore, #tpu.memory_space<semaphore_mem>>) src(%dma_wait3A_110 : memref<80x64xf32, #tpu.memory_space<vmem>>) dst(%dma_wait3A_115 : memref<10240x64xf32, #tpu.memory_space<vmem_shared>>)
    %dma_wait3A_116 = arith.constant 3 : i32
    %dma_wait3A_117 = arith.constant 0 : i32
    %dma_wait3A_118 = arith.constant 0 : i32
    %dma_wait3A_119 = tpu.memref_slice %arg7[%dma_wait3A_116, %dma_wait3A_117, %dma_wait3A_118] : memref<5x80x64xf32, #tpu.memory_space<vmem>> -> memref<1x80x64xf32, #tpu.memory_space<vmem>>
    %dma_wait3A_120 = tpu.memref_squeeze %dma_wait3A_119 : memref<1x80x64xf32, #tpu.memory_space<vmem>> -> memref<80x64xf32, #tpu.memory_space<vmem>>
    %dma_wait3A_121 = arith.constant 0 : i32
    %dma_wait3A_122 = tpu.memref_slice %arg6[%dma_wait3A_121] : memref<10000xi32, #tpu.memory_space<vmem>> -> memref<80xi32, #tpu.memory_space<vmem>>
    %dma_wait3A_123 = arith.constant 0 : i32
    %dma_wait3A_124 = arith.constant 0 : i32
    %dma_wait3A_125 = tpu.memref_slice %arg9[%dma_wait3A_123, %dma_wait3A_124] : memref<10240x64xf32, #tpu.memory_space<vmem_shared>> -> memref<10240x64xf32, #tpu.memory_space<vmem_shared>>
    tpu.wait_indirect_dma semaphore(%arg18 : memref<!tpu.dma_semaphore, #tpu.memory_space<semaphore_mem>>) src(%dma_wait3A_120 : memref<80x64xf32, #tpu.memory_space<vmem>>) dst(%dma_wait3A_125 : memref<10240x64xf32, #tpu.memory_space<vmem_shared>>)
    %dma_wait3A_126 = arith.constant 4 : i32
    %dma_wait3A_127 = arith.constant 0 : i32
    %dma_wait3A_128 = arith.constant 0 : i32
    %dma_wait3A_129 = tpu.memref_slice %arg7[%dma_wait3A_126, %dma_wait3A_127, %dma_wait3A_128] : memref<5x80x64xf32, #tpu.memory_space<vmem>> -> memref<1x80x64xf32, #tpu.memory_space<vmem>>
    %dma_wait3A_130 = tpu.memref_squeeze %dma_wait3A_129 : memref<1x80x64xf32, #tpu.memory_space<vmem>> -> memref<80x64xf32, #tpu.memory_space<vmem>>
    %dma_wait3A_131 = arith.constant 0 : i32
    %dma_wait3A_132 = tpu.memref_slice %arg6[%dma_wait3A_131] : memref<10000xi32, #tpu.memory_space<vmem>> -> memref<80xi32, #tpu.memory_space<vmem>>
    %dma_wait3A_133 = arith.constant 0 : i32
    %dma_wait3A_134 = arith.constant 0 : i32
    %dma_wait3A_135 = tpu.memref_slice %arg9[%dma_wait3A_133, %dma_wait3A_134] : memref<10240x64xf32, #tpu.memory_space<vmem_shared>> -> memref<10240x64xf32, #tpu.memory_space<vmem_shared>>
    tpu.wait_indirect_dma semaphore(%arg19 : memref<!tpu.dma_semaphore, #tpu.memory_space<semaphore_mem>>) src(%dma_wait3A_130 : memref<80x64xf32, #tpu.memory_space<vmem>>) dst(%dma_wait3A_135 : memref<10240x64xf32, #tpu.memory_space<vmem_shared>>)
    %barrier3A_136 = arith.constant 0 : index
    tpu.barrier barrier_id(%barrier3A_136)
    %mul3A_137 = arith.constant 640 : i32
    %mul3A_138 = arith.muli %arg1, %mul3A_137 : i32
    %mul3A_139 = arith.constant 640 : i32
    %mul3A_140 = arith.muli %arg1, %mul3A_139 : i32
    "tpu.region"() ({
      %run_scoped3A_141 = tpu.sem_alloc : memref<!tpu.dma_semaphore, #tpu.memory_space<semaphore_mem>>
      %dma_start3A_142 = arith.constant 0 : i32
      %dma_start3A_143 = tpu.memref_slice %arg4[%arg0, %mul3A_140, %dma_start3A_142] : memref<2x10240x64xf32, #tpu.memory_space<hbm>> -> memref<1x640x64xf32, #tpu.memory_space<hbm>>
      %dma_start3A_144 = tpu.memref_squeeze %dma_start3A_143 : memref<1x640x64xf32, #tpu.memory_space<hbm>> -> memref<640x64xf32, #tpu.memory_space<hbm>>
      %dma_start3A_145 = arith.constant 0 : i32
      %dma_start3A_146 = tpu.memref_slice %arg9[%mul3A_138, %dma_start3A_145] : memref<10240x64xf32, #tpu.memory_space<vmem_shared>> -> memref<640x64xf32, #tpu.memory_space<vmem_shared>>
      tpu.enqueue_dma source(%dma_start3A_146 : memref<640x64xf32, #tpu.memory_space<vmem_shared>>) target(%dma_start3A_144 : memref<640x64xf32, #tpu.memory_space<hbm>>) target_semaphore(%run_scoped3A_141 : memref<!tpu.dma_semaphore, #tpu.memory_space<semaphore_mem>>)
      %dma_wait3A_147 = arith.constant 0 : i32
      %dma_wait3A_148 = tpu.memref_slice %arg4[%arg0, %mul3A_140, %dma_wait3A_147] : memref<2x10240x64xf32, #tpu.memory_space<hbm>> -> memref<1x640x64xf32, #tpu.memory_space<hbm>>
      %dma_wait3A_149 = tpu.memref_squeeze %dma_wait3A_148 : memref<1x640x64xf32, #tpu.memory_space<hbm>> -> memref<640x64xf32, #tpu.memory_space<hbm>>
      %dma_wait3A_150 = arith.constant 0 : i32
      %dma_wait3A_151 = tpu.memref_slice %arg9[%mul3A_138, %dma_wait3A_150] : memref<10240x64xf32, #tpu.memory_space<vmem_shared>> -> memref<640x64xf32, #tpu.memory_space<vmem_shared>>
      tpu.wait_dma2 semaphore(%run_scoped3A_141 : memref<!tpu.dma_semaphore, #tpu.memory_space<semaphore_mem>>) src(%dma_wait3A_151 : memref<640x64xf32, #tpu.memory_space<vmem_shared>>) dst(%dma_wait3A_149 : memref<640x64xf32, #tpu.memory_space<hbm>>)
      tpu.yield
    }) : () -> ()
    return
  }
}

#map = affine_map<(d0, d1) -> (0)>
#map1 = affine_map<(d0, d1) -> (0, 0)>
module attributes {stable_mosaic.version = 14 : i64} {
  func.func @body(%arg0: i32, %arg1: i32, %arg2: memref<10240xf32, #tpu.memory_space<hbm>>, %arg3: memref<2x320000xi32, #tpu.memory_space<hbm>>, %arg4: memref<2x10240xf32, #tpu.memory_space<hbm>>, %arg5: memref<10240xf32, #tpu.memory_space<vmem>>, %arg6: memref<10000xi32, #tpu.memory_space<vmem>>, %arg7: memref<10000xi32, #tpu.memory_space<vmem>>, %arg8: memref<10240xf32, #tpu.memory_space<vmem>>, %arg9: memref<640xf32, #tpu.memory_space<vmem>>, %arg10: memref<16x640xf32, #tpu.memory_space<vmem>>, %arg11: memref<16x10240xf32, #tpu.memory_space<vmem_shared>>) attributes {dimension_semantics = [#tpu.dimension_semantics<core_parallel>, #tpu.dimension_semantics<subcore_parallel>], iteration_bounds = array<i64: 2, 16>, scalar_prefetch = 0 : i64, scratch_operands = 7 : i64, tpu.core_type = #tpu.core_type<sc_vector_subcore>, window_params = [{transform_indices = #map}, {transform_indices = #map1}, {transform_indices = #map1}]} {
    %mul3A = arith.constant 16 : i32
    %mul3A_0 = arith.muli %arg0, %mul3A : i32
    %add3A = arith.addi %mul3A_0, %arg1 : i32
    "tpu.region"() ({
      %run_scoped3A_90 = tpu.sem_alloc : memref<!tpu.dma_semaphore, #tpu.memory_space<semaphore_mem>>
      tpu.enqueue_dma source(%arg2 : memref<10240xf32, #tpu.memory_space<hbm>>) target(%arg5 : memref<10240xf32, #tpu.memory_space<vmem>>) target_semaphore(%run_scoped3A_90 : memref<!tpu.dma_semaphore, #tpu.memory_space<semaphore_mem>>)
      tpu.wait_dma2 semaphore(%run_scoped3A_90 : memref<!tpu.dma_semaphore, #tpu.memory_space<semaphore_mem>>) src(%arg2 : memref<10240xf32, #tpu.memory_space<hbm>>) dst(%arg5 : memref<10240xf32, #tpu.memory_space<vmem>>)
      tpu.yield
    }) : () -> ()
    %broadcast_in_dim3A = arith.constant 0.000000e+00 : f32
    %broadcast_in_dim3A_1 = vector.broadcast %broadcast_in_dim3A : f32 to vector<16xf32>
    %scan3A = arith.constant 0 : i32
    %scan3A_2 = arith.constant 0 : i32
    %scan3A_3 = arith.constant 160 : i32
    %scan3A_4 = arith.addi %scan3A_2, %scan3A_3 : i32
    %scan3A_5 = arith.constant 1 : i32
    scf.for %scan3A_90 = %scan3A_2 to %scan3A_4 step %scan3A_5  : i32 {
      %mul3A_91 = arith.constant 64 : i32
      %mul3A_92 = arith.muli %scan3A_90, %mul3A_91 : i32
      %add3A_93 = arith.constant 0 : i32
      %add3A_94 = arith.addi %mul3A_92, %add3A_93 : i32
      %swap3A = arith.index_cast %add3A_94 : i32 to index
      %swap3A_95 = tpu.vector_load %arg8[%swap3A] {strides = array<i32>} : memref<10240xf32, #tpu.memory_space<vmem>>, vector<16xf32>,
      tpu.vector_store %arg8[%swap3A], %broadcast_in_dim3A_1 {strides = array<i32>} : memref<10240xf32, #tpu.memory_space<vmem>>, vector<16xf32>,
      %add3A_96 = arith.constant 16 : i32
      %add3A_97 = arith.addi %mul3A_92, %add3A_96 : i32
      %swap3A_98 = arith.index_cast %add3A_97 : i32 to index
      %swap3A_99 = tpu.vector_load %arg8[%swap3A_98] {strides = array<i32>} : memref<10240xf32, #tpu.memory_space<vmem>>, vector<16xf32>,
      tpu.vector_store %arg8[%swap3A_98], %broadcast_in_dim3A_1 {strides = array<i32>} : memref<10240xf32, #tpu.memory_space<vmem>>, vector<16xf32>,
      %add3A_100 = arith.constant 32 : i32
      %add3A_101 = arith.addi %mul3A_92, %add3A_100 : i32
      %swap3A_102 = arith.index_cast %add3A_101 : i32 to index
      %swap3A_103 = tpu.vector_load %arg8[%swap3A_102] {strides = array<i32>} : memref<10240xf32, #tpu.memory_space<vmem>>, vector<16xf32>,
      tpu.vector_store %arg8[%swap3A_102], %broadcast_in_dim3A_1 {strides = array<i32>} : memref<10240xf32, #tpu.memory_space<vmem>>, vector<16xf32>,
      %add3A_104 = arith.constant 48 : i32
      %add3A_105 = arith.addi %mul3A_92, %add3A_104 : i32
      %swap3A_106 = arith.index_cast %add3A_105 : i32 to index
      %swap3A_107 = tpu.vector_load %arg8[%swap3A_106] {strides = array<i32>} : memref<10240xf32, #tpu.memory_space<vmem>>, vector<16xf32>,
      tpu.vector_store %arg8[%swap3A_106], %broadcast_in_dim3A_1 {strides = array<i32>} : memref<10240xf32, #tpu.memory_space<vmem>>, vector<16xf32>,
    }
    %scan3A_6 = arith.constant 160 : i32
    %mul3A_7 = arith.constant 10000 : i32
    %mul3A_8 = arith.muli %add3A, %mul3A_7 : i32
    %run_scoped3A = arith.constant 0 : i32
    "tpu.region"() ({
      %run_scoped3A_90 = tpu.sem_alloc : memref<!tpu.dma_semaphore, #tpu.memory_space<semaphore_mem>>
      %dma_start3A = tpu.memref_slice %arg3[%run_scoped3A, %mul3A_8] : memref<2x320000xi32, #tpu.memory_space<hbm>> -> memref<1x10000xi32, #tpu.memory_space<hbm>>
      %dma_start3A_91 = tpu.memref_squeeze %dma_start3A : memref<1x10000xi32, #tpu.memory_space<hbm>> -> memref<10000xi32, #tpu.memory_space<hbm>>
      %dma_start3A_92 = tpu.memref_slice %arg3[%run_scoped3A, %mul3A_8] : memref<2x320000xi32, #tpu.memory_space<hbm>> -> memref<1x10000xi32, #tpu.memory_space<hbm>>
      %dma_start3A_93 = tpu.memref_squeeze %dma_start3A_92 : memref<1x10000xi32, #tpu.memory_space<hbm>> -> memref<10000xi32, #tpu.memory_space<hbm>>
      tpu.enqueue_dma source(%dma_start3A_93 : memref<10000xi32, #tpu.memory_space<hbm>>) target(%arg6 : memref<10000xi32, #tpu.memory_space<vmem>>) target_semaphore(%run_scoped3A_90 : memref<!tpu.dma_semaphore, #tpu.memory_space<semaphore_mem>>)
      %dma_wait3A = tpu.memref_slice %arg3[%run_scoped3A, %mul3A_8] : memref<2x320000xi32, #tpu.memory_space<hbm>> -> memref<1x10000xi32, #tpu.memory_space<hbm>>
      %dma_wait3A_94 = tpu.memref_squeeze %dma_wait3A : memref<1x10000xi32, #tpu.memory_space<hbm>> -> memref<10000xi32, #tpu.memory_space<hbm>>
      %dma_wait3A_95 = tpu.memref_slice %arg3[%run_scoped3A, %mul3A_8] : memref<2x320000xi32, #tpu.memory_space<hbm>> -> memref<1x10000xi32, #tpu.memory_space<hbm>>
      %dma_wait3A_96 = tpu.memref_squeeze %dma_wait3A_95 : memref<1x10000xi32, #tpu.memory_space<hbm>> -> memref<10000xi32, #tpu.memory_space<hbm>>
      tpu.wait_dma2 semaphore(%run_scoped3A_90 : memref<!tpu.dma_semaphore, #tpu.memory_space<semaphore_mem>>) src(%dma_wait3A_96 : memref<10000xi32, #tpu.memory_space<hbm>>) dst(%arg6 : memref<10000xi32, #tpu.memory_space<vmem>>)
      tpu.yield
    }) : () -> ()
    %mul3A_9 = arith.constant 10000 : i32
    %mul3A_10 = arith.muli %add3A, %mul3A_9 : i32
    %run_scoped3A_11 = arith.constant 1 : i32
    "tpu.region"() ({
      %run_scoped3A_90 = tpu.sem_alloc : memref<!tpu.dma_semaphore, #tpu.memory_space<semaphore_mem>>
      %dma_start3A = tpu.memref_slice %arg3[%run_scoped3A_11, %mul3A_10] : memref<2x320000xi32, #tpu.memory_space<hbm>> -> memref<1x10000xi32, #tpu.memory_space<hbm>>
      %dma_start3A_91 = tpu.memref_squeeze %dma_start3A : memref<1x10000xi32, #tpu.memory_space<hbm>> -> memref<10000xi32, #tpu.memory_space<hbm>>
      %dma_start3A_92 = tpu.memref_slice %arg3[%run_scoped3A_11, %mul3A_10] : memref<2x320000xi32, #tpu.memory_space<hbm>> -> memref<1x10000xi32, #tpu.memory_space<hbm>>
      %dma_start3A_93 = tpu.memref_squeeze %dma_start3A_92 : memref<1x10000xi32, #tpu.memory_space<hbm>> -> memref<10000xi32, #tpu.memory_space<hbm>>
      tpu.enqueue_dma source(%dma_start3A_93 : memref<10000xi32, #tpu.memory_space<hbm>>) target(%arg7 : memref<10000xi32, #tpu.memory_space<vmem>>) target_semaphore(%run_scoped3A_90 : memref<!tpu.dma_semaphore, #tpu.memory_space<semaphore_mem>>)
      %dma_wait3A = tpu.memref_slice %arg3[%run_scoped3A_11, %mul3A_10] : memref<2x320000xi32, #tpu.memory_space<hbm>> -> memref<1x10000xi32, #tpu.memory_space<hbm>>
      %dma_wait3A_94 = tpu.memref_squeeze %dma_wait3A : memref<1x10000xi32, #tpu.memory_space<hbm>> -> memref<10000xi32, #tpu.memory_space<hbm>>
      %dma_wait3A_95 = tpu.memref_slice %arg3[%run_scoped3A_11, %mul3A_10] : memref<2x320000xi32, #tpu.memory_space<hbm>> -> memref<1x10000xi32, #tpu.memory_space<hbm>>
      %dma_wait3A_96 = tpu.memref_squeeze %dma_wait3A_95 : memref<1x10000xi32, #tpu.memory_space<hbm>> -> memref<10000xi32, #tpu.memory_space<hbm>>
      tpu.wait_dma2 semaphore(%run_scoped3A_90 : memref<!tpu.dma_semaphore, #tpu.memory_space<semaphore_mem>>) src(%dma_wait3A_96 : memref<10000xi32, #tpu.memory_space<hbm>>) dst(%arg7 : memref<10000xi32, #tpu.memory_space<vmem>>)
      tpu.yield
    }) : () -> ()
    %scan3A_12 = arith.constant 0 : i32
    %scan3A_13 = arith.constant 0 : i32
    %scan3A_14 = arith.constant 125 : i32
    %scan3A_15 = arith.addi %scan3A_13, %scan3A_14 : i32
    %scan3A_16 = arith.constant 1 : i32
    scf.for %scan3A_90 = %scan3A_13 to %scan3A_15 step %scan3A_16  : i32 {
      %mul3A_91 = arith.constant 80 : i32
      %mul3A_92 = arith.muli %scan3A_90, %mul3A_91 : i32
      %add3A_93 = arith.constant 0 : i32
      %add3A_94 = arith.addi %mul3A_92, %add3A_93 : i32
      %get3A = arith.index_cast %add3A_94 : i32 to index
      %get3A_95 = tpu.vector_load %arg6[%get3A] {strides = array<i32>} : memref<10000xi32, #tpu.memory_space<vmem>>, vector<16xi32>,
      %add3A_96 = arith.constant 0 : i32
      %add3A_97 = arith.addi %mul3A_92, %add3A_96 : i32
      %get3A_98 = arith.index_cast %add3A_97 : i32 to index
      %get3A_99 = tpu.vector_load %arg7[%get3A_98] {strides = array<i32>} : memref<10000xi32, #tpu.memory_space<vmem>>, vector<16xi32>,
      %gather3A = tpu.vector_load_idx %arg5[%get3A_95] : memref<10240xf32, #tpu.memory_space<vmem>>[vector<16xi32>], vector<16xf32>,
      tpu.vector_store_idx %arg8[%get3A_99], %gather3A {add = true} : memref<10240xf32, #tpu.memory_space<vmem>>[vector<16xi32>], vector<16xf32>,
      %add3A_100 = arith.constant 16 : i32
      %add3A_101 = arith.addi %mul3A_92, %add3A_100 : i32
      %get3A_102 = arith.index_cast %add3A_101 : i32 to index
      %get3A_103 = tpu.vector_load %arg6[%get3A_102] {strides = array<i32>} : memref<10000xi32, #tpu.memory_space<vmem>>, vector<16xi32>,
      %add3A_104 = arith.constant 16 : i32
      %add3A_105 = arith.addi %mul3A_92, %add3A_104 : i32
      %get3A_106 = arith.index_cast %add3A_105 : i32 to index
      %get3A_107 = tpu.vector_load %arg7[%get3A_106] {strides = array<i32>} : memref<10000xi32, #tpu.memory_space<vmem>>, vector<16xi32>,
      %gather3A_108 = tpu.vector_load_idx %arg5[%get3A_103] : memref<10240xf32, #tpu.memory_space<vmem>>[vector<16xi32>], vector<16xf32>,
      tpu.vector_store_idx %arg8[%get3A_107], %gather3A_108 {add = true} : memref<10240xf32, #tpu.memory_space<vmem>>[vector<16xi32>], vector<16xf32>,
      %add3A_109 = arith.constant 32 : i32
      %add3A_110 = arith.addi %mul3A_92, %add3A_109 : i32
      %get3A_111 = arith.index_cast %add3A_110 : i32 to index
      %get3A_112 = tpu.vector_load %arg6[%get3A_111] {strides = array<i32>} : memref<10000xi32, #tpu.memory_space<vmem>>, vector<16xi32>,
      %add3A_113 = arith.constant 32 : i32
      %add3A_114 = arith.addi %mul3A_92, %add3A_113 : i32
      %get3A_115 = arith.index_cast %add3A_114 : i32 to index
      %get3A_116 = tpu.vector_load %arg7[%get3A_115] {strides = array<i32>} : memref<10000xi32, #tpu.memory_space<vmem>>, vector<16xi32>,
      %gather3A_117 = tpu.vector_load_idx %arg5[%get3A_112] : memref<10240xf32, #tpu.memory_space<vmem>>[vector<16xi32>], vector<16xf32>,
      tpu.vector_store_idx %arg8[%get3A_116], %gather3A_117 {add = true} : memref<10240xf32, #tpu.memory_space<vmem>>[vector<16xi32>], vector<16xf32>,
      %add3A_118 = arith.constant 48 : i32
      %add3A_119 = arith.addi %mul3A_92, %add3A_118 : i32
      %get3A_120 = arith.index_cast %add3A_119 : i32 to index
      %get3A_121 = tpu.vector_load %arg6[%get3A_120] {strides = array<i32>} : memref<10000xi32, #tpu.memory_space<vmem>>, vector<16xi32>,
      %add3A_122 = arith.constant 48 : i32
      %add3A_123 = arith.addi %mul3A_92, %add3A_122 : i32
      %get3A_124 = arith.index_cast %add3A_123 : i32 to index
      %get3A_125 = tpu.vector_load %arg7[%get3A_124] {strides = array<i32>} : memref<10000xi32, #tpu.memory_space<vmem>>, vector<16xi32>,
      %gather3A_126 = tpu.vector_load_idx %arg5[%get3A_121] : memref<10240xf32, #tpu.memory_space<vmem>>[vector<16xi32>], vector<16xf32>,
      tpu.vector_store_idx %arg8[%get3A_125], %gather3A_126 {add = true} : memref<10240xf32, #tpu.memory_space<vmem>>[vector<16xi32>], vector<16xf32>,
      %add3A_127 = arith.constant 64 : i32
      %add3A_128 = arith.addi %mul3A_92, %add3A_127 : i32
      %get3A_129 = arith.index_cast %add3A_128 : i32 to index
      %get3A_130 = tpu.vector_load %arg6[%get3A_129] {strides = array<i32>} : memref<10000xi32, #tpu.memory_space<vmem>>, vector<16xi32>,
      %add3A_131 = arith.constant 64 : i32
      %add3A_132 = arith.addi %mul3A_92, %add3A_131 : i32
      %get3A_133 = arith.index_cast %add3A_132 : i32 to index
      %get3A_134 = tpu.vector_load %arg7[%get3A_133] {strides = array<i32>} : memref<10000xi32, #tpu.memory_space<vmem>>, vector<16xi32>,
      %gather3A_135 = tpu.vector_load_idx %arg5[%get3A_130] : memref<10240xf32, #tpu.memory_space<vmem>>[vector<16xi32>], vector<16xf32>,
      tpu.vector_store_idx %arg8[%get3A_134], %gather3A_135 {add = true} : memref<10240xf32, #tpu.memory_space<vmem>>[vector<16xi32>], vector<16xf32>,
    }
    %scan3A_17 = arith.constant 125 : i32
    "tpu.region"() ({
      %run_scoped3A_90 = tpu.sem_alloc : memref<!tpu.dma_semaphore, #tpu.memory_space<semaphore_mem>>
      %dma_start3A = arith.constant 0 : i32
      %dma_start3A_91 = tpu.memref_slice %arg11[%arg1, %dma_start3A] : memref<16x10240xf32, #tpu.memory_space<vmem_shared>> -> memref<1x10240xf32, #tpu.memory_space<vmem_shared>>
      %dma_start3A_92 = tpu.memref_squeeze %dma_start3A_91 : memref<1x10240xf32, #tpu.memory_space<vmem_shared>> -> memref<10240xf32, #tpu.memory_space<vmem_shared>>
      %dma_start3A_93 = arith.constant 0 : i32
      %dma_start3A_94 = tpu.memref_slice %arg11[%arg1, %dma_start3A_93] : memref<16x10240xf32, #tpu.memory_space<vmem_shared>> -> memref<1x10240xf32, #tpu.memory_space<vmem_shared>>
      %dma_start3A_95 = tpu.memref_squeeze %dma_start3A_94 : memref<1x10240xf32, #tpu.memory_space<vmem_shared>> -> memref<10240xf32, #tpu.memory_space<vmem_shared>>
      tpu.enqueue_dma source(%arg8 : memref<10240xf32, #tpu.memory_space<vmem>>) target(%dma_start3A_95 : memref<10240xf32, #tpu.memory_space<vmem_shared>>) target_semaphore(%run_scoped3A_90 : memref<!tpu.dma_semaphore, #tpu.memory_space<semaphore_mem>>)
      %dma_wait3A = arith.constant 0 : i32
      %dma_wait3A_96 = tpu.memref_slice %arg11[%arg1, %dma_wait3A] : memref<16x10240xf32, #tpu.memory_space<vmem_shared>> -> memref<1x10240xf32, #tpu.memory_space<vmem_shared>>
      %dma_wait3A_97 = tpu.memref_squeeze %dma_wait3A_96 : memref<1x10240xf32, #tpu.memory_space<vmem_shared>> -> memref<10240xf32, #tpu.memory_space<vmem_shared>>
      %dma_wait3A_98 = arith.constant 0 : i32
      %dma_wait3A_99 = tpu.memref_slice %arg11[%arg1, %dma_wait3A_98] : memref<16x10240xf32, #tpu.memory_space<vmem_shared>> -> memref<1x10240xf32, #tpu.memory_space<vmem_shared>>
      %dma_wait3A_100 = tpu.memref_squeeze %dma_wait3A_99 : memref<1x10240xf32, #tpu.memory_space<vmem_shared>> -> memref<10240xf32, #tpu.memory_space<vmem_shared>>
      tpu.wait_dma2 semaphore(%run_scoped3A_90 : memref<!tpu.dma_semaphore, #tpu.memory_space<semaphore_mem>>) src(%arg8 : memref<10240xf32, #tpu.memory_space<vmem>>) dst(%dma_wait3A_100 : memref<10240xf32, #tpu.memory_space<vmem_shared>>)
      tpu.yield
    }) : () -> ()
    %barrier3A = arith.constant 0 : index
    tpu.barrier barrier_id(%barrier3A)
    %mul3A_18 = arith.constant 640 : i32
    %mul3A_19 = arith.muli %arg1, %mul3A_18 : i32
    %run_scoped3A_20 = arith.constant 0 : i32
    %run_scoped3A_21 = arith.constant 0 : i32
    "tpu.region"() ({
      %run_scoped3A_90 = tpu.sem_alloc : memref<!tpu.dma_semaphore, #tpu.memory_space<semaphore_mem>>
      %dma_start3A = arith.constant 0 : i32
      %dma_start3A_91 = tpu.memref_slice %arg10[%run_scoped3A_21, %dma_start3A] : memref<16x640xf32, #tpu.memory_space<vmem>> -> memref<1x640xf32, #tpu.memory_space<vmem>>
      %dma_start3A_92 = tpu.memref_squeeze %dma_start3A_91 : memref<1x640xf32, #tpu.memory_space<vmem>> -> memref<640xf32, #tpu.memory_space<vmem>>
      %dma_start3A_93 = tpu.memref_slice %arg11[%run_scoped3A_20, %mul3A_19] : memref<16x10240xf32, #tpu.memory_space<vmem_shared>> -> memref<1x640xf32, #tpu.memory_space<vmem_shared>>
      %dma_start3A_94 = tpu.memref_squeeze %dma_start3A_93 : memref<1x640xf32, #tpu.memory_space<vmem_shared>> -> memref<640xf32, #tpu.memory_space<vmem_shared>>
      %dma_start3A_95 = arith.constant 0 : i32
      %dma_start3A_96 = tpu.memref_slice %arg10[%run_scoped3A_21, %dma_start3A_95] : memref<16x640xf32, #tpu.memory_space<vmem>> -> memref<1x640xf32, #tpu.memory_space<vmem>>
      %dma_start3A_97 = tpu.memref_squeeze %dma_start3A_96 : memref<1x640xf32, #tpu.memory_space<vmem>> -> memref<640xf32, #tpu.memory_space<vmem>>
      %dma_start3A_98 = tpu.memref_slice %arg11[%run_scoped3A_20, %mul3A_19] : memref<16x10240xf32, #tpu.memory_space<vmem_shared>> -> memref<1x640xf32, #tpu.memory_space<vmem_shared>>
      %dma_start3A_99 = tpu.memref_squeeze %dma_start3A_98 : memref<1x640xf32, #tpu.memory_space<vmem_shared>> -> memref<640xf32, #tpu.memory_space<vmem_shared>>
      tpu.enqueue_dma source(%dma_start3A_99 : memref<640xf32, #tpu.memory_space<vmem_shared>>) target(%dma_start3A_97 : memref<640xf32, #tpu.memory_space<vmem>>) target_semaphore(%run_scoped3A_90 : memref<!tpu.dma_semaphore, #tpu.memory_space<semaphore_mem>>)
      %dma_wait3A = arith.constant 0 : i32
      %dma_wait3A_100 = tpu.memref_slice %arg10[%run_scoped3A_21, %dma_wait3A] : memref<16x640xf32, #tpu.memory_space<vmem>> -> memref<1x640xf32, #tpu.memory_space<vmem>>
      %dma_wait3A_101 = tpu.memref_squeeze %dma_wait3A_100 : memref<1x640xf32, #tpu.memory_space<vmem>> -> memref<640xf32, #tpu.memory_space<vmem>>
      %dma_wait3A_102 = tpu.memref_slice %arg11[%run_scoped3A_20, %mul3A_19] : memref<16x10240xf32, #tpu.memory_space<vmem_shared>> -> memref<1x640xf32, #tpu.memory_space<vmem_shared>>
      %dma_wait3A_103 = tpu.memref_squeeze %dma_wait3A_102 : memref<1x640xf32, #tpu.memory_space<vmem_shared>> -> memref<640xf32, #tpu.memory_space<vmem_shared>>
      %dma_wait3A_104 = arith.constant 0 : i32
      %dma_wait3A_105 = tpu.memref_slice %arg10[%run_scoped3A_21, %dma_wait3A_104] : memref<16x640xf32, #tpu.memory_space<vmem>> -> memref<1x640xf32, #tpu.memory_space<vmem>>
      %dma_wait3A_106 = tpu.memref_squeeze %dma_wait3A_105 : memref<1x640xf32, #tpu.memory_space<vmem>> -> memref<640xf32, #tpu.memory_space<vmem>>
      %dma_wait3A_107 = tpu.memref_slice %arg11[%run_scoped3A_20, %mul3A_19] : memref<16x10240xf32, #tpu.memory_space<vmem_shared>> -> memref<1x640xf32, #tpu.memory_space<vmem_shared>>
      %dma_wait3A_108 = tpu.memref_squeeze %dma_wait3A_107 : memref<1x640xf32, #tpu.memory_space<vmem_shared>> -> memref<640xf32, #tpu.memory_space<vmem_shared>>
      tpu.wait_dma2 semaphore(%run_scoped3A_90 : memref<!tpu.dma_semaphore, #tpu.memory_space<semaphore_mem>>) src(%dma_wait3A_108 : memref<640xf32, #tpu.memory_space<vmem_shared>>) dst(%dma_wait3A_106 : memref<640xf32, #tpu.memory_space<vmem>>)
      tpu.yield
    }) : () -> ()
    %mul3A_22 = arith.constant 640 : i32
    %mul3A_23 = arith.muli %arg1, %mul3A_22 : i32
    %run_scoped3A_24 = arith.constant 1 : i32
    %run_scoped3A_25 = arith.constant 1 : i32
    "tpu.region"() ({
      %run_scoped3A_90 = tpu.sem_alloc : memref<!tpu.dma_semaphore, #tpu.memory_space<semaphore_mem>>
      %dma_start3A = arith.constant 0 : i32
      %dma_start3A_91 = tpu.memref_slice %arg10[%run_scoped3A_25, %dma_start3A] : memref<16x640xf32, #tpu.memory_space<vmem>> -> memref<1x640xf32, #tpu.memory_space<vmem>>
      %dma_start3A_92 = tpu.memref_squeeze %dma_start3A_91 : memref<1x640xf32, #tpu.memory_space<vmem>> -> memref<640xf32, #tpu.memory_space<vmem>>
      %dma_start3A_93 = tpu.memref_slice %arg11[%run_scoped3A_24, %mul3A_23] : memref<16x10240xf32, #tpu.memory_space<vmem_shared>> -> memref<1x640xf32, #tpu.memory_space<vmem_shared>>
      %dma_start3A_94 = tpu.memref_squeeze %dma_start3A_93 : memref<1x640xf32, #tpu.memory_space<vmem_shared>> -> memref<640xf32, #tpu.memory_space<vmem_shared>>
      %dma_start3A_95 = arith.constant 0 : i32
      %dma_start3A_96 = tpu.memref_slice %arg10[%run_scoped3A_25, %dma_start3A_95] : memref<16x640xf32, #tpu.memory_space<vmem>> -> memref<1x640xf32, #tpu.memory_space<vmem>>
      %dma_start3A_97 = tpu.memref_squeeze %dma_start3A_96 : memref<1x640xf32, #tpu.memory_space<vmem>> -> memref<640xf32, #tpu.memory_space<vmem>>
      %dma_start3A_98 = tpu.memref_slice %arg11[%run_scoped3A_24, %mul3A_23] : memref<16x10240xf32, #tpu.memory_space<vmem_shared>> -> memref<1x640xf32, #tpu.memory_space<vmem_shared>>
      %dma_start3A_99 = tpu.memref_squeeze %dma_start3A_98 : memref<1x640xf32, #tpu.memory_space<vmem_shared>> -> memref<640xf32, #tpu.memory_space<vmem_shared>>
      tpu.enqueue_dma source(%dma_start3A_99 : memref<640xf32, #tpu.memory_space<vmem_shared>>) target(%dma_start3A_97 : memref<640xf32, #tpu.memory_space<vmem>>) target_semaphore(%run_scoped3A_90 : memref<!tpu.dma_semaphore, #tpu.memory_space<semaphore_mem>>)
      %dma_wait3A = arith.constant 0 : i32
      %dma_wait3A_100 = tpu.memref_slice %arg10[%run_scoped3A_25, %dma_wait3A] : memref<16x640xf32, #tpu.memory_space<vmem>> -> memref<1x640xf32, #tpu.memory_space<vmem>>
      %dma_wait3A_101 = tpu.memref_squeeze %dma_wait3A_100 : memref<1x640xf32, #tpu.memory_space<vmem>> -> memref<640xf32, #tpu.memory_space<vmem>>
      %dma_wait3A_102 = tpu.memref_slice %arg11[%run_scoped3A_24, %mul3A_23] : memref<16x10240xf32, #tpu.memory_space<vmem_shared>> -> memref<1x640xf32, #tpu.memory_space<vmem_shared>>
      %dma_wait3A_103 = tpu.memref_squeeze %dma_wait3A_102 : memref<1x640xf32, #tpu.memory_space<vmem_shared>> -> memref<640xf32, #tpu.memory_space<vmem_shared>>
      %dma_wait3A_104 = arith.constant 0 : i32
      %dma_wait3A_105 = tpu.memref_slice %arg10[%run_scoped3A_25, %dma_wait3A_104] : memref<16x640xf32, #tpu.memory_space<vmem>> -> memref<1x640xf32, #tpu.memory_space<vmem>>
      %dma_wait3A_106 = tpu.memref_squeeze %dma_wait3A_105 : memref<1x640xf32, #tpu.memory_space<vmem>> -> memref<640xf32, #tpu.memory_space<vmem>>
      %dma_wait3A_107 = tpu.memref_slice %arg11[%run_scoped3A_24, %mul3A_23] : memref<16x10240xf32, #tpu.memory_space<vmem_shared>> -> memref<1x640xf32, #tpu.memory_space<vmem_shared>>
      %dma_wait3A_108 = tpu.memref_squeeze %dma_wait3A_107 : memref<1x640xf32, #tpu.memory_space<vmem_shared>> -> memref<640xf32, #tpu.memory_space<vmem_shared>>
      tpu.wait_dma2 semaphore(%run_scoped3A_90 : memref<!tpu.dma_semaphore, #tpu.memory_space<semaphore_mem>>) src(%dma_wait3A_108 : memref<640xf32, #tpu.memory_space<vmem_shared>>) dst(%dma_wait3A_106 : memref<640xf32, #tpu.memory_space<vmem>>)
      tpu.yield
    }) : () -> ()
    %mul3A_26 = arith.constant 640 : i32
    %mul3A_27 = arith.muli %arg1, %mul3A_26 : i32
    %run_scoped3A_28 = arith.constant 2 : i32
    %run_scoped3A_29 = arith.constant 2 : i32
    "tpu.region"() ({
      %run_scoped3A_90 = tpu.sem_alloc : memref<!tpu.dma_semaphore, #tpu.memory_space<semaphore_mem>>
      %dma_start3A = arith.constant 0 : i32
      %dma_start3A_91 = tpu.memref_slice %arg10[%run_scoped3A_29, %dma_start3A] : memref<16x640xf32, #tpu.memory_space<vmem>> -> memref<1x640xf32, #tpu.memory_space<vmem>>
      %dma_start3A_92 = tpu.memref_squeeze %dma_start3A_91 : memref<1x640xf32, #tpu.memory_space<vmem>> -> memref<640xf32, #tpu.memory_space<vmem>>
      %dma_start3A_93 = tpu.memref_slice %arg11[%run_scoped3A_28, %mul3A_27] : memref<16x10240xf32, #tpu.memory_space<vmem_shared>> -> memref<1x640xf32, #tpu.memory_space<vmem_shared>>
      %dma_start3A_94 = tpu.memref_squeeze %dma_start3A_93 : memref<1x640xf32, #tpu.memory_space<vmem_shared>> -> memref<640xf32, #tpu.memory_space<vmem_shared>>
      %dma_start3A_95 = arith.constant 0 : i32
      %dma_start3A_96 = tpu.memref_slice %arg10[%run_scoped3A_29, %dma_start3A_95] : memref<16x640xf32, #tpu.memory_space<vmem>> -> memref<1x640xf32, #tpu.memory_space<vmem>>
      %dma_start3A_97 = tpu.memref_squeeze %dma_start3A_96 : memref<1x640xf32, #tpu.memory_space<vmem>> -> memref<640xf32, #tpu.memory_space<vmem>>
      %dma_start3A_98 = tpu.memref_slice %arg11[%run_scoped3A_28, %mul3A_27] : memref<16x10240xf32, #tpu.memory_space<vmem_shared>> -> memref<1x640xf32, #tpu.memory_space<vmem_shared>>
      %dma_start3A_99 = tpu.memref_squeeze %dma_start3A_98 : memref<1x640xf32, #tpu.memory_space<vmem_shared>> -> memref<640xf32, #tpu.memory_space<vmem_shared>>
      tpu.enqueue_dma source(%dma_start3A_99 : memref<640xf32, #tpu.memory_space<vmem_shared>>) target(%dma_start3A_97 : memref<640xf32, #tpu.memory_space<vmem>>) target_semaphore(%run_scoped3A_90 : memref<!tpu.dma_semaphore, #tpu.memory_space<semaphore_mem>>)
      %dma_wait3A = arith.constant 0 : i32
      %dma_wait3A_100 = tpu.memref_slice %arg10[%run_scoped3A_29, %dma_wait3A] : memref<16x640xf32, #tpu.memory_space<vmem>> -> memref<1x640xf32, #tpu.memory_space<vmem>>
      %dma_wait3A_101 = tpu.memref_squeeze %dma_wait3A_100 : memref<1x640xf32, #tpu.memory_space<vmem>> -> memref<640xf32, #tpu.memory_space<vmem>>
      %dma_wait3A_102 = tpu.memref_slice %arg11[%run_scoped3A_28, %mul3A_27] : memref<16x10240xf32, #tpu.memory_space<vmem_shared>> -> memref<1x640xf32, #tpu.memory_space<vmem_shared>>
      %dma_wait3A_103 = tpu.memref_squeeze %dma_wait3A_102 : memref<1x640xf32, #tpu.memory_space<vmem_shared>> -> memref<640xf32, #tpu.memory_space<vmem_shared>>
      %dma_wait3A_104 = arith.constant 0 : i32
      %dma_wait3A_105 = tpu.memref_slice %arg10[%run_scoped3A_29, %dma_wait3A_104] : memref<16x640xf32, #tpu.memory_space<vmem>> -> memref<1x640xf32, #tpu.memory_space<vmem>>
      %dma_wait3A_106 = tpu.memref_squeeze %dma_wait3A_105 : memref<1x640xf32, #tpu.memory_space<vmem>> -> memref<640xf32, #tpu.memory_space<vmem>>
      %dma_wait3A_107 = tpu.memref_slice %arg11[%run_scoped3A_28, %mul3A_27] : memref<16x10240xf32, #tpu.memory_space<vmem_shared>> -> memref<1x640xf32, #tpu.memory_space<vmem_shared>>
      %dma_wait3A_108 = tpu.memref_squeeze %dma_wait3A_107 : memref<1x640xf32, #tpu.memory_space<vmem_shared>> -> memref<640xf32, #tpu.memory_space<vmem_shared>>
      tpu.wait_dma2 semaphore(%run_scoped3A_90 : memref<!tpu.dma_semaphore, #tpu.memory_space<semaphore_mem>>) src(%dma_wait3A_108 : memref<640xf32, #tpu.memory_space<vmem_shared>>) dst(%dma_wait3A_106 : memref<640xf32, #tpu.memory_space<vmem>>)
      tpu.yield
    }) : () -> ()
    %mul3A_30 = arith.constant 640 : i32
    %mul3A_31 = arith.muli %arg1, %mul3A_30 : i32
    %run_scoped3A_32 = arith.constant 3 : i32
    %run_scoped3A_33 = arith.constant 3 : i32
    "tpu.region"() ({
      %run_scoped3A_90 = tpu.sem_alloc : memref<!tpu.dma_semaphore, #tpu.memory_space<semaphore_mem>>
      %dma_start3A = arith.constant 0 : i32
      %dma_start3A_91 = tpu.memref_slice %arg10[%run_scoped3A_33, %dma_start3A] : memref<16x640xf32, #tpu.memory_space<vmem>> -> memref<1x640xf32, #tpu.memory_space<vmem>>
      %dma_start3A_92 = tpu.memref_squeeze %dma_start3A_91 : memref<1x640xf32, #tpu.memory_space<vmem>> -> memref<640xf32, #tpu.memory_space<vmem>>
      %dma_start3A_93 = tpu.memref_slice %arg11[%run_scoped3A_32, %mul3A_31] : memref<16x10240xf32, #tpu.memory_space<vmem_shared>> -> memref<1x640xf32, #tpu.memory_space<vmem_shared>>
      %dma_start3A_94 = tpu.memref_squeeze %dma_start3A_93 : memref<1x640xf32, #tpu.memory_space<vmem_shared>> -> memref<640xf32, #tpu.memory_space<vmem_shared>>
      %dma_start3A_95 = arith.constant 0 : i32
      %dma_start3A_96 = tpu.memref_slice %arg10[%run_scoped3A_33, %dma_start3A_95] : memref<16x640xf32, #tpu.memory_space<vmem>> -> memref<1x640xf32, #tpu.memory_space<vmem>>
      %dma_start3A_97 = tpu.memref_squeeze %dma_start3A_96 : memref<1x640xf32, #tpu.memory_space<vmem>> -> memref<640xf32, #tpu.memory_space<vmem>>
      %dma_start3A_98 = tpu.memref_slice %arg11[%run_scoped3A_32, %mul3A_31] : memref<16x10240xf32, #tpu.memory_space<vmem_shared>> -> memref<1x640xf32, #tpu.memory_space<vmem_shared>>
      %dma_start3A_99 = tpu.memref_squeeze %dma_start3A_98 : memref<1x640xf32, #tpu.memory_space<vmem_shared>> -> memref<640xf32, #tpu.memory_space<vmem_shared>>
      tpu.enqueue_dma source(%dma_start3A_99 : memref<640xf32, #tpu.memory_space<vmem_shared>>) target(%dma_start3A_97 : memref<640xf32, #tpu.memory_space<vmem>>) target_semaphore(%run_scoped3A_90 : memref<!tpu.dma_semaphore, #tpu.memory_space<semaphore_mem>>)
      %dma_wait3A = arith.constant 0 : i32
      %dma_wait3A_100 = tpu.memref_slice %arg10[%run_scoped3A_33, %dma_wait3A] : memref<16x640xf32, #tpu.memory_space<vmem>> -> memref<1x640xf32, #tpu.memory_space<vmem>>
      %dma_wait3A_101 = tpu.memref_squeeze %dma_wait3A_100 : memref<1x640xf32, #tpu.memory_space<vmem>> -> memref<640xf32, #tpu.memory_space<vmem>>
      %dma_wait3A_102 = tpu.memref_slice %arg11[%run_scoped3A_32, %mul3A_31] : memref<16x10240xf32, #tpu.memory_space<vmem_shared>> -> memref<1x640xf32, #tpu.memory_space<vmem_shared>>
      %dma_wait3A_103 = tpu.memref_squeeze %dma_wait3A_102 : memref<1x640xf32, #tpu.memory_space<vmem_shared>> -> memref<640xf32, #tpu.memory_space<vmem_shared>>
      %dma_wait3A_104 = arith.constant 0 : i32
      %dma_wait3A_105 = tpu.memref_slice %arg10[%run_scoped3A_33, %dma_wait3A_104] : memref<16x640xf32, #tpu.memory_space<vmem>> -> memref<1x640xf32, #tpu.memory_space<vmem>>
      %dma_wait3A_106 = tpu.memref_squeeze %dma_wait3A_105 : memref<1x640xf32, #tpu.memory_space<vmem>> -> memref<640xf32, #tpu.memory_space<vmem>>
      %dma_wait3A_107 = tpu.memref_slice %arg11[%run_scoped3A_32, %mul3A_31] : memref<16x10240xf32, #tpu.memory_space<vmem_shared>> -> memref<1x640xf32, #tpu.memory_space<vmem_shared>>
      %dma_wait3A_108 = tpu.memref_squeeze %dma_wait3A_107 : memref<1x640xf32, #tpu.memory_space<vmem_shared>> -> memref<640xf32, #tpu.memory_space<vmem_shared>>
      tpu.wait_dma2 semaphore(%run_scoped3A_90 : memref<!tpu.dma_semaphore, #tpu.memory_space<semaphore_mem>>) src(%dma_wait3A_108 : memref<640xf32, #tpu.memory_space<vmem_shared>>) dst(%dma_wait3A_106 : memref<640xf32, #tpu.memory_space<vmem>>)
      tpu.yield
    }) : () -> ()
    %mul3A_34 = arith.constant 640 : i32
    %mul3A_35 = arith.muli %arg1, %mul3A_34 : i32
    %run_scoped3A_36 = arith.constant 4 : i32
    %run_scoped3A_37 = arith.constant 4 : i32
    "tpu.region"() ({
      %run_scoped3A_90 = tpu.sem_alloc : memref<!tpu.dma_semaphore, #tpu.memory_space<semaphore_mem>>
      %dma_start3A = arith.constant 0 : i32
      %dma_start3A_91 = tpu.memref_slice %arg10[%run_scoped3A_37, %dma_start3A] : memref<16x640xf32, #tpu.memory_space<vmem>> -> memref<1x640xf32, #tpu.memory_space<vmem>>
      %dma_start3A_92 = tpu.memref_squeeze %dma_start3A_91 : memref<1x640xf32, #tpu.memory_space<vmem>> -> memref<640xf32, #tpu.memory_space<vmem>>
      %dma_start3A_93 = tpu.memref_slice %arg11[%run_scoped3A_36, %mul3A_35] : memref<16x10240xf32, #tpu.memory_space<vmem_shared>> -> memref<1x640xf32, #tpu.memory_space<vmem_shared>>
      %dma_start3A_94 = tpu.memref_squeeze %dma_start3A_93 : memref<1x640xf32, #tpu.memory_space<vmem_shared>> -> memref<640xf32, #tpu.memory_space<vmem_shared>>
      %dma_start3A_95 = arith.constant 0 : i32
      %dma_start3A_96 = tpu.memref_slice %arg10[%run_scoped3A_37, %dma_start3A_95] : memref<16x640xf32, #tpu.memory_space<vmem>> -> memref<1x640xf32, #tpu.memory_space<vmem>>
      %dma_start3A_97 = tpu.memref_squeeze %dma_start3A_96 : memref<1x640xf32, #tpu.memory_space<vmem>> -> memref<640xf32, #tpu.memory_space<vmem>>
      %dma_start3A_98 = tpu.memref_slice %arg11[%run_scoped3A_36, %mul3A_35] : memref<16x10240xf32, #tpu.memory_space<vmem_shared>> -> memref<1x640xf32, #tpu.memory_space<vmem_shared>>
      %dma_start3A_99 = tpu.memref_squeeze %dma_start3A_98 : memref<1x640xf32, #tpu.memory_space<vmem_shared>> -> memref<640xf32, #tpu.memory_space<vmem_shared>>
      tpu.enqueue_dma source(%dma_start3A_99 : memref<640xf32, #tpu.memory_space<vmem_shared>>) target(%dma_start3A_97 : memref<640xf32, #tpu.memory_space<vmem>>) target_semaphore(%run_scoped3A_90 : memref<!tpu.dma_semaphore, #tpu.memory_space<semaphore_mem>>)
      %dma_wait3A = arith.constant 0 : i32
      %dma_wait3A_100 = tpu.memref_slice %arg10[%run_scoped3A_37, %dma_wait3A] : memref<16x640xf32, #tpu.memory_space<vmem>> -> memref<1x640xf32, #tpu.memory_space<vmem>>
      %dma_wait3A_101 = tpu.memref_squeeze %dma_wait3A_100 : memref<1x640xf32, #tpu.memory_space<vmem>> -> memref<640xf32, #tpu.memory_space<vmem>>
      %dma_wait3A_102 = tpu.memref_slice %arg11[%run_scoped3A_36, %mul3A_35] : memref<16x10240xf32, #tpu.memory_space<vmem_shared>> -> memref<1x640xf32, #tpu.memory_space<vmem_shared>>
      %dma_wait3A_103 = tpu.memref_squeeze %dma_wait3A_102 : memref<1x640xf32, #tpu.memory_space<vmem_shared>> -> memref<640xf32, #tpu.memory_space<vmem_shared>>
      %dma_wait3A_104 = arith.constant 0 : i32
      %dma_wait3A_105 = tpu.memref_slice %arg10[%run_scoped3A_37, %dma_wait3A_104] : memref<16x640xf32, #tpu.memory_space<vmem>> -> memref<1x640xf32, #tpu.memory_space<vmem>>
      %dma_wait3A_106 = tpu.memref_squeeze %dma_wait3A_105 : memref<1x640xf32, #tpu.memory_space<vmem>> -> memref<640xf32, #tpu.memory_space<vmem>>
      %dma_wait3A_107 = tpu.memref_slice %arg11[%run_scoped3A_36, %mul3A_35] : memref<16x10240xf32, #tpu.memory_space<vmem_shared>> -> memref<1x640xf32, #tpu.memory_space<vmem_shared>>
      %dma_wait3A_108 = tpu.memref_squeeze %dma_wait3A_107 : memref<1x640xf32, #tpu.memory_space<vmem_shared>> -> memref<640xf32, #tpu.memory_space<vmem_shared>>
      tpu.wait_dma2 semaphore(%run_scoped3A_90 : memref<!tpu.dma_semaphore, #tpu.memory_space<semaphore_mem>>) src(%dma_wait3A_108 : memref<640xf32, #tpu.memory_space<vmem_shared>>) dst(%dma_wait3A_106 : memref<640xf32, #tpu.memory_space<vmem>>)
      tpu.yield
    }) : () -> ()
    %mul3A_38 = arith.constant 640 : i32
    %mul3A_39 = arith.muli %arg1, %mul3A_38 : i32
    %run_scoped3A_40 = arith.constant 5 : i32
    %run_scoped3A_41 = arith.constant 5 : i32
    "tpu.region"() ({
      %run_scoped3A_90 = tpu.sem_alloc : memref<!tpu.dma_semaphore, #tpu.memory_space<semaphore_mem>>
      %dma_start3A = arith.constant 0 : i32
      %dma_start3A_91 = tpu.memref_slice %arg10[%run_scoped3A_41, %dma_start3A] : memref<16x640xf32, #tpu.memory_space<vmem>> -> memref<1x640xf32, #tpu.memory_space<vmem>>
      %dma_start3A_92 = tpu.memref_squeeze %dma_start3A_91 : memref<1x640xf32, #tpu.memory_space<vmem>> -> memref<640xf32, #tpu.memory_space<vmem>>
      %dma_start3A_93 = tpu.memref_slice %arg11[%run_scoped3A_40, %mul3A_39] : memref<16x10240xf32, #tpu.memory_space<vmem_shared>> -> memref<1x640xf32, #tpu.memory_space<vmem_shared>>
      %dma_start3A_94 = tpu.memref_squeeze %dma_start3A_93 : memref<1x640xf32, #tpu.memory_space<vmem_shared>> -> memref<640xf32, #tpu.memory_space<vmem_shared>>
      %dma_start3A_95 = arith.constant 0 : i32
      %dma_start3A_96 = tpu.memref_slice %arg10[%run_scoped3A_41, %dma_start3A_95] : memref<16x640xf32, #tpu.memory_space<vmem>> -> memref<1x640xf32, #tpu.memory_space<vmem>>
      %dma_start3A_97 = tpu.memref_squeeze %dma_start3A_96 : memref<1x640xf32, #tpu.memory_space<vmem>> -> memref<640xf32, #tpu.memory_space<vmem>>
      %dma_start3A_98 = tpu.memref_slice %arg11[%run_scoped3A_40, %mul3A_39] : memref<16x10240xf32, #tpu.memory_space<vmem_shared>> -> memref<1x640xf32, #tpu.memory_space<vmem_shared>>
      %dma_start3A_99 = tpu.memref_squeeze %dma_start3A_98 : memref<1x640xf32, #tpu.memory_space<vmem_shared>> -> memref<640xf32, #tpu.memory_space<vmem_shared>>
      tpu.enqueue_dma source(%dma_start3A_99 : memref<640xf32, #tpu.memory_space<vmem_shared>>) target(%dma_start3A_97 : memref<640xf32, #tpu.memory_space<vmem>>) target_semaphore(%run_scoped3A_90 : memref<!tpu.dma_semaphore, #tpu.memory_space<semaphore_mem>>)
      %dma_wait3A = arith.constant 0 : i32
      %dma_wait3A_100 = tpu.memref_slice %arg10[%run_scoped3A_41, %dma_wait3A] : memref<16x640xf32, #tpu.memory_space<vmem>> -> memref<1x640xf32, #tpu.memory_space<vmem>>
      %dma_wait3A_101 = tpu.memref_squeeze %dma_wait3A_100 : memref<1x640xf32, #tpu.memory_space<vmem>> -> memref<640xf32, #tpu.memory_space<vmem>>
      %dma_wait3A_102 = tpu.memref_slice %arg11[%run_scoped3A_40, %mul3A_39] : memref<16x10240xf32, #tpu.memory_space<vmem_shared>> -> memref<1x640xf32, #tpu.memory_space<vmem_shared>>
      %dma_wait3A_103 = tpu.memref_squeeze %dma_wait3A_102 : memref<1x640xf32, #tpu.memory_space<vmem_shared>> -> memref<640xf32, #tpu.memory_space<vmem_shared>>
      %dma_wait3A_104 = arith.constant 0 : i32
      %dma_wait3A_105 = tpu.memref_slice %arg10[%run_scoped3A_41, %dma_wait3A_104] : memref<16x640xf32, #tpu.memory_space<vmem>> -> memref<1x640xf32, #tpu.memory_space<vmem>>
      %dma_wait3A_106 = tpu.memref_squeeze %dma_wait3A_105 : memref<1x640xf32, #tpu.memory_space<vmem>> -> memref<640xf32, #tpu.memory_space<vmem>>
      %dma_wait3A_107 = tpu.memref_slice %arg11[%run_scoped3A_40, %mul3A_39] : memref<16x10240xf32, #tpu.memory_space<vmem_shared>> -> memref<1x640xf32, #tpu.memory_space<vmem_shared>>
      %dma_wait3A_108 = tpu.memref_squeeze %dma_wait3A_107 : memref<1x640xf32, #tpu.memory_space<vmem_shared>> -> memref<640xf32, #tpu.memory_space<vmem_shared>>
      tpu.wait_dma2 semaphore(%run_scoped3A_90 : memref<!tpu.dma_semaphore, #tpu.memory_space<semaphore_mem>>) src(%dma_wait3A_108 : memref<640xf32, #tpu.memory_space<vmem_shared>>) dst(%dma_wait3A_106 : memref<640xf32, #tpu.memory_space<vmem>>)
      tpu.yield
    }) : () -> ()
    %mul3A_42 = arith.constant 640 : i32
    %mul3A_43 = arith.muli %arg1, %mul3A_42 : i32
    %run_scoped3A_44 = arith.constant 6 : i32
    %run_scoped3A_45 = arith.constant 6 : i32
    "tpu.region"() ({
      %run_scoped3A_90 = tpu.sem_alloc : memref<!tpu.dma_semaphore, #tpu.memory_space<semaphore_mem>>
      %dma_start3A = arith.constant 0 : i32
      %dma_start3A_91 = tpu.memref_slice %arg10[%run_scoped3A_45, %dma_start3A] : memref<16x640xf32, #tpu.memory_space<vmem>> -> memref<1x640xf32, #tpu.memory_space<vmem>>
      %dma_start3A_92 = tpu.memref_squeeze %dma_start3A_91 : memref<1x640xf32, #tpu.memory_space<vmem>> -> memref<640xf32, #tpu.memory_space<vmem>>
      %dma_start3A_93 = tpu.memref_slice %arg11[%run_scoped3A_44, %mul3A_43] : memref<16x10240xf32, #tpu.memory_space<vmem_shared>> -> memref<1x640xf32, #tpu.memory_space<vmem_shared>>
      %dma_start3A_94 = tpu.memref_squeeze %dma_start3A_93 : memref<1x640xf32, #tpu.memory_space<vmem_shared>> -> memref<640xf32, #tpu.memory_space<vmem_shared>>
      %dma_start3A_95 = arith.constant 0 : i32
      %dma_start3A_96 = tpu.memref_slice %arg10[%run_scoped3A_45, %dma_start3A_95] : memref<16x640xf32, #tpu.memory_space<vmem>> -> memref<1x640xf32, #tpu.memory_space<vmem>>
      %dma_start3A_97 = tpu.memref_squeeze %dma_start3A_96 : memref<1x640xf32, #tpu.memory_space<vmem>> -> memref<640xf32, #tpu.memory_space<vmem>>
      %dma_start3A_98 = tpu.memref_slice %arg11[%run_scoped3A_44, %mul3A_43] : memref<16x10240xf32, #tpu.memory_space<vmem_shared>> -> memref<1x640xf32, #tpu.memory_space<vmem_shared>>
      %dma_start3A_99 = tpu.memref_squeeze %dma_start3A_98 : memref<1x640xf32, #tpu.memory_space<vmem_shared>> -> memref<640xf32, #tpu.memory_space<vmem_shared>>
      tpu.enqueue_dma source(%dma_start3A_99 : memref<640xf32, #tpu.memory_space<vmem_shared>>) target(%dma_start3A_97 : memref<640xf32, #tpu.memory_space<vmem>>) target_semaphore(%run_scoped3A_90 : memref<!tpu.dma_semaphore, #tpu.memory_space<semaphore_mem>>)
      %dma_wait3A = arith.constant 0 : i32
      %dma_wait3A_100 = tpu.memref_slice %arg10[%run_scoped3A_45, %dma_wait3A] : memref<16x640xf32, #tpu.memory_space<vmem>> -> memref<1x640xf32, #tpu.memory_space<vmem>>
      %dma_wait3A_101 = tpu.memref_squeeze %dma_wait3A_100 : memref<1x640xf32, #tpu.memory_space<vmem>> -> memref<640xf32, #tpu.memory_space<vmem>>
      %dma_wait3A_102 = tpu.memref_slice %arg11[%run_scoped3A_44, %mul3A_43] : memref<16x10240xf32, #tpu.memory_space<vmem_shared>> -> memref<1x640xf32, #tpu.memory_space<vmem_shared>>
      %dma_wait3A_103 = tpu.memref_squeeze %dma_wait3A_102 : memref<1x640xf32, #tpu.memory_space<vmem_shared>> -> memref<640xf32, #tpu.memory_space<vmem_shared>>
      %dma_wait3A_104 = arith.constant 0 : i32
      %dma_wait3A_105 = tpu.memref_slice %arg10[%run_scoped3A_45, %dma_wait3A_104] : memref<16x640xf32, #tpu.memory_space<vmem>> -> memref<1x640xf32, #tpu.memory_space<vmem>>
      %dma_wait3A_106 = tpu.memref_squeeze %dma_wait3A_105 : memref<1x640xf32, #tpu.memory_space<vmem>> -> memref<640xf32, #tpu.memory_space<vmem>>
      %dma_wait3A_107 = tpu.memref_slice %arg11[%run_scoped3A_44, %mul3A_43] : memref<16x10240xf32, #tpu.memory_space<vmem_shared>> -> memref<1x640xf32, #tpu.memory_space<vmem_shared>>
      %dma_wait3A_108 = tpu.memref_squeeze %dma_wait3A_107 : memref<1x640xf32, #tpu.memory_space<vmem_shared>> -> memref<640xf32, #tpu.memory_space<vmem_shared>>
      tpu.wait_dma2 semaphore(%run_scoped3A_90 : memref<!tpu.dma_semaphore, #tpu.memory_space<semaphore_mem>>) src(%dma_wait3A_108 : memref<640xf32, #tpu.memory_space<vmem_shared>>) dst(%dma_wait3A_106 : memref<640xf32, #tpu.memory_space<vmem>>)
      tpu.yield
    }) : () -> ()
    %mul3A_46 = arith.constant 640 : i32
    %mul3A_47 = arith.muli %arg1, %mul3A_46 : i32
    %run_scoped3A_48 = arith.constant 7 : i32
    %run_scoped3A_49 = arith.constant 7 : i32
    "tpu.region"() ({
      %run_scoped3A_90 = tpu.sem_alloc : memref<!tpu.dma_semaphore, #tpu.memory_space<semaphore_mem>>
      %dma_start3A = arith.constant 0 : i32
      %dma_start3A_91 = tpu.memref_slice %arg10[%run_scoped3A_49, %dma_start3A] : memref<16x640xf32, #tpu.memory_space<vmem>> -> memref<1x640xf32, #tpu.memory_space<vmem>>
      %dma_start3A_92 = tpu.memref_squeeze %dma_start3A_91 : memref<1x640xf32, #tpu.memory_space<vmem>> -> memref<640xf32, #tpu.memory_space<vmem>>
      %dma_start3A_93 = tpu.memref_slice %arg11[%run_scoped3A_48, %mul3A_47] : memref<16x10240xf32, #tpu.memory_space<vmem_shared>> -> memref<1x640xf32, #tpu.memory_space<vmem_shared>>
      %dma_start3A_94 = tpu.memref_squeeze %dma_start3A_93 : memref<1x640xf32, #tpu.memory_space<vmem_shared>> -> memref<640xf32, #tpu.memory_space<vmem_shared>>
      %dma_start3A_95 = arith.constant 0 : i32
      %dma_start3A_96 = tpu.memref_slice %arg10[%run_scoped3A_49, %dma_start3A_95] : memref<16x640xf32, #tpu.memory_space<vmem>> -> memref<1x640xf32, #tpu.memory_space<vmem>>
      %dma_start3A_97 = tpu.memref_squeeze %dma_start3A_96 : memref<1x640xf32, #tpu.memory_space<vmem>> -> memref<640xf32, #tpu.memory_space<vmem>>
      %dma_start3A_98 = tpu.memref_slice %arg11[%run_scoped3A_48, %mul3A_47] : memref<16x10240xf32, #tpu.memory_space<vmem_shared>> -> memref<1x640xf32, #tpu.memory_space<vmem_shared>>
      %dma_start3A_99 = tpu.memref_squeeze %dma_start3A_98 : memref<1x640xf32, #tpu.memory_space<vmem_shared>> -> memref<640xf32, #tpu.memory_space<vmem_shared>>
      tpu.enqueue_dma source(%dma_start3A_99 : memref<640xf32, #tpu.memory_space<vmem_shared>>) target(%dma_start3A_97 : memref<640xf32, #tpu.memory_space<vmem>>) target_semaphore(%run_scoped3A_90 : memref<!tpu.dma_semaphore, #tpu.memory_space<semaphore_mem>>)
      %dma_wait3A = arith.constant 0 : i32
      %dma_wait3A_100 = tpu.memref_slice %arg10[%run_scoped3A_49, %dma_wait3A] : memref<16x640xf32, #tpu.memory_space<vmem>> -> memref<1x640xf32, #tpu.memory_space<vmem>>
      %dma_wait3A_101 = tpu.memref_squeeze %dma_wait3A_100 : memref<1x640xf32, #tpu.memory_space<vmem>> -> memref<640xf32, #tpu.memory_space<vmem>>
      %dma_wait3A_102 = tpu.memref_slice %arg11[%run_scoped3A_48, %mul3A_47] : memref<16x10240xf32, #tpu.memory_space<vmem_shared>> -> memref<1x640xf32, #tpu.memory_space<vmem_shared>>
      %dma_wait3A_103 = tpu.memref_squeeze %dma_wait3A_102 : memref<1x640xf32, #tpu.memory_space<vmem_shared>> -> memref<640xf32, #tpu.memory_space<vmem_shared>>
      %dma_wait3A_104 = arith.constant 0 : i32
      %dma_wait3A_105 = tpu.memref_slice %arg10[%run_scoped3A_49, %dma_wait3A_104] : memref<16x640xf32, #tpu.memory_space<vmem>> -> memref<1x640xf32, #tpu.memory_space<vmem>>
      %dma_wait3A_106 = tpu.memref_squeeze %dma_wait3A_105 : memref<1x640xf32, #tpu.memory_space<vmem>> -> memref<640xf32, #tpu.memory_space<vmem>>
      %dma_wait3A_107 = tpu.memref_slice %arg11[%run_scoped3A_48, %mul3A_47] : memref<16x10240xf32, #tpu.memory_space<vmem_shared>> -> memref<1x640xf32, #tpu.memory_space<vmem_shared>>
      %dma_wait3A_108 = tpu.memref_squeeze %dma_wait3A_107 : memref<1x640xf32, #tpu.memory_space<vmem_shared>> -> memref<640xf32, #tpu.memory_space<vmem_shared>>
      tpu.wait_dma2 semaphore(%run_scoped3A_90 : memref<!tpu.dma_semaphore, #tpu.memory_space<semaphore_mem>>) src(%dma_wait3A_108 : memref<640xf32, #tpu.memory_space<vmem_shared>>) dst(%dma_wait3A_106 : memref<640xf32, #tpu.memory_space<vmem>>)
      tpu.yield
    }) : () -> ()
    %mul3A_50 = arith.constant 640 : i32
    %mul3A_51 = arith.muli %arg1, %mul3A_50 : i32
    %run_scoped3A_52 = arith.constant 8 : i32
    %run_scoped3A_53 = arith.constant 8 : i32
    "tpu.region"() ({
      %run_scoped3A_90 = tpu.sem_alloc : memref<!tpu.dma_semaphore, #tpu.memory_space<semaphore_mem>>
      %dma_start3A = arith.constant 0 : i32
      %dma_start3A_91 = tpu.memref_slice %arg10[%run_scoped3A_53, %dma_start3A] : memref<16x640xf32, #tpu.memory_space<vmem>> -> memref<1x640xf32, #tpu.memory_space<vmem>>
      %dma_start3A_92 = tpu.memref_squeeze %dma_start3A_91 : memref<1x640xf32, #tpu.memory_space<vmem>> -> memref<640xf32, #tpu.memory_space<vmem>>
      %dma_start3A_93 = tpu.memref_slice %arg11[%run_scoped3A_52, %mul3A_51] : memref<16x10240xf32, #tpu.memory_space<vmem_shared>> -> memref<1x640xf32, #tpu.memory_space<vmem_shared>>
      %dma_start3A_94 = tpu.memref_squeeze %dma_start3A_93 : memref<1x640xf32, #tpu.memory_space<vmem_shared>> -> memref<640xf32, #tpu.memory_space<vmem_shared>>
      %dma_start3A_95 = arith.constant 0 : i32
      %dma_start3A_96 = tpu.memref_slice %arg10[%run_scoped3A_53, %dma_start3A_95] : memref<16x640xf32, #tpu.memory_space<vmem>> -> memref<1x640xf32, #tpu.memory_space<vmem>>
      %dma_start3A_97 = tpu.memref_squeeze %dma_start3A_96 : memref<1x640xf32, #tpu.memory_space<vmem>> -> memref<640xf32, #tpu.memory_space<vmem>>
      %dma_start3A_98 = tpu.memref_slice %arg11[%run_scoped3A_52, %mul3A_51] : memref<16x10240xf32, #tpu.memory_space<vmem_shared>> -> memref<1x640xf32, #tpu.memory_space<vmem_shared>>
      %dma_start3A_99 = tpu.memref_squeeze %dma_start3A_98 : memref<1x640xf32, #tpu.memory_space<vmem_shared>> -> memref<640xf32, #tpu.memory_space<vmem_shared>>
      tpu.enqueue_dma source(%dma_start3A_99 : memref<640xf32, #tpu.memory_space<vmem_shared>>) target(%dma_start3A_97 : memref<640xf32, #tpu.memory_space<vmem>>) target_semaphore(%run_scoped3A_90 : memref<!tpu.dma_semaphore, #tpu.memory_space<semaphore_mem>>)
      %dma_wait3A = arith.constant 0 : i32
      %dma_wait3A_100 = tpu.memref_slice %arg10[%run_scoped3A_53, %dma_wait3A] : memref<16x640xf32, #tpu.memory_space<vmem>> -> memref<1x640xf32, #tpu.memory_space<vmem>>
      %dma_wait3A_101 = tpu.memref_squeeze %dma_wait3A_100 : memref<1x640xf32, #tpu.memory_space<vmem>> -> memref<640xf32, #tpu.memory_space<vmem>>
      %dma_wait3A_102 = tpu.memref_slice %arg11[%run_scoped3A_52, %mul3A_51] : memref<16x10240xf32, #tpu.memory_space<vmem_shared>> -> memref<1x640xf32, #tpu.memory_space<vmem_shared>>
      %dma_wait3A_103 = tpu.memref_squeeze %dma_wait3A_102 : memref<1x640xf32, #tpu.memory_space<vmem_shared>> -> memref<640xf32, #tpu.memory_space<vmem_shared>>
      %dma_wait3A_104 = arith.constant 0 : i32
      %dma_wait3A_105 = tpu.memref_slice %arg10[%run_scoped3A_53, %dma_wait3A_104] : memref<16x640xf32, #tpu.memory_space<vmem>> -> memref<1x640xf32, #tpu.memory_space<vmem>>
      %dma_wait3A_106 = tpu.memref_squeeze %dma_wait3A_105 : memref<1x640xf32, #tpu.memory_space<vmem>> -> memref<640xf32, #tpu.memory_space<vmem>>
      %dma_wait3A_107 = tpu.memref_slice %arg11[%run_scoped3A_52, %mul3A_51] : memref<16x10240xf32, #tpu.memory_space<vmem_shared>> -> memref<1x640xf32, #tpu.memory_space<vmem_shared>>
      %dma_wait3A_108 = tpu.memref_squeeze %dma_wait3A_107 : memref<1x640xf32, #tpu.memory_space<vmem_shared>> -> memref<640xf32, #tpu.memory_space<vmem_shared>>
      tpu.wait_dma2 semaphore(%run_scoped3A_90 : memref<!tpu.dma_semaphore, #tpu.memory_space<semaphore_mem>>) src(%dma_wait3A_108 : memref<640xf32, #tpu.memory_space<vmem_shared>>) dst(%dma_wait3A_106 : memref<640xf32, #tpu.memory_space<vmem>>)
      tpu.yield
    }) : () -> ()
    %mul3A_54 = arith.constant 640 : i32
    %mul3A_55 = arith.muli %arg1, %mul3A_54 : i32
    %run_scoped3A_56 = arith.constant 9 : i32
    %run_scoped3A_57 = arith.constant 9 : i32
    "tpu.region"() ({
      %run_scoped3A_90 = tpu.sem_alloc : memref<!tpu.dma_semaphore, #tpu.memory_space<semaphore_mem>>
      %dma_start3A = arith.constant 0 : i32
      %dma_start3A_91 = tpu.memref_slice %arg10[%run_scoped3A_57, %dma_start3A] : memref<16x640xf32, #tpu.memory_space<vmem>> -> memref<1x640xf32, #tpu.memory_space<vmem>>
      %dma_start3A_92 = tpu.memref_squeeze %dma_start3A_91 : memref<1x640xf32, #tpu.memory_space<vmem>> -> memref<640xf32, #tpu.memory_space<vmem>>
      %dma_start3A_93 = tpu.memref_slice %arg11[%run_scoped3A_56, %mul3A_55] : memref<16x10240xf32, #tpu.memory_space<vmem_shared>> -> memref<1x640xf32, #tpu.memory_space<vmem_shared>>
      %dma_start3A_94 = tpu.memref_squeeze %dma_start3A_93 : memref<1x640xf32, #tpu.memory_space<vmem_shared>> -> memref<640xf32, #tpu.memory_space<vmem_shared>>
      %dma_start3A_95 = arith.constant 0 : i32
      %dma_start3A_96 = tpu.memref_slice %arg10[%run_scoped3A_57, %dma_start3A_95] : memref<16x640xf32, #tpu.memory_space<vmem>> -> memref<1x640xf32, #tpu.memory_space<vmem>>
      %dma_start3A_97 = tpu.memref_squeeze %dma_start3A_96 : memref<1x640xf32, #tpu.memory_space<vmem>> -> memref<640xf32, #tpu.memory_space<vmem>>
      %dma_start3A_98 = tpu.memref_slice %arg11[%run_scoped3A_56, %mul3A_55] : memref<16x10240xf32, #tpu.memory_space<vmem_shared>> -> memref<1x640xf32, #tpu.memory_space<vmem_shared>>
      %dma_start3A_99 = tpu.memref_squeeze %dma_start3A_98 : memref<1x640xf32, #tpu.memory_space<vmem_shared>> -> memref<640xf32, #tpu.memory_space<vmem_shared>>
      tpu.enqueue_dma source(%dma_start3A_99 : memref<640xf32, #tpu.memory_space<vmem_shared>>) target(%dma_start3A_97 : memref<640xf32, #tpu.memory_space<vmem>>) target_semaphore(%run_scoped3A_90 : memref<!tpu.dma_semaphore, #tpu.memory_space<semaphore_mem>>)
      %dma_wait3A = arith.constant 0 : i32
      %dma_wait3A_100 = tpu.memref_slice %arg10[%run_scoped3A_57, %dma_wait3A] : memref<16x640xf32, #tpu.memory_space<vmem>> -> memref<1x640xf32, #tpu.memory_space<vmem>>
      %dma_wait3A_101 = tpu.memref_squeeze %dma_wait3A_100 : memref<1x640xf32, #tpu.memory_space<vmem>> -> memref<640xf32, #tpu.memory_space<vmem>>
      %dma_wait3A_102 = tpu.memref_slice %arg11[%run_scoped3A_56, %mul3A_55] : memref<16x10240xf32, #tpu.memory_space<vmem_shared>> -> memref<1x640xf32, #tpu.memory_space<vmem_shared>>
      %dma_wait3A_103 = tpu.memref_squeeze %dma_wait3A_102 : memref<1x640xf32, #tpu.memory_space<vmem_shared>> -> memref<640xf32, #tpu.memory_space<vmem_shared>>
      %dma_wait3A_104 = arith.constant 0 : i32
      %dma_wait3A_105 = tpu.memref_slice %arg10[%run_scoped3A_57, %dma_wait3A_104] : memref<16x640xf32, #tpu.memory_space<vmem>> -> memref<1x640xf32, #tpu.memory_space<vmem>>
      %dma_wait3A_106 = tpu.memref_squeeze %dma_wait3A_105 : memref<1x640xf32, #tpu.memory_space<vmem>> -> memref<640xf32, #tpu.memory_space<vmem>>
      %dma_wait3A_107 = tpu.memref_slice %arg11[%run_scoped3A_56, %mul3A_55] : memref<16x10240xf32, #tpu.memory_space<vmem_shared>> -> memref<1x640xf32, #tpu.memory_space<vmem_shared>>
      %dma_wait3A_108 = tpu.memref_squeeze %dma_wait3A_107 : memref<1x640xf32, #tpu.memory_space<vmem_shared>> -> memref<640xf32, #tpu.memory_space<vmem_shared>>
      tpu.wait_dma2 semaphore(%run_scoped3A_90 : memref<!tpu.dma_semaphore, #tpu.memory_space<semaphore_mem>>) src(%dma_wait3A_108 : memref<640xf32, #tpu.memory_space<vmem_shared>>) dst(%dma_wait3A_106 : memref<640xf32, #tpu.memory_space<vmem>>)
      tpu.yield
    }) : () -> ()
    %mul3A_58 = arith.constant 640 : i32
    %mul3A_59 = arith.muli %arg1, %mul3A_58 : i32
    %run_scoped3A_60 = arith.constant 10 : i32
    %run_scoped3A_61 = arith.constant 10 : i32
    "tpu.region"() ({
      %run_scoped3A_90 = tpu.sem_alloc : memref<!tpu.dma_semaphore, #tpu.memory_space<semaphore_mem>>
      %dma_start3A = arith.constant 0 : i32
      %dma_start3A_91 = tpu.memref_slice %arg10[%run_scoped3A_61, %dma_start3A] : memref<16x640xf32, #tpu.memory_space<vmem>> -> memref<1x640xf32, #tpu.memory_space<vmem>>
      %dma_start3A_92 = tpu.memref_squeeze %dma_start3A_91 : memref<1x640xf32, #tpu.memory_space<vmem>> -> memref<640xf32, #tpu.memory_space<vmem>>
      %dma_start3A_93 = tpu.memref_slice %arg11[%run_scoped3A_60, %mul3A_59] : memref<16x10240xf32, #tpu.memory_space<vmem_shared>> -> memref<1x640xf32, #tpu.memory_space<vmem_shared>>
      %dma_start3A_94 = tpu.memref_squeeze %dma_start3A_93 : memref<1x640xf32, #tpu.memory_space<vmem_shared>> -> memref<640xf32, #tpu.memory_space<vmem_shared>>
      %dma_start3A_95 = arith.constant 0 : i32
      %dma_start3A_96 = tpu.memref_slice %arg10[%run_scoped3A_61, %dma_start3A_95] : memref<16x640xf32, #tpu.memory_space<vmem>> -> memref<1x640xf32, #tpu.memory_space<vmem>>
      %dma_start3A_97 = tpu.memref_squeeze %dma_start3A_96 : memref<1x640xf32, #tpu.memory_space<vmem>> -> memref<640xf32, #tpu.memory_space<vmem>>
      %dma_start3A_98 = tpu.memref_slice %arg11[%run_scoped3A_60, %mul3A_59] : memref<16x10240xf32, #tpu.memory_space<vmem_shared>> -> memref<1x640xf32, #tpu.memory_space<vmem_shared>>
      %dma_start3A_99 = tpu.memref_squeeze %dma_start3A_98 : memref<1x640xf32, #tpu.memory_space<vmem_shared>> -> memref<640xf32, #tpu.memory_space<vmem_shared>>
      tpu.enqueue_dma source(%dma_start3A_99 : memref<640xf32, #tpu.memory_space<vmem_shared>>) target(%dma_start3A_97 : memref<640xf32, #tpu.memory_space<vmem>>) target_semaphore(%run_scoped3A_90 : memref<!tpu.dma_semaphore, #tpu.memory_space<semaphore_mem>>)
      %dma_wait3A = arith.constant 0 : i32
      %dma_wait3A_100 = tpu.memref_slice %arg10[%run_scoped3A_61, %dma_wait3A] : memref<16x640xf32, #tpu.memory_space<vmem>> -> memref<1x640xf32, #tpu.memory_space<vmem>>
      %dma_wait3A_101 = tpu.memref_squeeze %dma_wait3A_100 : memref<1x640xf32, #tpu.memory_space<vmem>> -> memref<640xf32, #tpu.memory_space<vmem>>
      %dma_wait3A_102 = tpu.memref_slice %arg11[%run_scoped3A_60, %mul3A_59] : memref<16x10240xf32, #tpu.memory_space<vmem_shared>> -> memref<1x640xf32, #tpu.memory_space<vmem_shared>>
      %dma_wait3A_103 = tpu.memref_squeeze %dma_wait3A_102 : memref<1x640xf32, #tpu.memory_space<vmem_shared>> -> memref<640xf32, #tpu.memory_space<vmem_shared>>
      %dma_wait3A_104 = arith.constant 0 : i32
      %dma_wait3A_105 = tpu.memref_slice %arg10[%run_scoped3A_61, %dma_wait3A_104] : memref<16x640xf32, #tpu.memory_space<vmem>> -> memref<1x640xf32, #tpu.memory_space<vmem>>
      %dma_wait3A_106 = tpu.memref_squeeze %dma_wait3A_105 : memref<1x640xf32, #tpu.memory_space<vmem>> -> memref<640xf32, #tpu.memory_space<vmem>>
      %dma_wait3A_107 = tpu.memref_slice %arg11[%run_scoped3A_60, %mul3A_59] : memref<16x10240xf32, #tpu.memory_space<vmem_shared>> -> memref<1x640xf32, #tpu.memory_space<vmem_shared>>
      %dma_wait3A_108 = tpu.memref_squeeze %dma_wait3A_107 : memref<1x640xf32, #tpu.memory_space<vmem_shared>> -> memref<640xf32, #tpu.memory_space<vmem_shared>>
      tpu.wait_dma2 semaphore(%run_scoped3A_90 : memref<!tpu.dma_semaphore, #tpu.memory_space<semaphore_mem>>) src(%dma_wait3A_108 : memref<640xf32, #tpu.memory_space<vmem_shared>>) dst(%dma_wait3A_106 : memref<640xf32, #tpu.memory_space<vmem>>)
      tpu.yield
    }) : () -> ()
    %mul3A_62 = arith.constant 640 : i32
    %mul3A_63 = arith.muli %arg1, %mul3A_62 : i32
    %run_scoped3A_64 = arith.constant 11 : i32
    %run_scoped3A_65 = arith.constant 11 : i32
    "tpu.region"() ({
      %run_scoped3A_90 = tpu.sem_alloc : memref<!tpu.dma_semaphore, #tpu.memory_space<semaphore_mem>>
      %dma_start3A = arith.constant 0 : i32
      %dma_start3A_91 = tpu.memref_slice %arg10[%run_scoped3A_65, %dma_start3A] : memref<16x640xf32, #tpu.memory_space<vmem>> -> memref<1x640xf32, #tpu.memory_space<vmem>>
      %dma_start3A_92 = tpu.memref_squeeze %dma_start3A_91 : memref<1x640xf32, #tpu.memory_space<vmem>> -> memref<640xf32, #tpu.memory_space<vmem>>
      %dma_start3A_93 = tpu.memref_slice %arg11[%run_scoped3A_64, %mul3A_63] : memref<16x10240xf32, #tpu.memory_space<vmem_shared>> -> memref<1x640xf32, #tpu.memory_space<vmem_shared>>
      %dma_start3A_94 = tpu.memref_squeeze %dma_start3A_93 : memref<1x640xf32, #tpu.memory_space<vmem_shared>> -> memref<640xf32, #tpu.memory_space<vmem_shared>>
      %dma_start3A_95 = arith.constant 0 : i32
      %dma_start3A_96 = tpu.memref_slice %arg10[%run_scoped3A_65, %dma_start3A_95] : memref<16x640xf32, #tpu.memory_space<vmem>> -> memref<1x640xf32, #tpu.memory_space<vmem>>
      %dma_start3A_97 = tpu.memref_squeeze %dma_start3A_96 : memref<1x640xf32, #tpu.memory_space<vmem>> -> memref<640xf32, #tpu.memory_space<vmem>>
      %dma_start3A_98 = tpu.memref_slice %arg11[%run_scoped3A_64, %mul3A_63] : memref<16x10240xf32, #tpu.memory_space<vmem_shared>> -> memref<1x640xf32, #tpu.memory_space<vmem_shared>>
      %dma_start3A_99 = tpu.memref_squeeze %dma_start3A_98 : memref<1x640xf32, #tpu.memory_space<vmem_shared>> -> memref<640xf32, #tpu.memory_space<vmem_shared>>
      tpu.enqueue_dma source(%dma_start3A_99 : memref<640xf32, #tpu.memory_space<vmem_shared>>) target(%dma_start3A_97 : memref<640xf32, #tpu.memory_space<vmem>>) target_semaphore(%run_scoped3A_90 : memref<!tpu.dma_semaphore, #tpu.memory_space<semaphore_mem>>)
      %dma_wait3A = arith.constant 0 : i32
      %dma_wait3A_100 = tpu.memref_slice %arg10[%run_scoped3A_65, %dma_wait3A] : memref<16x640xf32, #tpu.memory_space<vmem>> -> memref<1x640xf32, #tpu.memory_space<vmem>>
      %dma_wait3A_101 = tpu.memref_squeeze %dma_wait3A_100 : memref<1x640xf32, #tpu.memory_space<vmem>> -> memref<640xf32, #tpu.memory_space<vmem>>
      %dma_wait3A_102 = tpu.memref_slice %arg11[%run_scoped3A_64, %mul3A_63] : memref<16x10240xf32, #tpu.memory_space<vmem_shared>> -> memref<1x640xf32, #tpu.memory_space<vmem_shared>>
      %dma_wait3A_103 = tpu.memref_squeeze %dma_wait3A_102 : memref<1x640xf32, #tpu.memory_space<vmem_shared>> -> memref<640xf32, #tpu.memory_space<vmem_shared>>
      %dma_wait3A_104 = arith.constant 0 : i32
      %dma_wait3A_105 = tpu.memref_slice %arg10[%run_scoped3A_65, %dma_wait3A_104] : memref<16x640xf32, #tpu.memory_space<vmem>> -> memref<1x640xf32, #tpu.memory_space<vmem>>
      %dma_wait3A_106 = tpu.memref_squeeze %dma_wait3A_105 : memref<1x640xf32, #tpu.memory_space<vmem>> -> memref<640xf32, #tpu.memory_space<vmem>>
      %dma_wait3A_107 = tpu.memref_slice %arg11[%run_scoped3A_64, %mul3A_63] : memref<16x10240xf32, #tpu.memory_space<vmem_shared>> -> memref<1x640xf32, #tpu.memory_space<vmem_shared>>
      %dma_wait3A_108 = tpu.memref_squeeze %dma_wait3A_107 : memref<1x640xf32, #tpu.memory_space<vmem_shared>> -> memref<640xf32, #tpu.memory_space<vmem_shared>>
      tpu.wait_dma2 semaphore(%run_scoped3A_90 : memref<!tpu.dma_semaphore, #tpu.memory_space<semaphore_mem>>) src(%dma_wait3A_108 : memref<640xf32, #tpu.memory_space<vmem_shared>>) dst(%dma_wait3A_106 : memref<640xf32, #tpu.memory_space<vmem>>)
      tpu.yield
    }) : () -> ()
    %mul3A_66 = arith.constant 640 : i32
    %mul3A_67 = arith.muli %arg1, %mul3A_66 : i32
    %run_scoped3A_68 = arith.constant 12 : i32
    %run_scoped3A_69 = arith.constant 12 : i32
    "tpu.region"() ({
      %run_scoped3A_90 = tpu.sem_alloc : memref<!tpu.dma_semaphore, #tpu.memory_space<semaphore_mem>>
      %dma_start3A = arith.constant 0 : i32
      %dma_start3A_91 = tpu.memref_slice %arg10[%run_scoped3A_69, %dma_start3A] : memref<16x640xf32, #tpu.memory_space<vmem>> -> memref<1x640xf32, #tpu.memory_space<vmem>>
      %dma_start3A_92 = tpu.memref_squeeze %dma_start3A_91 : memref<1x640xf32, #tpu.memory_space<vmem>> -> memref<640xf32, #tpu.memory_space<vmem>>
      %dma_start3A_93 = tpu.memref_slice %arg11[%run_scoped3A_68, %mul3A_67] : memref<16x10240xf32, #tpu.memory_space<vmem_shared>> -> memref<1x640xf32, #tpu.memory_space<vmem_shared>>
      %dma_start3A_94 = tpu.memref_squeeze %dma_start3A_93 : memref<1x640xf32, #tpu.memory_space<vmem_shared>> -> memref<640xf32, #tpu.memory_space<vmem_shared>>
      %dma_start3A_95 = arith.constant 0 : i32
      %dma_start3A_96 = tpu.memref_slice %arg10[%run_scoped3A_69, %dma_start3A_95] : memref<16x640xf32, #tpu.memory_space<vmem>> -> memref<1x640xf32, #tpu.memory_space<vmem>>
      %dma_start3A_97 = tpu.memref_squeeze %dma_start3A_96 : memref<1x640xf32, #tpu.memory_space<vmem>> -> memref<640xf32, #tpu.memory_space<vmem>>
      %dma_start3A_98 = tpu.memref_slice %arg11[%run_scoped3A_68, %mul3A_67] : memref<16x10240xf32, #tpu.memory_space<vmem_shared>> -> memref<1x640xf32, #tpu.memory_space<vmem_shared>>
      %dma_start3A_99 = tpu.memref_squeeze %dma_start3A_98 : memref<1x640xf32, #tpu.memory_space<vmem_shared>> -> memref<640xf32, #tpu.memory_space<vmem_shared>>
      tpu.enqueue_dma source(%dma_start3A_99 : memref<640xf32, #tpu.memory_space<vmem_shared>>) target(%dma_start3A_97 : memref<640xf32, #tpu.memory_space<vmem>>) target_semaphore(%run_scoped3A_90 : memref<!tpu.dma_semaphore, #tpu.memory_space<semaphore_mem>>)
      %dma_wait3A = arith.constant 0 : i32
      %dma_wait3A_100 = tpu.memref_slice %arg10[%run_scoped3A_69, %dma_wait3A] : memref<16x640xf32, #tpu.memory_space<vmem>> -> memref<1x640xf32, #tpu.memory_space<vmem>>
      %dma_wait3A_101 = tpu.memref_squeeze %dma_wait3A_100 : memref<1x640xf32, #tpu.memory_space<vmem>> -> memref<640xf32, #tpu.memory_space<vmem>>
      %dma_wait3A_102 = tpu.memref_slice %arg11[%run_scoped3A_68, %mul3A_67] : memref<16x10240xf32, #tpu.memory_space<vmem_shared>> -> memref<1x640xf32, #tpu.memory_space<vmem_shared>>
      %dma_wait3A_103 = tpu.memref_squeeze %dma_wait3A_102 : memref<1x640xf32, #tpu.memory_space<vmem_shared>> -> memref<640xf32, #tpu.memory_space<vmem_shared>>
      %dma_wait3A_104 = arith.constant 0 : i32
      %dma_wait3A_105 = tpu.memref_slice %arg10[%run_scoped3A_69, %dma_wait3A_104] : memref<16x640xf32, #tpu.memory_space<vmem>> -> memref<1x640xf32, #tpu.memory_space<vmem>>
      %dma_wait3A_106 = tpu.memref_squeeze %dma_wait3A_105 : memref<1x640xf32, #tpu.memory_space<vmem>> -> memref<640xf32, #tpu.memory_space<vmem>>
      %dma_wait3A_107 = tpu.memref_slice %arg11[%run_scoped3A_68, %mul3A_67] : memref<16x10240xf32, #tpu.memory_space<vmem_shared>> -> memref<1x640xf32, #tpu.memory_space<vmem_shared>>
      %dma_wait3A_108 = tpu.memref_squeeze %dma_wait3A_107 : memref<1x640xf32, #tpu.memory_space<vmem_shared>> -> memref<640xf32, #tpu.memory_space<vmem_shared>>
      tpu.wait_dma2 semaphore(%run_scoped3A_90 : memref<!tpu.dma_semaphore, #tpu.memory_space<semaphore_mem>>) src(%dma_wait3A_108 : memref<640xf32, #tpu.memory_space<vmem_shared>>) dst(%dma_wait3A_106 : memref<640xf32, #tpu.memory_space<vmem>>)
      tpu.yield
    }) : () -> ()
    %mul3A_70 = arith.constant 640 : i32
    %mul3A_71 = arith.muli %arg1, %mul3A_70 : i32
    %run_scoped3A_72 = arith.constant 13 : i32
    %run_scoped3A_73 = arith.constant 13 : i32
    "tpu.region"() ({
      %run_scoped3A_90 = tpu.sem_alloc : memref<!tpu.dma_semaphore, #tpu.memory_space<semaphore_mem>>
      %dma_start3A = arith.constant 0 : i32
      %dma_start3A_91 = tpu.memref_slice %arg10[%run_scoped3A_73, %dma_start3A] : memref<16x640xf32, #tpu.memory_space<vmem>> -> memref<1x640xf32, #tpu.memory_space<vmem>>
      %dma_start3A_92 = tpu.memref_squeeze %dma_start3A_91 : memref<1x640xf32, #tpu.memory_space<vmem>> -> memref<640xf32, #tpu.memory_space<vmem>>
      %dma_start3A_93 = tpu.memref_slice %arg11[%run_scoped3A_72, %mul3A_71] : memref<16x10240xf32, #tpu.memory_space<vmem_shared>> -> memref<1x640xf32, #tpu.memory_space<vmem_shared>>
      %dma_start3A_94 = tpu.memref_squeeze %dma_start3A_93 : memref<1x640xf32, #tpu.memory_space<vmem_shared>> -> memref<640xf32, #tpu.memory_space<vmem_shared>>
      %dma_start3A_95 = arith.constant 0 : i32
      %dma_start3A_96 = tpu.memref_slice %arg10[%run_scoped3A_73, %dma_start3A_95] : memref<16x640xf32, #tpu.memory_space<vmem>> -> memref<1x640xf32, #tpu.memory_space<vmem>>
      %dma_start3A_97 = tpu.memref_squeeze %dma_start3A_96 : memref<1x640xf32, #tpu.memory_space<vmem>> -> memref<640xf32, #tpu.memory_space<vmem>>
      %dma_start3A_98 = tpu.memref_slice %arg11[%run_scoped3A_72, %mul3A_71] : memref<16x10240xf32, #tpu.memory_space<vmem_shared>> -> memref<1x640xf32, #tpu.memory_space<vmem_shared>>
      %dma_start3A_99 = tpu.memref_squeeze %dma_start3A_98 : memref<1x640xf32, #tpu.memory_space<vmem_shared>> -> memref<640xf32, #tpu.memory_space<vmem_shared>>
      tpu.enqueue_dma source(%dma_start3A_99 : memref<640xf32, #tpu.memory_space<vmem_shared>>) target(%dma_start3A_97 : memref<640xf32, #tpu.memory_space<vmem>>) target_semaphore(%run_scoped3A_90 : memref<!tpu.dma_semaphore, #tpu.memory_space<semaphore_mem>>)
      %dma_wait3A = arith.constant 0 : i32
      %dma_wait3A_100 = tpu.memref_slice %arg10[%run_scoped3A_73, %dma_wait3A] : memref<16x640xf32, #tpu.memory_space<vmem>> -> memref<1x640xf32, #tpu.memory_space<vmem>>
      %dma_wait3A_101 = tpu.memref_squeeze %dma_wait3A_100 : memref<1x640xf32, #tpu.memory_space<vmem>> -> memref<640xf32, #tpu.memory_space<vmem>>
      %dma_wait3A_102 = tpu.memref_slice %arg11[%run_scoped3A_72, %mul3A_71] : memref<16x10240xf32, #tpu.memory_space<vmem_shared>> -> memref<1x640xf32, #tpu.memory_space<vmem_shared>>
      %dma_wait3A_103 = tpu.memref_squeeze %dma_wait3A_102 : memref<1x640xf32, #tpu.memory_space<vmem_shared>> -> memref<640xf32, #tpu.memory_space<vmem_shared>>
      %dma_wait3A_104 = arith.constant 0 : i32
      %dma_wait3A_105 = tpu.memref_slice %arg10[%run_scoped3A_73, %dma_wait3A_104] : memref<16x640xf32, #tpu.memory_space<vmem>> -> memref<1x640xf32, #tpu.memory_space<vmem>>
      %dma_wait3A_106 = tpu.memref_squeeze %dma_wait3A_105 : memref<1x640xf32, #tpu.memory_space<vmem>> -> memref<640xf32, #tpu.memory_space<vmem>>
      %dma_wait3A_107 = tpu.memref_slice %arg11[%run_scoped3A_72, %mul3A_71] : memref<16x10240xf32, #tpu.memory_space<vmem_shared>> -> memref<1x640xf32, #tpu.memory_space<vmem_shared>>
      %dma_wait3A_108 = tpu.memref_squeeze %dma_wait3A_107 : memref<1x640xf32, #tpu.memory_space<vmem_shared>> -> memref<640xf32, #tpu.memory_space<vmem_shared>>
      tpu.wait_dma2 semaphore(%run_scoped3A_90 : memref<!tpu.dma_semaphore, #tpu.memory_space<semaphore_mem>>) src(%dma_wait3A_108 : memref<640xf32, #tpu.memory_space<vmem_shared>>) dst(%dma_wait3A_106 : memref<640xf32, #tpu.memory_space<vmem>>)
      tpu.yield
    }) : () -> ()
    %mul3A_74 = arith.constant 640 : i32
    %mul3A_75 = arith.muli %arg1, %mul3A_74 : i32
    %run_scoped3A_76 = arith.constant 14 : i32
    %run_scoped3A_77 = arith.constant 14 : i32
    "tpu.region"() ({
      %run_scoped3A_90 = tpu.sem_alloc : memref<!tpu.dma_semaphore, #tpu.memory_space<semaphore_mem>>
      %dma_start3A = arith.constant 0 : i32
      %dma_start3A_91 = tpu.memref_slice %arg10[%run_scoped3A_77, %dma_start3A] : memref<16x640xf32, #tpu.memory_space<vmem>> -> memref<1x640xf32, #tpu.memory_space<vmem>>
      %dma_start3A_92 = tpu.memref_squeeze %dma_start3A_91 : memref<1x640xf32, #tpu.memory_space<vmem>> -> memref<640xf32, #tpu.memory_space<vmem>>
      %dma_start3A_93 = tpu.memref_slice %arg11[%run_scoped3A_76, %mul3A_75] : memref<16x10240xf32, #tpu.memory_space<vmem_shared>> -> memref<1x640xf32, #tpu.memory_space<vmem_shared>>
      %dma_start3A_94 = tpu.memref_squeeze %dma_start3A_93 : memref<1x640xf32, #tpu.memory_space<vmem_shared>> -> memref<640xf32, #tpu.memory_space<vmem_shared>>
      %dma_start3A_95 = arith.constant 0 : i32
      %dma_start3A_96 = tpu.memref_slice %arg10[%run_scoped3A_77, %dma_start3A_95] : memref<16x640xf32, #tpu.memory_space<vmem>> -> memref<1x640xf32, #tpu.memory_space<vmem>>
      %dma_start3A_97 = tpu.memref_squeeze %dma_start3A_96 : memref<1x640xf32, #tpu.memory_space<vmem>> -> memref<640xf32, #tpu.memory_space<vmem>>
      %dma_start3A_98 = tpu.memref_slice %arg11[%run_scoped3A_76, %mul3A_75] : memref<16x10240xf32, #tpu.memory_space<vmem_shared>> -> memref<1x640xf32, #tpu.memory_space<vmem_shared>>
      %dma_start3A_99 = tpu.memref_squeeze %dma_start3A_98 : memref<1x640xf32, #tpu.memory_space<vmem_shared>> -> memref<640xf32, #tpu.memory_space<vmem_shared>>
      tpu.enqueue_dma source(%dma_start3A_99 : memref<640xf32, #tpu.memory_space<vmem_shared>>) target(%dma_start3A_97 : memref<640xf32, #tpu.memory_space<vmem>>) target_semaphore(%run_scoped3A_90 : memref<!tpu.dma_semaphore, #tpu.memory_space<semaphore_mem>>)
      %dma_wait3A = arith.constant 0 : i32
      %dma_wait3A_100 = tpu.memref_slice %arg10[%run_scoped3A_77, %dma_wait3A] : memref<16x640xf32, #tpu.memory_space<vmem>> -> memref<1x640xf32, #tpu.memory_space<vmem>>
      %dma_wait3A_101 = tpu.memref_squeeze %dma_wait3A_100 : memref<1x640xf32, #tpu.memory_space<vmem>> -> memref<640xf32, #tpu.memory_space<vmem>>
      %dma_wait3A_102 = tpu.memref_slice %arg11[%run_scoped3A_76, %mul3A_75] : memref<16x10240xf32, #tpu.memory_space<vmem_shared>> -> memref<1x640xf32, #tpu.memory_space<vmem_shared>>
      %dma_wait3A_103 = tpu.memref_squeeze %dma_wait3A_102 : memref<1x640xf32, #tpu.memory_space<vmem_shared>> -> memref<640xf32, #tpu.memory_space<vmem_shared>>
      %dma_wait3A_104 = arith.constant 0 : i32
      %dma_wait3A_105 = tpu.memref_slice %arg10[%run_scoped3A_77, %dma_wait3A_104] : memref<16x640xf32, #tpu.memory_space<vmem>> -> memref<1x640xf32, #tpu.memory_space<vmem>>
      %dma_wait3A_106 = tpu.memref_squeeze %dma_wait3A_105 : memref<1x640xf32, #tpu.memory_space<vmem>> -> memref<640xf32, #tpu.memory_space<vmem>>
      %dma_wait3A_107 = tpu.memref_slice %arg11[%run_scoped3A_76, %mul3A_75] : memref<16x10240xf32, #tpu.memory_space<vmem_shared>> -> memref<1x640xf32, #tpu.memory_space<vmem_shared>>
      %dma_wait3A_108 = tpu.memref_squeeze %dma_wait3A_107 : memref<1x640xf32, #tpu.memory_space<vmem_shared>> -> memref<640xf32, #tpu.memory_space<vmem_shared>>
      tpu.wait_dma2 semaphore(%run_scoped3A_90 : memref<!tpu.dma_semaphore, #tpu.memory_space<semaphore_mem>>) src(%dma_wait3A_108 : memref<640xf32, #tpu.memory_space<vmem_shared>>) dst(%dma_wait3A_106 : memref<640xf32, #tpu.memory_space<vmem>>)
      tpu.yield
    }) : () -> ()
    %mul3A_78 = arith.constant 640 : i32
    %mul3A_79 = arith.muli %arg1, %mul3A_78 : i32
    %run_scoped3A_80 = arith.constant 15 : i32
    %run_scoped3A_81 = arith.constant 15 : i32
    "tpu.region"() ({
      %run_scoped3A_90 = tpu.sem_alloc : memref<!tpu.dma_semaphore, #tpu.memory_space<semaphore_mem>>
      %dma_start3A = arith.constant 0 : i32
      %dma_start3A_91 = tpu.memref_slice %arg10[%run_scoped3A_81, %dma_start3A] : memref<16x640xf32, #tpu.memory_space<vmem>> -> memref<1x640xf32, #tpu.memory_space<vmem>>
      %dma_start3A_92 = tpu.memref_squeeze %dma_start3A_91 : memref<1x640xf32, #tpu.memory_space<vmem>> -> memref<640xf32, #tpu.memory_space<vmem>>
      %dma_start3A_93 = tpu.memref_slice %arg11[%run_scoped3A_80, %mul3A_79] : memref<16x10240xf32, #tpu.memory_space<vmem_shared>> -> memref<1x640xf32, #tpu.memory_space<vmem_shared>>
      %dma_start3A_94 = tpu.memref_squeeze %dma_start3A_93 : memref<1x640xf32, #tpu.memory_space<vmem_shared>> -> memref<640xf32, #tpu.memory_space<vmem_shared>>
      %dma_start3A_95 = arith.constant 0 : i32
      %dma_start3A_96 = tpu.memref_slice %arg10[%run_scoped3A_81, %dma_start3A_95] : memref<16x640xf32, #tpu.memory_space<vmem>> -> memref<1x640xf32, #tpu.memory_space<vmem>>
      %dma_start3A_97 = tpu.memref_squeeze %dma_start3A_96 : memref<1x640xf32, #tpu.memory_space<vmem>> -> memref<640xf32, #tpu.memory_space<vmem>>
      %dma_start3A_98 = tpu.memref_slice %arg11[%run_scoped3A_80, %mul3A_79] : memref<16x10240xf32, #tpu.memory_space<vmem_shared>> -> memref<1x640xf32, #tpu.memory_space<vmem_shared>>
      %dma_start3A_99 = tpu.memref_squeeze %dma_start3A_98 : memref<1x640xf32, #tpu.memory_space<vmem_shared>> -> memref<640xf32, #tpu.memory_space<vmem_shared>>
      tpu.enqueue_dma source(%dma_start3A_99 : memref<640xf32, #tpu.memory_space<vmem_shared>>) target(%dma_start3A_97 : memref<640xf32, #tpu.memory_space<vmem>>) target_semaphore(%run_scoped3A_90 : memref<!tpu.dma_semaphore, #tpu.memory_space<semaphore_mem>>)
      %dma_wait3A = arith.constant 0 : i32
      %dma_wait3A_100 = tpu.memref_slice %arg10[%run_scoped3A_81, %dma_wait3A] : memref<16x640xf32, #tpu.memory_space<vmem>> -> memref<1x640xf32, #tpu.memory_space<vmem>>
      %dma_wait3A_101 = tpu.memref_squeeze %dma_wait3A_100 : memref<1x640xf32, #tpu.memory_space<vmem>> -> memref<640xf32, #tpu.memory_space<vmem>>
      %dma_wait3A_102 = tpu.memref_slice %arg11[%run_scoped3A_80, %mul3A_79] : memref<16x10240xf32, #tpu.memory_space<vmem_shared>> -> memref<1x640xf32, #tpu.memory_space<vmem_shared>>
      %dma_wait3A_103 = tpu.memref_squeeze %dma_wait3A_102 : memref<1x640xf32, #tpu.memory_space<vmem_shared>> -> memref<640xf32, #tpu.memory_space<vmem_shared>>
      %dma_wait3A_104 = arith.constant 0 : i32
      %dma_wait3A_105 = tpu.memref_slice %arg10[%run_scoped3A_81, %dma_wait3A_104] : memref<16x640xf32, #tpu.memory_space<vmem>> -> memref<1x640xf32, #tpu.memory_space<vmem>>
      %dma_wait3A_106 = tpu.memref_squeeze %dma_wait3A_105 : memref<1x640xf32, #tpu.memory_space<vmem>> -> memref<640xf32, #tpu.memory_space<vmem>>
      %dma_wait3A_107 = tpu.memref_slice %arg11[%run_scoped3A_80, %mul3A_79] : memref<16x10240xf32, #tpu.memory_space<vmem_shared>> -> memref<1x640xf32, #tpu.memory_space<vmem_shared>>
      %dma_wait3A_108 = tpu.memref_squeeze %dma_wait3A_107 : memref<1x640xf32, #tpu.memory_space<vmem_shared>> -> memref<640xf32, #tpu.memory_space<vmem_shared>>
      tpu.wait_dma2 semaphore(%run_scoped3A_90 : memref<!tpu.dma_semaphore, #tpu.memory_space<semaphore_mem>>) src(%dma_wait3A_108 : memref<640xf32, #tpu.memory_space<vmem_shared>>) dst(%dma_wait3A_106 : memref<640xf32, #tpu.memory_space<vmem>>)
      tpu.yield
    }) : () -> ()
    %scan3A_82 = arith.constant 0 : i32
    %scan3A_83 = arith.constant 0 : i32
    %scan3A_84 = arith.constant 40 : i32
    %scan3A_85 = arith.addi %scan3A_83, %scan3A_84 : i32
    %scan3A_86 = arith.constant 1 : i32
    scf.for %scan3A_90 = %scan3A_83 to %scan3A_85 step %scan3A_86  : i32 {
      %mul3A_91 = arith.constant 16 : i32
      %mul3A_92 = arith.muli %scan3A_90, %mul3A_91 : i32
      %get3A = arith.constant 0 : i32
      %get3A_93 = arith.index_cast %get3A : i32 to index
      %get3A_94 = arith.index_cast %mul3A_92 : i32 to index
      %get3A_95 = tpu.vector_load %arg10[%get3A_93, %get3A_94] {strides = array<i32>} : memref<16x640xf32, #tpu.memory_space<vmem>>, vector<16xf32>,
      %get3A_96 = arith.constant 1 : i32
      %get3A_97 = arith.index_cast %get3A_96 : i32 to index
      %get3A_98 = arith.index_cast %mul3A_92 : i32 to index
      %get3A_99 = tpu.vector_load %arg10[%get3A_97, %get3A_98] {strides = array<i32>} : memref<16x640xf32, #tpu.memory_space<vmem>>, vector<16xf32>,
      %add3A_100 = arith.addf %get3A_95, %get3A_99 : vector<16xf32>
      %get3A_101 = arith.constant 2 : i32
      %get3A_102 = arith.index_cast %get3A_101 : i32 to index
      %get3A_103 = arith.index_cast %mul3A_92 : i32 to index
      %get3A_104 = tpu.vector_load %arg10[%get3A_102, %get3A_103] {strides = array<i32>} : memref<16x640xf32, #tpu.memory_space<vmem>>, vector<16xf32>,
      %add3A_105 = arith.addf %add3A_100, %get3A_104 : vector<16xf32>
      %get3A_106 = arith.constant 3 : i32
      %get3A_107 = arith.index_cast %get3A_106 : i32 to index
      %get3A_108 = arith.index_cast %mul3A_92 : i32 to index
      %get3A_109 = tpu.vector_load %arg10[%get3A_107, %get3A_108] {strides = array<i32>} : memref<16x640xf32, #tpu.memory_space<vmem>>, vector<16xf32>,
      %add3A_110 = arith.addf %add3A_105, %get3A_109 : vector<16xf32>
      %get3A_111 = arith.constant 4 : i32
      %get3A_112 = arith.index_cast %get3A_111 : i32 to index
      %get3A_113 = arith.index_cast %mul3A_92 : i32 to index
      %get3A_114 = tpu.vector_load %arg10[%get3A_112, %get3A_113] {strides = array<i32>} : memref<16x640xf32, #tpu.memory_space<vmem>>, vector<16xf32>,
      %add3A_115 = arith.addf %add3A_110, %get3A_114 : vector<16xf32>
      %get3A_116 = arith.constant 5 : i32
      %get3A_117 = arith.index_cast %get3A_116 : i32 to index
      %get3A_118 = arith.index_cast %mul3A_92 : i32 to index
      %get3A_119 = tpu.vector_load %arg10[%get3A_117, %get3A_118] {strides = array<i32>} : memref<16x640xf32, #tpu.memory_space<vmem>>, vector<16xf32>,
      %add3A_120 = arith.addf %add3A_115, %get3A_119 : vector<16xf32>
      %get3A_121 = arith.constant 6 : i32
      %get3A_122 = arith.index_cast %get3A_121 : i32 to index
      %get3A_123 = arith.index_cast %mul3A_92 : i32 to index
      %get3A_124 = tpu.vector_load %arg10[%get3A_122, %get3A_123] {strides = array<i32>} : memref<16x640xf32, #tpu.memory_space<vmem>>, vector<16xf32>,
      %add3A_125 = arith.addf %add3A_120, %get3A_124 : vector<16xf32>
      %get3A_126 = arith.constant 7 : i32
      %get3A_127 = arith.index_cast %get3A_126 : i32 to index
      %get3A_128 = arith.index_cast %mul3A_92 : i32 to index
      %get3A_129 = tpu.vector_load %arg10[%get3A_127, %get3A_128] {strides = array<i32>} : memref<16x640xf32, #tpu.memory_space<vmem>>, vector<16xf32>,
      %add3A_130 = arith.addf %add3A_125, %get3A_129 : vector<16xf32>
      %get3A_131 = arith.constant 8 : i32
      %get3A_132 = arith.index_cast %get3A_131 : i32 to index
      %get3A_133 = arith.index_cast %mul3A_92 : i32 to index
      %get3A_134 = tpu.vector_load %arg10[%get3A_132, %get3A_133] {strides = array<i32>} : memref<16x640xf32, #tpu.memory_space<vmem>>, vector<16xf32>,
      %add3A_135 = arith.addf %add3A_130, %get3A_134 : vector<16xf32>
      %get3A_136 = arith.constant 9 : i32
      %get3A_137 = arith.index_cast %get3A_136 : i32 to index
      %get3A_138 = arith.index_cast %mul3A_92 : i32 to index
      %get3A_139 = tpu.vector_load %arg10[%get3A_137, %get3A_138] {strides = array<i32>} : memref<16x640xf32, #tpu.memory_space<vmem>>, vector<16xf32>,
      %add3A_140 = arith.addf %add3A_135, %get3A_139 : vector<16xf32>
      %get3A_141 = arith.constant 10 : i32
      %get3A_142 = arith.index_cast %get3A_141 : i32 to index
      %get3A_143 = arith.index_cast %mul3A_92 : i32 to index
      %get3A_144 = tpu.vector_load %arg10[%get3A_142, %get3A_143] {strides = array<i32>} : memref<16x640xf32, #tpu.memory_space<vmem>>, vector<16xf32>,
      %add3A_145 = arith.addf %add3A_140, %get3A_144 : vector<16xf32>
      %get3A_146 = arith.constant 11 : i32
      %get3A_147 = arith.index_cast %get3A_146 : i32 to index
      %get3A_148 = arith.index_cast %mul3A_92 : i32 to index
      %get3A_149 = tpu.vector_load %arg10[%get3A_147, %get3A_148] {strides = array<i32>} : memref<16x640xf32, #tpu.memory_space<vmem>>, vector<16xf32>,
      %add3A_150 = arith.addf %add3A_145, %get3A_149 : vector<16xf32>
      %get3A_151 = arith.constant 12 : i32
      %get3A_152 = arith.index_cast %get3A_151 : i32 to index
      %get3A_153 = arith.index_cast %mul3A_92 : i32 to index
      %get3A_154 = tpu.vector_load %arg10[%get3A_152, %get3A_153] {strides = array<i32>} : memref<16x640xf32, #tpu.memory_space<vmem>>, vector<16xf32>,
      %add3A_155 = arith.addf %add3A_150, %get3A_154 : vector<16xf32>
      %get3A_156 = arith.constant 13 : i32
      %get3A_157 = arith.index_cast %get3A_156 : i32 to index
      %get3A_158 = arith.index_cast %mul3A_92 : i32 to index
      %get3A_159 = tpu.vector_load %arg10[%get3A_157, %get3A_158] {strides = array<i32>} : memref<16x640xf32, #tpu.memory_space<vmem>>, vector<16xf32>,
      %add3A_160 = arith.addf %add3A_155, %get3A_159 : vector<16xf32>
      %get3A_161 = arith.constant 14 : i32
      %get3A_162 = arith.index_cast %get3A_161 : i32 to index
      %get3A_163 = arith.index_cast %mul3A_92 : i32 to index
      %get3A_164 = tpu.vector_load %arg10[%get3A_162, %get3A_163] {strides = array<i32>} : memref<16x640xf32, #tpu.memory_space<vmem>>, vector<16xf32>,
      %add3A_165 = arith.addf %add3A_160, %get3A_164 : vector<16xf32>
      %get3A_166 = arith.constant 15 : i32
      %get3A_167 = arith.index_cast %get3A_166 : i32 to index
      %get3A_168 = arith.index_cast %mul3A_92 : i32 to index
      %get3A_169 = tpu.vector_load %arg10[%get3A_167, %get3A_168] {strides = array<i32>} : memref<16x640xf32, #tpu.memory_space<vmem>>, vector<16xf32>,
      %add3A_170 = arith.addf %add3A_165, %get3A_169 : vector<16xf32>
      %swap3A = arith.index_cast %mul3A_92 : i32 to index
      %swap3A_171 = tpu.vector_load %arg9[%swap3A] {strides = array<i32>} : memref<640xf32, #tpu.memory_space<vmem>>, vector<16xf32>,
      tpu.vector_store %arg9[%swap3A], %add3A_170 {strides = array<i32>} : memref<640xf32, #tpu.memory_space<vmem>>, vector<16xf32>,
    }
    %scan3A_87 = arith.constant 40 : i32
    %mul3A_88 = arith.constant 640 : i32
    %mul3A_89 = arith.muli %arg1, %mul3A_88 : i32
    "tpu.region"() ({
      %run_scoped3A_90 = tpu.sem_alloc : memref<!tpu.dma_semaphore, #tpu.memory_space<semaphore_mem>>
      %dma_start3A = tpu.memref_slice %arg4[%arg0, %mul3A_89] : memref<2x10240xf32, #tpu.memory_space<hbm>> -> memref<1x640xf32, #tpu.memory_space<hbm>>
      %dma_start3A_91 = tpu.memref_squeeze %dma_start3A : memref<1x640xf32, #tpu.memory_space<hbm>> -> memref<640xf32, #tpu.memory_space<hbm>>
      %dma_start3A_92 = tpu.memref_slice %arg4[%arg0, %mul3A_89] : memref<2x10240xf32, #tpu.memory_space<hbm>> -> memref<1x640xf32, #tpu.memory_space<hbm>>
      %dma_start3A_93 = tpu.memref_squeeze %dma_start3A_92 : memref<1x640xf32, #tpu.memory_space<hbm>> -> memref<640xf32, #tpu.memory_space<hbm>>
      tpu.enqueue_dma source(%arg9 : memref<640xf32, #tpu.memory_space<vmem>>) target(%dma_start3A_93 : memref<640xf32, #tpu.memory_space<hbm>>) target_semaphore(%run_scoped3A_90 : memref<!tpu.dma_semaphore, #tpu.memory_space<semaphore_mem>>)
      %dma_wait3A = tpu.memref_slice %arg4[%arg0, %mul3A_89] : memref<2x10240xf32, #tpu.memory_space<hbm>> -> memref<1x640xf32, #tpu.memory_space<hbm>>
      %dma_wait3A_94 = tpu.memref_squeeze %dma_wait3A : memref<1x640xf32, #tpu.memory_space<hbm>> -> memref<640xf32, #tpu.memory_space<hbm>>
      %dma_wait3A_95 = tpu.memref_slice %arg4[%arg0, %mul3A_89] : memref<2x10240xf32, #tpu.memory_space<hbm>> -> memref<1x640xf32, #tpu.memory_space<hbm>>
      %dma_wait3A_96 = tpu.memref_squeeze %dma_wait3A_95 : memref<1x640xf32, #tpu.memory_space<hbm>> -> memref<640xf32, #tpu.memory_space<hbm>>
      tpu.wait_dma2 semaphore(%run_scoped3A_90 : memref<!tpu.dma_semaphore, #tpu.memory_space<semaphore_mem>>) src(%arg9 : memref<640xf32, #tpu.memory_space<vmem>>) dst(%dma_wait3A_96 : memref<640xf32, #tpu.memory_space<hbm>>)
      tpu.yield
    }) : () -> ()
    return
  }
}

module attributes {stable_mosaic.version = 14 : i64} {
  func.func @body(%arg0: i32, %arg1: memref<32x2048xf32, #tpu.memory_space<vmem>>, %arg2: memref<2048x64xf32, #tpu.memory_space<vmem>>, %arg3: memref<2048x64xf32, #tpu.memory_space<vmem>>, %arg4: memref<2048x1xf32, #tpu.memory_space<vmem>>, %arg5: memref<2048xf32, #tpu.memory_space<vmem>>) attributes {dimension_semantics = [#tpu.dimension_semantics<arbitrary>], iteration_bounds = array<i64: 5>, scalar_prefetch = 0 : i64, scratch_operands = 0 : i64, tpu.core_type = #tpu.core_type<tc>, window_params = [{transform_indices = @transform_0, window_bounds = array<i64: 32, 2048>}, {transform_indices = @transform_1, window_bounds = array<i64: 2048, 64>}, {transform_indices = @transform_2, window_bounds = array<i64: 2048, 64>}, {transform_indices = @transform_3, window_bounds = array<i64: 2048, 1>}, {transform_indices = @transform_4, window_bounds = array<i64: 2048>}]} {
    %get3A = arith.constant 0 : index
    %get3A_0 = arith.constant 0 : index
    %get3A_1 = vector.load %arg1[%get3A, %get3A_0] : memref<32x2048xf32, #tpu.memory_space<vmem>>, vector<32x2048xf32>
    %reduce_sum3A = arith.constant dense<0.000000e+00> : vector<2048xf32>
    %reduce_sum3A_2 = vector.multi_reduction <add>, %get3A_1, %reduce_sum3A [0] : vector<32x2048xf32> to vector<2048xf32>
    %add3A = arith.constant 1.000000e+00 : f32
    %add3A_3 = vector.broadcast %add3A : f32 to vector<2048xf32>
    %add3A_4 = arith.addf %reduce_sum3A_2, %add3A_3 : vector<2048xf32>
    %rsqrt3A = math.rsqrt %add3A_4 : vector<2048xf32>
    %swap3A = arith.constant 0 : index
    %swap3A_5 = vector.load %arg5[%swap3A] : memref<2048xf32, #tpu.memory_space<vmem>>, vector<2048xf32>
    tpu.vector_store %arg5[%swap3A], %rsqrt3A {strides = array<i32>} : memref<2048xf32, #tpu.memory_space<vmem>>, vector<2048xf32>,
    %broadcast_in_dim3A = vector.shape_cast %rsqrt3A : vector<2048xf32> to vector<2048x1xf32>
    %swap3A_6 = arith.constant 0 : index
    %swap3A_7 = arith.constant 0 : index
    %swap3A_8 = vector.load %arg4[%swap3A_6, %swap3A_7] : memref<2048x1xf32, #tpu.memory_space<vmem>>, vector<2048x1xf32>
    tpu.vector_store %arg4[%swap3A_6, %swap3A_7], %broadcast_in_dim3A {strides = array<i32>} : memref<2048x1xf32, #tpu.memory_space<vmem>>, vector<2048x1xf32>,
    %get3A_9 = arith.constant 0 : index
    %get3A_10 = arith.constant 0 : index
    %get3A_11 = vector.load %arg2[%get3A_9, %get3A_10] : memref<2048x64xf32, #tpu.memory_space<vmem>>, vector<2048x64xf32>
    %broadcast_in_dim3A_12 = vector.shape_cast %rsqrt3A : vector<2048xf32> to vector<2048x1xf32>
    %mul3A = vector.broadcast %broadcast_in_dim3A_12 : vector<2048x1xf32> to vector<2048x64xf32>
    %mul3A_13 = arith.mulf %get3A_11, %mul3A : vector<2048x64xf32>
    %swap3A_14 = arith.constant 0 : index
    %swap3A_15 = arith.constant 0 : index
    %swap3A_16 = vector.load %arg3[%swap3A_14, %swap3A_15] : memref<2048x64xf32, #tpu.memory_space<vmem>>, vector<2048x64xf32>
    tpu.vector_store %arg3[%swap3A_14, %swap3A_15], %mul3A_13 {strides = array<i32>} : memref<2048x64xf32, #tpu.memory_space<vmem>>, vector<2048x64xf32>,
    return
  }
  func.func @transform_0(%arg0: i32) -> (i32, i32) {
    %c0_i32 = arith.constant 0 : i32
    %c0_i32_0 = arith.constant 0 : i32
    return %c0_i32, %arg0 : i32, i32
  }
  func.func @transform_1(%arg0: i32) -> (i32, i32) {
    %c0_i32 = arith.constant 0 : i32
    %c0_i32_0 = arith.constant 0 : i32
    return %arg0, %c0_i32 : i32, i32
  }
  func.func @transform_2(%arg0: i32) -> (i32, i32) {
    %c0_i32 = arith.constant 0 : i32
    %c0_i32_0 = arith.constant 0 : i32
    return %arg0, %c0_i32 : i32, i32
  }
  func.func @transform_3(%arg0: i32) -> (i32, i32) {
    %c0_i32 = arith.constant 0 : i32
    %c0_i32_0 = arith.constant 0 : i32
    return %arg0, %c0_i32 : i32, i32
  }
  func.func @transform_4(%arg0: i32) -> i32 {
    %c0_i32 = arith.constant 0 : i32
    return %arg0 : i32
  }
}

module attributes {stable_mosaic.version = 14 : i64} {
  func.func @body(%arg0: memref<10000x128xf32, #tpu.memory_space<vmem>>, %arg1: memref<128x64xf32, #tpu.memory_space<vmem>>, %arg2: memref<10000x64xf32, #tpu.memory_space<vmem>>) attributes {dimension_semantics = [], scalar_prefetch = 0 : i64, scratch_operands = 0 : i64, tpu.core_type = #tpu.core_type<tc>} {
    %get3A = arith.constant 0 : index
    %get3A_0 = arith.constant 0 : index
    %get3A_1 = vector.load %arg0[%get3A, %get3A_0] : memref<10000x128xf32, #tpu.memory_space<vmem>>, vector<10000x128xf32>
    %get3A_2 = arith.constant 0 : index
    %get3A_3 = arith.constant 0 : index
    %get3A_4 = vector.load %arg1[%get3A_2, %get3A_3] : memref<128x64xf32, #tpu.memory_space<vmem>>, vector<128x64xf32>
    %dot_general3A = arith.constant dense<0.000000e+00> : vector<10000x64xf32>
    %dot_general3A_5 = tpu.matmul %get3A_1, %get3A_4, %dot_general3A {dimension_numbers = #tpu.dot_dimension_numbers<[1], [0], [0], [1], [0, 0, 1, 1], [], []>, transpose_lhs_hint = false} : vector<10000x128xf32>, vector<128x64xf32>, vector<10000x64xf32> -> vector<10000x64xf32>
    %swap3A = arith.constant 0 : index
    %swap3A_6 = arith.constant 0 : index
    %swap3A_7 = vector.load %arg2[%swap3A, %swap3A_6] : memref<10000x64xf32, #tpu.memory_space<vmem>>, vector<10000x64xf32>
    tpu.vector_store %arg2[%swap3A, %swap3A_6], %dot_general3A_5 {strides = array<i32>} : memref<10000x64xf32, #tpu.memory_space<vmem>>, vector<10000x64xf32>,
    return
  }
}

module attributes {stable_mosaic.version = 14 : i64} {
  func.func @body(%arg0: i32, %arg1: memref<2x2048x64xf32, #tpu.memory_space<vmem>>, %arg2: memref<2048x64xf32, #tpu.memory_space<vmem>>, %arg3: memref<2048x1xf32, #tpu.memory_space<vmem>>, %arg4: memref<2048xf32, #tpu.memory_space<vmem>>, %arg5: memref<1x64xf32, #tpu.memory_space<vmem>>, %arg6: memref<64x1xf32, #tpu.memory_space<vmem>>, %arg7: memref<1xf32, #tpu.memory_space<vmem>>, %arg8: memref<2048xf32, #tpu.memory_space<vmem>>, %arg9: memref<2048xf32, #tpu.memory_space<vmem>>) attributes {dimension_semantics = [#tpu.dimension_semantics<arbitrary>], iteration_bounds = array<i64: 5>, scalar_prefetch = 0 : i64, scratch_operands = 0 : i64, tpu.core_type = #tpu.core_type<tc>, window_params = [{transform_indices = @transform_0, window_bounds = array<i64: 2, 2048, 64>}, {transform_indices = @transform_1, window_bounds = array<i64: 2048, 64>}, {transform_indices = @transform_2, window_bounds = array<i64: 2048, 1>}, {transform_indices = @transform_3, window_bounds = array<i64: 2048>}, {pipeline_mode = #tpu.pipeline_mode<synchronous>, transform_indices = @transform_4, window_bounds = array<i64: 1, 64>}, {pipeline_mode = #tpu.pipeline_mode<synchronous>, transform_indices = @transform_5, window_bounds = array<i64: 64, 1>}, {pipeline_mode = #tpu.pipeline_mode<synchronous>, transform_indices = @transform_6, window_bounds = array<i64: 1>}, {transform_indices = @transform_7, window_bounds = array<i64: 2048>}, {transform_indices = @transform_8, window_bounds = array<i64: 2048>}]} {
    %get3A = arith.constant 0 : index
    %get3A_0 = arith.constant 0 : index
    %get3A_1 = arith.constant 0 : index
    %get3A_2 = vector.load %arg1[%get3A, %get3A_0, %get3A_1] : memref<2x2048x64xf32, #tpu.memory_space<vmem>>, vector<1x2048x64xf32>
    %get3A_3 = vector.shape_cast %get3A_2 : vector<1x2048x64xf32> to vector<2048x64xf32>
    %get3A_4 = arith.constant 1 : index
    %get3A_5 = arith.constant 0 : index
    %get3A_6 = arith.constant 0 : index
    %get3A_7 = vector.load %arg1[%get3A_4, %get3A_5, %get3A_6] : memref<2x2048x64xf32, #tpu.memory_space<vmem>>, vector<1x2048x64xf32>
    %get3A_8 = vector.shape_cast %get3A_7 : vector<1x2048x64xf32> to vector<2048x64xf32>
    %add3A = arith.addf %get3A_3, %get3A_8 : vector<2048x64xf32>
    %get3A_9 = arith.constant 0 : index
    %get3A_10 = arith.constant 0 : index
    %get3A_11 = vector.load %arg2[%get3A_9, %get3A_10] : memref<2048x64xf32, #tpu.memory_space<vmem>>, vector<2048x64xf32>
    %add3A_12 = arith.addf %add3A, %get3A_11 : vector<2048x64xf32>
    %get3A_13 = arith.constant 0 : index
    %get3A_14 = arith.constant 0 : index
    %get3A_15 = vector.load %arg3[%get3A_13, %get3A_14] : memref<2048x1xf32, #tpu.memory_space<vmem>>, vector<2048x1xf32>
    %mul3A = vector.broadcast %get3A_15 : vector<2048x1xf32> to vector<2048x64xf32>
    %mul3A_16 = arith.mulf %add3A_12, %mul3A : vector<2048x64xf32>
    %get3A_17 = arith.constant 0 : index
    %get3A_18 = arith.constant 0 : index
    %get3A_19 = vector.load %arg5[%get3A_17, %get3A_18] : memref<1x64xf32, #tpu.memory_space<vmem>>, vector<1x64xf32>
    %add3A_20 = vector.broadcast %get3A_19 : vector<1x64xf32> to vector<2048x64xf32>
    %add3A_21 = arith.addf %mul3A_16, %add3A_20 : vector<2048x64xf32>
    %max3A = arith.constant 0.000000e+00 : f32
    %max3A_22 = vector.broadcast %max3A : f32 to vector<2048x64xf32>
    %max3A_23 = arith.maximumf %add3A_21, %max3A_22 : vector<2048x64xf32>
    %get3A_24 = arith.constant 0 : index
    %get3A_25 = arith.constant 0 : index
    %get3A_26 = vector.load %arg6[%get3A_24, %get3A_25] : memref<64x1xf32, #tpu.memory_space<vmem>>, vector<64x1xf32>
    %dot_general3A = arith.constant dense<0.000000e+00> : vector<2048x1xf32>
    %dot_general3A_27 = tpu.matmul %max3A_23, %get3A_26, %dot_general3A {dimension_numbers = #tpu.dot_dimension_numbers<[1], [0], [0], [1], [0, 0, 1, 1], [], []>, transpose_lhs_hint = false} : vector<2048x64xf32>, vector<64x1xf32>, vector<2048x1xf32> -> vector<2048x1xf32>
    %squeeze3A = vector.shape_cast %dot_general3A_27 : vector<2048x1xf32> to vector<2048xf32>
    %get3A_28 = arith.constant 0 : index
    %get3A_29 = vector.load %arg4[%get3A_28] : memref<2048xf32, #tpu.memory_space<vmem>>, vector<2048xf32>
    %mul3A_30 = arith.mulf %get3A_29, %squeeze3A : vector<2048xf32>
    %swap3A = arith.constant 0 : index
    %swap3A_31 = vector.load %arg8[%swap3A] : memref<2048xf32, #tpu.memory_space<vmem>>, vector<2048xf32>
    tpu.vector_store %arg8[%swap3A], %mul3A_30 {strides = array<i32>} : memref<2048xf32, #tpu.memory_space<vmem>>, vector<2048xf32>,
    %mul3A_32 = arith.mulf %get3A_29, %mul3A_30 : vector<2048xf32>
    %get3A_33 = arith.constant 0 : index
    %get3A_34 = vector.load %arg7[%get3A_33] : memref<1xf32, #tpu.memory_space<vmem>>, vector<1xf32>
    %add3A_35 = vector.broadcast %get3A_34 : vector<1xf32> to vector<2048xf32>
    %add3A_36 = arith.addf %mul3A_32, %add3A_35 : vector<2048xf32>
    %swap3A_37 = arith.constant 0 : index
    %swap3A_38 = vector.load %arg9[%swap3A_37] : memref<2048xf32, #tpu.memory_space<vmem>>, vector<2048xf32>
    tpu.vector_store %arg9[%swap3A_37], %add3A_36 {strides = array<i32>} : memref<2048xf32, #tpu.memory_space<vmem>>, vector<2048xf32>,
    return
  }
  func.func @transform_0(%arg0: i32) -> (i32, i32, i32) {
    %c0_i32 = arith.constant 0 : i32
    %c0_i32_0 = arith.constant 0 : i32
    %c0_i32_1 = arith.constant 0 : i32
    return %c0_i32, %arg0, %c0_i32_0 : i32, i32, i32
  }
  func.func @transform_1(%arg0: i32) -> (i32, i32) {
    %c0_i32 = arith.constant 0 : i32
    %c0_i32_0 = arith.constant 0 : i32
    return %arg0, %c0_i32 : i32, i32
  }
  func.func @transform_2(%arg0: i32) -> (i32, i32) {
    %c0_i32 = arith.constant 0 : i32
    %c0_i32_0 = arith.constant 0 : i32
    return %arg0, %c0_i32 : i32, i32
  }
  func.func @transform_3(%arg0: i32) -> i32 {
    %c0_i32 = arith.constant 0 : i32
    return %arg0 : i32
  }
  func.func @transform_4(%arg0: i32) -> (i32, i32) {
    %c0_i32 = arith.constant 0 : i32
    %c0_i32_0 = arith.constant 0 : i32
    %c0_i32_1 = arith.constant 0 : i32
    return %c0_i32, %c0_i32_0 : i32, i32
  }
  func.func @transform_5(%arg0: i32) -> (i32, i32) {
    %c0_i32 = arith.constant 0 : i32
    %c0_i32_0 = arith.constant 0 : i32
    %c0_i32_1 = arith.constant 0 : i32
    return %c0_i32, %c0_i32_0 : i32, i32
  }
  func.func @transform_6(%arg0: i32) -> i32 {
    %c0_i32 = arith.constant 0 : i32
    %c0_i32_0 = arith.constant 0 : i32
    return %c0_i32 : i32
  }
  func.func @transform_7(%arg0: i32) -> i32 {
    %c0_i32 = arith.constant 0 : i32
    return %arg0 : i32
  }
  func.func @transform_8(%arg0: i32) -> i32 {
    %c0_i32 = arith.constant 0 : i32
    return %arg0 : i32
  }
}

module attributes {stable_mosaic.version = 14 : i64} {
  func.func @body(%arg0: memref<2x10240xf32, #tpu.memory_space<vmem>>, %arg1: memref<10240xf32, #tpu.memory_space<vmem>>, %arg2: memref<10240xf32, #tpu.memory_space<vmem>>, %arg3: memref<10240xf32, #tpu.memory_space<vmem>>) attributes {dimension_semantics = [], scalar_prefetch = 0 : i64, scratch_operands = 0 : i64, tpu.core_type = #tpu.core_type<tc>} {
    %get3A = arith.constant 0 : index
    %get3A_0 = vector.load %arg1[%get3A] : memref<10240xf32, #tpu.memory_space<vmem>>, vector<10240xf32>
    %get3A_1 = arith.constant 0 : index
    %get3A_2 = arith.constant 0 : index
    %get3A_3 = vector.load %arg0[%get3A_1, %get3A_2] : memref<2x10240xf32, #tpu.memory_space<vmem>>, vector<1x10240xf32>
    %get3A_4 = vector.shape_cast %get3A_3 : vector<1x10240xf32> to vector<10240xf32>
    %get3A_5 = arith.constant 1 : index
    %get3A_6 = arith.constant 0 : index
    %get3A_7 = vector.load %arg0[%get3A_5, %get3A_6] : memref<2x10240xf32, #tpu.memory_space<vmem>>, vector<1x10240xf32>
    %get3A_8 = vector.shape_cast %get3A_7 : vector<1x10240xf32> to vector<10240xf32>
    %add3A = arith.addf %get3A_4, %get3A_8 : vector<10240xf32>
    %mul3A = arith.mulf %get3A_0, %add3A : vector<10240xf32>
    %get3A_9 = arith.constant 0 : index
    %get3A_10 = vector.load %arg2[%get3A_9] : memref<10240xf32, #tpu.memory_space<vmem>>, vector<10240xf32>
    %add3A_11 = arith.addf %mul3A, %get3A_10 : vector<10240xf32>
    %swap3A = arith.constant 0 : index
    %swap3A_12 = vector.load %arg3[%swap3A] : memref<10240xf32, #tpu.memory_space<vmem>>, vector<10240xf32>
    tpu.vector_store %arg3[%swap3A], %add3A_11 {strides = array<i32>} : memref<10240xf32, #tpu.memory_space<vmem>>, vector<10240xf32>,
    return
  }
}

</mosaic_0001>

<sc_bundles>
// kernel: kernel.12.cloned.1.call-start
scs
__scs_entry_jumppad:
0x0: {  	(pc) =	sbr.rel $0x88, $3  }
0x1: {  	(tag) =	ssettag $0x0;
	lr =	simm.s32 $0x1  }
0x2: {  	[smem:$0x3F9B] =	sst lr;
	_ =	strace $0xD0000000  }
0x3: {  	_ = 	snop  }
0x4: {  	_ = 	snop  }
0x5: {  	_ = 	snop  }
0x6: {  	_ = 	snop  }
0x7: {  	_ = 	snop  }
__scs_overlays_trampoline_lowered:
0x8: {  	[smem:$0x3FAA] =	sst s0  }
0x9: {  	[smem:$0x3FAB] =	sst s1  }
0xa: {  	[smem:$0x3FAC] =	sst s2  }
0xb: {  	[smem:$0x3FAD] =	sst s3  }
0xc: {  	[smem:$0x3FAE] =	sst s4  }
0xd: {  	[smem:$0x3FAF] =	sst s5  }
0xe: {  	[smem:$0x3FB0] =	sst s6  }
0xf: {  	[smem:$0x3FB1] =	sst s7  }
0x10: {  	[smem:$0x3FB2] =	sst s8  }
0x11: {  	[smem:$0x3FB3] =	sst s9;
	s0 =	simm.s32 @!p0 $0x0  }
0x12: {  	s1 =	sld [smem:$0x3F99];
	s0 =	simm.s32 @p0 $0x1  }
0x13: {  	[smem:$0x3FB4] =	sst s0;
	s0 =	simm.s32 @!p1 $0x0  }
0x14: {  	s2 =	sld [smem:$0x3F98];
	s0 =	simm.s32 @p1 $0x1  }
0x15: {  	[smem:$0x3FB5] =	sst s0;
	s0 =	simm.s32 @!p2 $0x0  }
0x16: {  	s3 =	sld [smem:$0x3FDB];
	s0 =	simm.s32 @p2 $0x1  }
0x17: {  	s4 =	simm.s32 $0x1BF5;
	[smem:$0x3FB7] =	sst s0  }
0x18: {  	s0 =	sld [smem:$0x3F9A];
	_ =	swait.ge [sflag:s4], $0x0  }
0x19: {  	s7 =	sld [smem:$0x3F9B]  }
0x1a: {  	s8 =	sadd.s32 $0xFFFFE003, lr  }
0x1b: {  	s9 =	sadd.s32 $0xFFFFFEF7, lr;
	s5 =	simm.s32 $0xFFFFFFFF;
	p2 =	slt.u32 s8, $0xFFFFF086  }
0x1c: {  	p1 =	slt.u32 s9, $0xF7A;
	s5 =	simm.s32 @!p2 $0x0  }
0x1d: {  	s5 =	simm.s32 @p1 $0x1;
	p0 =	seq.s32 s7, s2  }
0x1e: {  	s7 =	smul.u32 @!p0 $0xF7A, s2;
	p2 =	seq.s32 @!p0 s5, $0x0  }
0x1f: {  	s9 =	smul.u32 $0xF7A, s1;
	s8 =	simm.s32 @!p0 $0x1BF5;
	p2 =	por !p2, p0  }
0x20: {  	[sflag:s8] =	ssyncset.s32 @!p0 $0xFFFFF086;
	s6 =	sadd.s32 @!p0 s3, s7;
	s7 =	simm.s32 @!p0 $0x108  }
0x21: {  	s3 =	sadd.s32 s3, s9;
	s6 =	sadd.s32 @!p0 $0x88, s6;
	s7 =	simm.s32 @p2 $0x1082  }
0x22: {  	[simem:s7], [sflag:s8] =	dma.local @!p0 [hbm:s6], $0xF7A  }
0x23: {  	s9 =	sor.u32 $0xD0000000, s2;
	s6 =	simm.s32 $0x108;
	_ =	swait.ge @!p0 [sflag:s8], $0x0  }
0x24: {  	s3 =	sadd.s32 $0x88, s3;
	s6 =	simm.s32 @!p1 $0x1082;
	[sflag:s4] =	ssyncset.s32 $0xFFFFF086  }
0x25: {  	[simem:s6], [sflag:s4] =	dma.local [hbm:s3], $0xF7A  }
0x26: {  	[smem:$0x3F9B] =	sst s1;
	(tag) =	ssettag s2;
	_ =	strace s9  }
0x27: {  	s1 =	sld [smem:$0x3FAB]  }
0x28: {  	s2 =	sld [smem:$0x3FAC]  }
0x29: {  	s4 =	sld [smem:$0x3FAE]  }
0x2a: {  	p0 =	seq.s32 s5, $0x0;
	s5 =	sld [smem:$0x3FAF]  }
0x2b: {  	s6 =	sld [smem:$0x3FB0]  }
0x2c: {  	s7 =	sld [smem:$0x3FB1]  }
0x2d: {  	s3 =	simm.s32 $0x108;
	s8 =	sld [smem:$0x3FB2]  }
0x2e: {  	s3 =	simm.s32 @!p0 $0x1082;
	s9 =	sld [smem:$0x3FB3]  }
0x2f: {  	lr =	sadd.s32 s0, s3;
	s0 =	sld [smem:$0x3FAA]  }
0x30: {  	s3 =	sld [smem:$0x3FAD]  }
0x31: {  	[smem:$0x3FB6] =	sst s10  }
0x32: {  	s10 =	sld [smem:$0x3FB4];
	_ =	sdelay $0x3  }
0x33: {  	p0 =	seq.s32 s10, $0x1;
	s10 =	sld [smem:$0x3FB6];
	_ =	sdelay $0x3  }
0x34: {  	[smem:$0x3FB6] =	sst s10  }
0x35: {  	s10 =	sld [smem:$0x3FB5];
	_ =	sdelay $0x3  }
0x36: {  	p1 =	seq.s32 s10, $0x1;
	s10 =	sld [smem:$0x3FB6];
	_ =	sdelay $0x3  }
0x37: {  	[smem:$0x3FB6] =	sst s10  }
0x38: {  	s10 =	sld [smem:$0x3FB7]  }
0x39: {  	_ = 	snop;
	(pc) =	sbr.ind lr, $3  }
0x3a: {  	_ = 	snop  }
0x3b: {  	_ = 	snop  }
0x3c: {  	p2 =	seq.s32 s10, $0x1;
	s10 =	sld [smem:$0x3FB6]  }
0x3d: {  	_ =	shalt  }
0x3e: {  	_ =	shalt  }
0x3f: {  	_ =	shalt  }
0x40: {  	_ =	shalt  }
0x41: {  	_ =	shalt  }
0x42: {  	_ =	shalt  }
0x43: {  	_ =	shalt  }
0x44: {  	_ =	shalt  }
0x45: {  	_ =	shalt  }
0x46: {  	_ =	shalt  }
0x47: {  	_ =	shalt  }
0x48: {  	_ =	shalt  }
0x49: {  	_ =	shalt  }
0x4a: {  	_ =	shalt  }
0x4b: {  	_ =	shalt  }
0x4c: {  	_ =	shalt  }
0x4d: {  	_ =	shalt  }
0x4e: {  	_ =	shalt  }
0x4f: {  	_ =	shalt  }
0x50: {  	_ =	shalt  }
0x51: {  	_ =	shalt  }
0x52: {  	_ =	shalt  }
0x53: {  	_ =	shalt  }
0x54: {  	_ =	shalt  }
0x55: {  	_ =	shalt  }
0x56: {  	_ =	shalt  }
0x57: {  	_ =	shalt  }
0x58: {  	_ =	shalt  }
0x59: {  	_ =	shalt  }
0x5a: {  	_ =	shalt  }
0x5b: {  	_ =	shalt  }
0x5c: {  	_ =	shalt  }
0x5d: {  	_ =	shalt  }
0x5e: {  	_ =	shalt  }
0x5f: {  	_ =	shalt  }
0x60: {  	_ =	shalt  }
0x61: {  	_ =	shalt  }
0x62: {  	_ =	shalt  }
0x63: {  	_ =	shalt  }
0x64: {  	_ =	shalt  }
0x65: {  	_ =	shalt  }
0x66: {  	_ =	shalt  }
0x67: {  	_ =	shalt  }
0x68: {  	_ =	shalt  }
0x69: {  	_ =	shalt  }
0x6a: {  	_ =	shalt  }
0x6b: {  	_ =	shalt  }
0x6c: {  	_ =	shalt  }
0x6d: {  	_ =	shalt  }
0x6e: {  	_ =	shalt  }
0x6f: {  	_ =	shalt  }
0x70: {  	_ =	shalt  }
0x71: {  	_ =	shalt  }
0x72: {  	_ =	shalt  }
0x73: {  	_ =	shalt  }
0x74: {  	_ =	shalt  }
0x75: {  	_ =	shalt  }
0x76: {  	_ =	shalt  }
0x77: {  	_ =	shalt  }
0x78: {  	_ =	shalt  }
0x79: {  	_ =	shalt  }
0x7a: {  	_ =	shalt  }
0x7b: {  	_ =	shalt  }
0x7c: {  	_ =	shalt  }
0x7d: {  	_ =	shalt  }
0x7e: {  	_ =	shalt  }
0x7f: {  	_ =	shalt  }
0x80: {  	_ =	shalt  }
0x81: {  	_ =	shalt  }
0x82: {  	_ =	shalt  }
0x83: {  	_ =	shalt  }
0x84: {  	_ =	shalt  }
0x85: {  	_ =	shalt  }
0x86: {  	_ =	shalt  }
0x87: {  	_ =	shalt  }
.Lfunc_end0:
.L_simem_size_0:
called_computation.1_lowered:
.L_overlay_start_0:
0x88: {  	s2 =	sld [smem:$0x3FD9]  }
0x89: {  	s3 =	sld [smem:$0x3FFE];
	_ =	sdelay $0x1  }
0x8a: {  	s1 =	srdreg.scid  }
0x8b: {  	s0 =	sand.u32 $0x1, s1  }
0x8c: {  	s16 =	sshll.u32 s0, $0xA;
	s2 =	sadd.s32 s3, s2  }
0x8d: {  	s2 =	sadd.s32 s2, s16  }
0x8e: {  	[smem:$0x3FC2] =	sst s2  }
0x8f: {  	_ = 	snop  }
0x90: {  	(tm) =	ssettm $0x1  }
0x91: {  	s17 =	sld [smem:$0x3FFB];
	_ =	sdelay $0x3  }
0x92: {  	_ =	strace s17  }
0x93: {  	s2 =	sld [smem:$0x3FFC];
	_ =	sdelay $0x3  }
0x94: {  	_ =	strace s2  }
0x95: {  	s2 =	sld [smem:$0x3FFD];
	_ =	sdelay $0x3  }
0x96: {  	_ =	strace s2  }
0x97: {  	_ =	strace $0x8FFFFFFF  }
0x98: {  	s18 =	sld [smem:$0x3FDB];
	_ =	sdelay $0x1  }
0x99: {  	s19 =	simm.s32 $_scs_section_size  }
0x9a: {  	s4 =	simm.s32 $_size__tile_overlayer_lowered;
	s5 =	simm.s32 $_tile_overlayer_lowered  }
0x9b: {  	s22 =	simm.s32 $0x1BFF;
	s21 =	sshll.u32 s5, $0x1;
	s2 =	sadd.s32 s19, s18  }
0x9c: {  	s6 =	simm.s32 $0x0;
	s20 =	sshll.u32 s4, $0x1;
	s4 =	sadd.s32 s21, s2  }
0x9d: {  	[timem:s6], [sflag:s22] =	dma.local [hbm:s4], s20  }
0x9e: {  	_ =	swait.ge [sflag:s22], s20  }
0x9f: {  	s3 =	ssub.s32 $0x0, s20;
	[sflag:s22] =	ssyncset.done $0x0  }
0xa0: {  	[sflag:s22] =	ssyncadd.s32 s3;
	_ =	sdelay $0x1  }
0xa1: {  	s23 =	simm.s32 $0x1B8B  }
0xa2: {  	_ =	swait.ge [sflag:s23], $0x1  }
0xa3: {  	[sflag:s23] =	ssyncset.done $0x0  }
0xa4: {  	s25 =	simm.s32 $0x1B8E;
	s24 =	sld [smem:$0x3FFE];
	[sflag:s23] =	ssyncadd.s32 $0xFFFFFFFF  }
0xa5: {  	s26 =	simm.s32 $execute0_lowered;
	[smem:$0x3FD2] =	sst s25  }
0xa6: {  	s4 =	sshll.u32 s26, $0x1;
	_ =	strace $0x80000049;
	[dreg:$0x1] =	wrdreg $0xFFFFFFFF  }
0xa7: {  	s28 =	simm.s32 $_size_execute0_lowered;
	s2 =	sadd.s32 s2, s4;
	[dreg:$0x0] =	wrdreg $0x0  }
0xa8: {  	s4 =	sshll.u32 s28, $0x1;
	[dreg:$0x2] =	wrdreg s2  }
0xa9: {  	[dreg:$0x3] =	wrdreg s4  }
0xaa: {  	[dreg:$0x4] =	wrdreg $0xC0  }
0xab: {  	_ =	task [dreg:s6], $0x5FFFF  }
0xac: {  	[dreg:$0x1] =	wrdreg $0xFFFFFFFF  }
0xad: {  	[dreg:$0x0] =	wrdreg $0x60  }
0xae: {  	[dreg:$0x2] =	wrdreg s24  }
0xaf: {  	[dreg:$0x3] =	wrdreg $0xD2200  }
0xb0: {  	[dreg:$0x4] =	wrdreg $0x9  }
0xb1: {  	_ =	task.clear_ibuf [dreg:s6], $0x5FFFF;
	_ =	strace $0x90000049  }
0xb2: {  	s29 =	simm.s32 $0x9;
	_ =	strace $0x8000004B  }
0xb3: {  	_ =	swait.ge [sflag:s29], $0x1  }
0xb4: {  	[sflag:s29] =	ssyncadd.s32 $0xFFFFFFFF  }
0xb5: {  	_ =	strace $0x9000004B  }
0xb6: {  	_ =	sfence  }
0xb7: {  	s30 =	sld [smem:$0x0];
	_ =	sdelay $0x2  }
0xb8: {  	s31 =	sshll.u32 s1, $0xD;
	s1 =	sshrl.u32 s1, $0x2  }
0xb9: {  	s3 =	sand.u32 $0x4000, s31;
	s1 =	sadd.s32 s1, s30  }
0xba: {  	s0 =	sor.u32 s3, s0;
	s1 =	sshll.u32 s1, $0x11  }
0xbb: {  	s0 =	sor.u32 s1, s0  }
0xbc: {  	s0 =	sadd.s32 $0x8F2B, s0  }
0xbd: {  	[sflag:s0] =	ssyncadd.remote.s32 $0x1  }
0xbe: {  	_ =	sfence.sel $0xFFFF  }
0xbf: {  	[dreg:$0x0] =	wrdreg $0xFFFFFFFF;
	(pc) =	sbr.abs _section_cstart, $3  }
0xc0: {  	[dreg:$0x1] =	wrdreg $0xFFFFFFFF  }
0xc1: {  	_ =	task.clear_ibuf [dreg:s6], $0x2FFFF;
	_ =	strace $0x9FFFFFFF  }
0xc2: {  	(tm) =	ssettm $0x7FFFFFFF  }
0xc3: {  	_ =	shalt  }
tec
execute0_lowered:
.L_overlay_start_1:
0x0: {  	(tag) =	ssettag $0x1  }
0x1: {  	s0 =	srdreg.scid;
	s3 =	rddreg [dreg:$0x0]  }
0x2: {  	s7 =	stileid.u32;
	s2 =	rddreg [dreg:$0x1]  }
0x3: {  	s4 =	simm.s32 $0x0;
	s14 =	simm.s32 $0xB;
	s16 =	simm.s32 $0xB220  }
0x4: {  	s17 =	simm.s32 $0x50;
	s18 =	simm.s32 $0x4E20;
	s19 =	simm.s32 $0x6220  }
0x5: {  	s21 =	simm.s32 $0x7620;
	s23 =	simm.s32 $0x8A20;
	s28 =	simm.s32 $0x2  }
0x6: {  	s29 =	simm.s32 $0x3;
	s30 =	simm.s32 $0x4;
	s31 =	simm.s32 $0x5  }
0x7: {  	s15 =	simm.s32 $0x8;
	s20 =	simm.s32 $0x9;
	s22 =	simm.s32 $0xA  }
0x8: {  	s0 =	sand.u32 $0x1, s0;
	s5 =	smul.u32 $0xA000, s7;
	[smem:$0x7FF] =	sst s4  }
0x9: {  	s4 =	sadd.s32 $0x15A00, s3;
	s1 =	sshll.u32 s0, $0x4;
	s24 =	smul.u32 $0xA0000, s0  }
0xa: {  	s0 =	ssub.s32 $0x2, s0;
	s1 =	sor.u32 s7, s1;
	s7 =	smul.u32 $0x28000, s7  }
0xb: {  	_ =	strace $0x8000004A;
	s25 =	sshrl.u32 s0, $0x1;
	s1 =	smul.u32 $0x2710, s1  }
0xc: {  	s6 =	sadd.s32 s5, s24;
	s0 =	ssub.s32 s0, s25;
	s25 =	simm.s32 $0x9E20  }
0xd: {  	s24 =	simm.s32 $0x0;
	s6 =	sshrl.u32 s6, $0x3;
	s7 =	sshrl.u32 s7, $0x2  }
0xe: {  	s13 =	smax.u32 s0, $0x1;
	s0 =	simm.s32 $0x7;
	s1 =	sshrl.u32 s1, $0x3  }
0xf: {  	s11 =	sadd.s32 s7, s2;
	s7 =	sadd.s32 s5, s2;
	s1 =	sadd.s32 s1, s3  }
0x10: {  	s3 =	sadd.s32 s6, s3;
	s8 =	sadd.s32 $0x2000, s11;
	s9 =	sadd.s32 $0x4000, s11  }
0x11: {  	s10 =	sadd.s32 $0x6000, s11;
	s11 =	sadd.s32 $0x8000, s11;
	s26 =	sadd.s32 $0x2000, s1  }
0x12: {  	s1 =	sadd.s32 $0xBC40, s1;
	s12 =	sadd.s32 $0x29A00, s3;
	[dreg:$0x3] =	wrdreg s26  }
0x13: {  	v0 =	vimm.f32 $0.0e+00;
	[dreg:$0x4] =	wrdreg s1;
	s26 =	simm.s32 $0x1;
	s1 =	simm.s32 $0x6  }
.LBB2_1:
0x14: {  	s3 =	simm.s32 $0x0;
	s5 =	rddreg [dreg:$0x3]  }
0x15: {  	[tilespmem:s3], [sflag:$0xB] =	stream.linear.gather [hbm4b:s5+s3], $0x2710, $0x38;
	[tilespmem:$0x17220] =	vst v63  }
0x16: {  	_ =	swait.ge [sflag:s14], $0x2710  }
0x17: {  	[sflag:s14] =	ssyncset.done $0x0  }
0x18: {  	s6 =	simm.s32 $0x2710;
	s5 =	rddreg [dreg:$0x4];
	[sflag:s14] =	ssyncadd.s32 $0xFFFFD8F0  }
0x19: {  	[tilespmem:s6], [sflag:$0xB] =	stream.linear.gather [hbm4b:s5+s3], $0x2710, $0x38;
	[tilespmem:$0x17220] =	vst v63  }
0x1a: {  	_ =	swait.ge [sflag:s14], $0x2710  }
0x1b: {  	[sflag:s14] =	ssyncset.done $0x0  }
0x1c: {  	s5 =	simm.s32 $0x100;
	s3 =	simm.s32 $0x0;
	[sflag:s14] =	ssyncadd.s32 $0xFFFFD8F0  }
.LBB2_2:
0x1d: {  	p0 =	sne.s32 s5, $0x7F00;
	[tilespmem:s3+$0xB250] =	vst v0;
	s6 =	smov.u32 s5;
	s5 =	sadd.s32 $0x100, s5  }
.Ltmp0:
0x1e: {  	[tilespmem:s3+$0xB240] =	vst v0;
	(pc) =	sbr.rel @p0 .LBB2_2-.Ltmp0, $3  }
0x1f: {  	[tilespmem:s3+$0xB220] =	vst v0  }
0x20: {  	[tilespmem:s3+$0xB230] =	vst v0;
	_ =	sdelay $0x1  }
0x21: {  	s3 =	sshra.s32 s6, $0x2  }
0x22: {  	[tilespmem:s3+$0xB250] =	vst v0  }
0x23: {  	[tilespmem:s3+$0xB240] =	vst v0  }
0x24: {  	[tilespmem:s3+$0xB220] =	vst v0  }
0x25: {  	[tilespmem:s3+$0xB230] =	vst v0  }
0x26: {  	[spmem:s7] =	stream.linear.scatter [tilespmem:s16], [sflag:$0xB], $0x2000, $0x38;
	[tilespmem:$0x17220] =	vst v63  }
0x27: {  	_ =	swait.ge [sflag:s14], $0x2000  }
0x28: {  	[sflag:s14] =	ssyncset.done $0x0  }
0x29: {  	[sflag:s14] =	ssyncadd.s32 $0xFFFFE000  }
0x2a: {  	[spmem:s8] =	stream.linear.scatter [tilespmem:s16], [sflag:$0xB], $0x2000, $0x38;
	[tilespmem:$0x17220] =	vst v63  }
0x2b: {  	_ =	swait.ge [sflag:s14], $0x2000  }
0x2c: {  	[sflag:s14] =	ssyncset.done $0x0  }
0x2d: {  	[sflag:s14] =	ssyncadd.s32 $0xFFFFE000  }
0x2e: {  	[spmem:s9] =	stream.linear.scatter [tilespmem:s16], [sflag:$0xB], $0x2000, $0x38;
	[tilespmem:$0x17220] =	vst v63  }
0x2f: {  	_ =	swait.ge [sflag:s14], $0x2000  }
0x30: {  	[sflag:s14] =	ssyncset.done $0x0  }
0x31: {  	[sflag:s14] =	ssyncadd.s32 $0xFFFFE000  }
0x32: {  	[spmem:s10] =	stream.linear.scatter [tilespmem:s16], [sflag:$0xB], $0x2000, $0x38;
	[tilespmem:$0x17220] =	vst v63  }
0x33: {  	_ =	swait.ge [sflag:s14], $0x2000  }
0x34: {  	[sflag:s14] =	ssyncset.done $0x0  }
0x35: {  	[sflag:s14] =	ssyncadd.s32 $0xFFFFE000  }
0x36: {  	[spmem:s11] =	stream.linear.scatter [tilespmem:s16], [sflag:$0xB], $0x2000, $0x38;
	[tilespmem:$0x17220] =	vst v63  }
0x37: {  	_ =	swait.ge [sflag:s14], $0x2000  }
0x38: {  	[sflag:s14] =	ssyncset.done $0x0  }
0x39: {  	[sflag:s14] =	ssyncadd.s32 $0xFFFFE000  }
0x3a: {  	s6 =	simm.s32 $0x0;
	[bflag:$0x0] =	sbarrier.arrive $0xFFFF  }
0x3b: {  	[tilespmem:s18], [sflag:$0x1] =	stream.indirect.gather [hbm4b:s4+s17], $0x40, s6, s17, $0xb8;
	[tilespmem:$0x17220] =	vst v63  }
0x3c: {  	_ = 	snop  }
0x3d: {  	[tilespmem:s19], [sflag:$0x2] =	stream.indirect.gather [hbm4b:s4+s17], $0x40, s17, s17, $0xb8;
	[tilespmem:$0x17220] =	vst v63  }
0x3e: {  	s5 =	simm.s32 $0xA0  }
0x3f: {  	[tilespmem:s21], [sflag:$0x3] =	stream.indirect.gather [hbm4b:s4+s17], $0x40, s5, s17, $0xb8;
	[tilespmem:$0x17220] =	vst v63  }
0x40: {  	s6 =	simm.s32 $0xF0  }
0x41: {  	[tilespmem:s23], [sflag:$0x4] =	stream.indirect.gather [hbm4b:s4+s17], $0x40, s6, s17, $0xb8;
	[tilespmem:$0x17220] =	vst v63  }
0x42: {  	s5 =	simm.s32 $0x140  }
0x43: {  	[tilespmem:s25], [sflag:$0x5] =	stream.indirect.gather [hbm4b:s4+s17], $0x40, s5, s17, $0xb8;
	[tilespmem:$0x17220] =	vst v63  }
0x44: {  	_ =	swait.ge [sflag:s26], $0x1400  }
0x45: {  	[sflag:s26] =	ssyncset.done $0x0  }
0x46: {  	s6 =	simm.s32 $0x2710;
	[sflag:s26] =	ssyncadd.s32 $0xFFFFEC00  }
0x47: {  	[spmem:s2] =	stream.indirect.scatter.add.f32 [tilespmem:s18], [sflag:$0x6], $0x40, s6, s17, $0xb8;
	[tilespmem:$0x17220] =	vst v63  }
0x48: {  	_ =	swait.ge [sflag:s28], $0x1400  }
0x49: {  	[sflag:s28] =	ssyncset.done $0x0  }
0x4a: {  	s5 =	simm.s32 $0x2760;
	[sflag:s28] =	ssyncadd.s32 $0xFFFFEC00  }
0x4b: {  	[spmem:s2] =	stream.indirect.scatter.add.f32 [tilespmem:s19], [sflag:$0x7], $0x40, s5, s17, $0xb8;
	[tilespmem:$0x17220] =	vst v63  }
0x4c: {  	_ =	swait.ge [sflag:s29], $0x1400  }
0x4d: {  	[sflag:s29] =	ssyncset.done $0x0  }
0x4e: {  	s6 =	simm.s32 $0x27B0;
	[sflag:s29] =	ssyncadd.s32 $0xFFFFEC00  }
0x4f: {  	[spmem:s2] =	stream.indirect.scatter.add.f32 [tilespmem:s21], [sflag:$0x8], $0x40, s6, s17, $0xb8;
	[tilespmem:$0x17220] =	vst v63  }
0x50: {  	_ =	swait.ge [sflag:s30], $0x1400  }
0x51: {  	[sflag:s30] =	ssyncset.done $0x0  }
0x52: {  	s5 =	simm.s32 $0x2800;
	[sflag:s30] =	ssyncadd.s32 $0xFFFFEC00  }
0x53: {  	[spmem:s2] =	stream.indirect.scatter.add.f32 [tilespmem:s23], [sflag:$0x9], $0x40, s5, s17, $0xb8;
	[tilespmem:$0x17220] =	vst v63  }
0x54: {  	_ =	swait.ge [sflag:s31], $0x1400  }
0x55: {  	[sflag:s31] =	ssyncset.done $0x0  }
0x56: {  	s6 =	simm.s32 $0x2850;
	[sflag:s31] =	ssyncadd.s32 $0xFFFFEC00  }
0x57: {  	[spmem:s2] =	stream.indirect.scatter.add.f32 [tilespmem:s25], [sflag:$0xA], $0x40, s6, s17, $0xb8;
	[tilespmem:$0x17220] =	vst v63  }
0x58: {  	_ =	swait.ge [sflag:s1], $0x1400  }
0x59: {  	[sflag:s1] =	ssyncset.done $0x0  }
0x5a: {  	s5 =	simm.s32 $0x190;
	[sflag:s1] =	ssyncadd.s32 $0xFFFFEC00  }
0x5b: {  	[tilespmem:s18], [sflag:$0x1] =	stream.indirect.gather [hbm4b:s4+s17], $0x40, s5, s17, $0xb8;
	[tilespmem:$0x17220] =	vst v63  }
0x5c: {  	_ =	swait.ge [sflag:s0], $0x1400  }
0x5d: {  	[sflag:s0] =	ssyncset.done $0x0  }
0x5e: {  	s6 =	simm.s32 $0x1E0;
	[sflag:s0] =	ssyncadd.s32 $0xFFFFEC00  }
0x5f: {  	[tilespmem:s19], [sflag:$0x2] =	stream.indirect.gather [hbm4b:s4+s17], $0x40, s6, s17, $0xb8;
	[tilespmem:$0x17220] =	vst v63  }
0x60: {  	_ =	swait.ge [sflag:s15], $0x1400  }
0x61: {  	[sflag:s15] =	ssyncset.done $0x0  }
0x62: {  	s5 =	simm.s32 $0x230;
	[sflag:s15] =	ssyncadd.s32 $0xFFFFEC00  }
0x63: {  	[tilespmem:s21], [sflag:$0x3] =	stream.indirect.gather [hbm4b:s4+s17], $0x40, s5, s17, $0xb8;
	[tilespmem:$0x17220] =	vst v63  }
0x64: {  	_ =	swait.ge [sflag:s20], $0x1400  }
0x65: {  	[sflag:s20] =	ssyncset.done $0x0  }
0x66: {  	s6 =	simm.s32 $0x280;
	[sflag:s20] =	ssyncadd.s32 $0xFFFFEC00  }
0x67: {  	[tilespmem:s23], [sflag:$0x4] =	stream.indirect.gather [hbm4b:s4+s17], $0x40, s6, s17, $0xb8;
	[tilespmem:$0x17220] =	vst v63  }
0x68: {  	_ =	swait.ge [sflag:s22], $0x1400  }
0x69: {  	[sflag:s22] =	ssyncset.done $0x0  }
0x6a: {  	s3 =	simm.s32 $0x640;
	s5 =	simm.s32 $0x2D0;
	[sflag:s22] =	ssyncadd.s32 $0xFFFFEC00  }
.LBB2_4:
0x6b: {  	[tilespmem:s25], [sflag:$0x5] =	stream.indirect.gather [hbm4b:s4+s17], $0x40, s5, s17, $0xb8;
	[tilespmem:$0x17220] =	vst v63  }
0x6c: {  	s5 =	smov.u32 s3  }
0x6d: {  	p0 =	sne.s32 s3, $0x8FC0;
	s3 =	sadd.s32 $0x640, s3;
	_ =	swait.ge [sflag:s26], $0x1400  }
0x6e: {  	s5 =	sshra.s32 s5, $0x2;
	[sflag:s26] =	ssyncset.done $0x0  }
0x6f: {  	s6 =	sadd.s32 $0x2710, s5;
	[sflag:s26] =	ssyncadd.s32 $0xFFFFEC00  }
0x70: {  	[spmem:s2] =	stream.indirect.scatter.add.f32 [tilespmem:s18], [sflag:$0x6], $0x40, s6, s17, $0xb8;
	[tilespmem:$0x17220] =	vst v63  }
0x71: {  	_ =	swait.ge [sflag:s28], $0x1400  }
0x72: {  	[sflag:s28] =	ssyncset.done $0x0  }
0x73: {  	s6 =	sadd.s32 $0x2760, s5;
	[sflag:s28] =	ssyncadd.s32 $0xFFFFEC00  }
0x74: {  	[spmem:s2] =	stream.indirect.scatter.add.f32 [tilespmem:s19], [sflag:$0x7], $0x40, s6, s17, $0xb8;
	[tilespmem:$0x17220] =	vst v63  }
0x75: {  	_ =	swait.ge [sflag:s29], $0x1400  }
0x76: {  	[sflag:s29] =	ssyncset.done $0x0  }
0x77: {  	s6 =	sadd.s32 $0x27B0, s5;
	[sflag:s29] =	ssyncadd.s32 $0xFFFFEC00  }
0x78: {  	[spmem:s2] =	stream.indirect.scatter.add.f32 [tilespmem:s21], [sflag:$0x8], $0x40, s6, s17, $0xb8;
	[tilespmem:$0x17220] =	vst v63  }
0x79: {  	_ =	swait.ge [sflag:s30], $0x1400  }
0x7a: {  	[sflag:s30] =	ssyncset.done $0x0  }
0x7b: {  	s6 =	sadd.s32 $0x2800, s5;
	[sflag:s30] =	ssyncadd.s32 $0xFFFFEC00  }
0x7c: {  	[spmem:s2] =	stream.indirect.scatter.add.f32 [tilespmem:s23], [sflag:$0x9], $0x40, s6, s17, $0xb8;
	[tilespmem:$0x17220] =	vst v63  }
0x7d: {  	_ =	swait.ge [sflag:s31], $0x1400  }
0x7e: {  	[sflag:s31] =	ssyncset.done $0x0  }
0x7f: {  	s6 =	sadd.s32 $0x2850, s5;
	[sflag:s31] =	ssyncadd.s32 $0xFFFFEC00  }
0x80: {  	[spmem:s2] =	stream.indirect.scatter.add.f32 [tilespmem:s25], [sflag:$0xA], $0x40, s6, s17, $0xb8;
	[tilespmem:$0x17220] =	vst v63  }
0x81: {  	_ =	swait.ge [sflag:s1], $0x1400  }
0x82: {  	[sflag:s1] =	ssyncset.done $0x0  }
0x83: {  	s6 =	sadd.s32 $0x190, s5;
	[sflag:s1] =	ssyncadd.s32 $0xFFFFEC00  }
0x84: {  	[tilespmem:s18], [sflag:$0x1] =	stream.indirect.gather [hbm4b:s4+s17], $0x40, s6, s17, $0xb8;
	[tilespmem:$0x17220] =	vst v63  }
0x85: {  	_ =	swait.ge [sflag:s0], $0x1400  }
0x86: {  	[sflag:s0] =	ssyncset.done $0x0  }
0x87: {  	s6 =	sadd.s32 $0x1E0, s5;
	[sflag:s0] =	ssyncadd.s32 $0xFFFFEC00  }
0x88: {  	[tilespmem:s19], [sflag:$0x2] =	stream.indirect.gather [hbm4b:s4+s17], $0x40, s6, s17, $0xb8;
	[tilespmem:$0x17220] =	vst v63  }
0x89: {  	_ =	swait.ge [sflag:s15], $0x1400  }
0x8a: {  	[sflag:s15] =	ssyncset.done $0x0  }
0x8b: {  	s6 =	sadd.s32 $0x230, s5;
	[sflag:s15] =	ssyncadd.s32 $0xFFFFEC00  }
0x8c: {  	[tilespmem:s21], [sflag:$0x3] =	stream.indirect.gather [hbm4b:s4+s17], $0x40, s6, s17, $0xb8;
	[tilespmem:$0x17220] =	vst v63  }
0x8d: {  	_ =	swait.ge [sflag:s20], $0x1400  }
0x8e: {  	[sflag:s20] =	ssyncset.done $0x0  }
.Ltmp1:
0x8f: {  	s6 =	sadd.s32 $0x280, s5;
	[sflag:s20] =	ssyncadd.s32 $0xFFFFEC00;
	(pc) =	sbr.rel @p0 .LBB2_4-.Ltmp1, $4  }
0x90: {  	[tilespmem:s23], [sflag:$0x4] =	stream.indirect.gather [hbm4b:s4+s17], $0x40, s6, s17, $0xb8;
	[tilespmem:$0x17220] =	vst v63  }
0x91: {  	_ =	swait.ge [sflag:s22], $0x1400  }
0x92: {  	[sflag:s22] =	ssyncset.done $0x0  }
0x93: {  	s5 =	sadd.s32 $0x2D0, s5;
	[sflag:s22] =	ssyncadd.s32 $0xFFFFEC00  }
0x94: {  	[tilespmem:s25], [sflag:$0x5] =	stream.indirect.gather [hbm4b:s4+s17], $0x40, s5, s17, $0xb8;
	[tilespmem:$0x17220] =	vst v63  }
0x95: {  	_ =	swait.ge [sflag:s26], $0x1400  }
0x96: {  	[sflag:s26] =	ssyncset.done $0x0  }
0x97: {  	s3 =	simm.s32 $0x4C90;
	[sflag:s26] =	ssyncadd.s32 $0xFFFFEC00  }
0x98: {  	[spmem:s2] =	stream.indirect.scatter.add.f32 [tilespmem:s18], [sflag:$0x6], $0x40, s3, s17, $0xb8;
	[tilespmem:$0x17220] =	vst v63  }
0x99: {  	_ =	swait.ge [sflag:s28], $0x1400  }
0x9a: {  	[sflag:s28] =	ssyncset.done $0x0  }
0x9b: {  	s5 =	simm.s32 $0x4CE0;
	[sflag:s28] =	ssyncadd.s32 $0xFFFFEC00  }
0x9c: {  	[spmem:s2] =	stream.indirect.scatter.add.f32 [tilespmem:s19], [sflag:$0x7], $0x40, s5, s17, $0xb8;
	[tilespmem:$0x17220] =	vst v63  }
0x9d: {  	_ =	swait.ge [sflag:s29], $0x1400  }
0x9e: {  	[sflag:s29] =	ssyncset.done $0x0  }
0x9f: {  	s6 =	simm.s32 $0x4D30;
	[sflag:s29] =	ssyncadd.s32 $0xFFFFEC00  }
0xa0: {  	[spmem:s2] =	stream.indirect.scatter.add.f32 [tilespmem:s21], [sflag:$0x8], $0x40, s6, s17, $0xb8;
	[tilespmem:$0x17220] =	vst v63  }
0xa1: {  	_ =	swait.ge [sflag:s30], $0x1400  }
0xa2: {  	[sflag:s30] =	ssyncset.done $0x0  }
0xa3: {  	s5 =	simm.s32 $0x4D80;
	[sflag:s30] =	ssyncadd.s32 $0xFFFFEC00  }
0xa4: {  	[spmem:s2] =	stream.indirect.scatter.add.f32 [tilespmem:s23], [sflag:$0x9], $0x40, s5, s17, $0xb8;
	[tilespmem:$0x17220] =	vst v63  }
0xa5: {  	_ =	swait.ge [sflag:s31], $0x1400  }
0xa6: {  	[sflag:s31] =	ssyncset.done $0x0  }
0xa7: {  	s6 =	simm.s32 $0x4DD0;
	[sflag:s31] =	ssyncadd.s32 $0xFFFFEC00  }
0xa8: {  	[spmem:s2] =	stream.indirect.scatter.add.f32 [tilespmem:s25], [sflag:$0xA], $0x40, s6, s17, $0xb8;
	[tilespmem:$0x17220] =	vst v63  }
0xa9: {  	_ =	swait.ge [sflag:s1], $0x1400  }
0xaa: {  	[sflag:s1] =	ssyncset.done $0x0  }
0xab: {  	[sflag:s1] =	ssyncadd.s32 $0xFFFFEC00  }
0xac: {  	_ =	swait.ge [sflag:s0], $0x1400  }
0xad: {  	[sflag:s0] =	ssyncset.done $0x0  }
0xae: {  	[sflag:s0] =	ssyncadd.s32 $0xFFFFEC00  }
0xaf: {  	_ =	swait.ge [sflag:s15], $0x1400  }
0xb0: {  	[sflag:s15] =	ssyncset.done $0x0  }
0xb1: {  	[sflag:s15] =	ssyncadd.s32 $0xFFFFEC00  }
0xb2: {  	_ =	swait.ge [sflag:s20], $0x1400  }
0xb3: {  	[sflag:s20] =	ssyncset.done $0x0  }
0xb4: {  	[sflag:s20] =	ssyncadd.s32 $0xFFFFEC00  }
0xb5: {  	s5 =	stileid.u32;
	_ =	swait.ge [sflag:s22], $0x1400  }
0xb6: {  	s24 =	sadd.s32 $0x1, s24;
	s3 =	sshll.u32 s5, $0x6;
	[sflag:s22] =	ssyncset.done $0x0  }
0xb7: {  	p0 =	sne.s32 s24, s13;
	s3 =	sor.u32 $0x1C0B, s3;
	[sflag:s22] =	ssyncadd.s32 $0xFFFFEC00  }
.Ltmp2:
0xb8: {  	s6 =	sshrl.u32 s7, $0x3;
	[bflag:$0x0] =	sbarrier.arrive $0xFFFF;
	(pc) =	sbr.rel @p0 .LBB2_1-.Ltmp2, $4  }
0xb9: {  	[hbm:s12], [sflag:s3] =	dma.local [spmem:s6], $0x1400  }
0xba: {  	_ =	swait.ge [sflag:s14], $0x1400  }
0xbb: {  	[sflag:s14] =	ssyncset.done $0x0  }
0xbc: {  	[sflag:s14] =	ssyncadd.s32 $0xFFFFEC00  }
0xbd: {  	_ =	sfence.sel $0x180000  }
0xbe: {  	[bflag:$0x0] =	sbarrier.arrive $0xFFFF  }
0xbf: {  	_ =	strace $0x9000004A  }
0xc0: {  	s0 =	stileid.u32;
	[bflag:$0x2] =	sbarrier.arrive $0xFFFF  }
0xc1: {  	p0 =	sne.s32 s0, $0x0;
	s0 =	rddreg [dreg:$0x2]  }
0xc2: {  	s0 =	sadd.s32 @!p0 $0x100000, s0  }
0xc3: {  	[sflag:s0] =	ssyncadd.tile.s32 @!p0 $0x1;
	_ =	shalt  }
.Lfunc_end2:
_tile_overlayer_lowered:
.L_overlay_start_2:
0xc4: {  	(tag) =	ssettag $0x2  }
0xc5: {  	s0 =	rddreg [dreg:$0x0];
	s2 =	stileid.u32  }
0xc6: {  	s1 =	rddreg [dreg:$0x1];
	p0 =	sne.s32 s2, $0x0  }
0xc7: {  	s3 =	rddreg [dreg:$0x2];
	[bflag:$0x3] =	sbarrier.arrive $0xFFFF;
	s2 =	simm.s32 @!p0 $0x1C0B  }
0xc8: {  	[timem:s3], [sflag:s2] =	dma.local @!p0 [hbm:s0], s1  }
0xc9: {  	s0 =	simm.s32 @!p0 $0xB  }
0xca: {  	_ =	swait.ge @!p0 [sflag:s0], s1  }
0xcb: {  	s1 =	ssub.s32 @!p0 $0x0, s1;
	[sflag:s0] =	ssyncset.done @!p0 $0x0  }
0xcc: {  	[sflag:s0] =	ssyncadd.s32 @!p0 s1  }
0xcd: {  	[bflag:$0x3] =	sbarrier.arrive $0xFFFF  }
0xce: {  	_ =	shalt  }

// kernel: kernel.15.cloned.1.call-start
scs
__scs_entry_jumppad:
0x0: {  	(pc) =	sbr.rel $0x88, $3  }
0x1: {  	(tag) =	ssettag $0x0;
	lr =	simm.s32 $0x1  }
0x2: {  	[smem:$0x3F9B] =	sst lr;
	_ =	strace $0xD0000000  }
0x3: {  	_ = 	snop  }
0x4: {  	_ = 	snop  }
0x5: {  	_ = 	snop  }
0x6: {  	_ = 	snop  }
0x7: {  	_ = 	snop  }
__scs_overlays_trampoline_lowered:
0x8: {  	[smem:$0x3FAA] =	sst s0  }
0x9: {  	[smem:$0x3FAB] =	sst s1  }
0xa: {  	[smem:$0x3FAC] =	sst s2  }
0xb: {  	[smem:$0x3FAD] =	sst s3  }
0xc: {  	[smem:$0x3FAE] =	sst s4  }
0xd: {  	[smem:$0x3FAF] =	sst s5  }
0xe: {  	[smem:$0x3FB0] =	sst s6  }
0xf: {  	[smem:$0x3FB1] =	sst s7  }
0x10: {  	[smem:$0x3FB2] =	sst s8  }
0x11: {  	[smem:$0x3FB3] =	sst s9;
	s0 =	simm.s32 @!p0 $0x0  }
0x12: {  	s1 =	sld [smem:$0x3F99];
	s0 =	simm.s32 @p0 $0x1  }
0x13: {  	[smem:$0x3FB4] =	sst s0;
	s0 =	simm.s32 @!p1 $0x0  }
0x14: {  	s2 =	sld [smem:$0x3F98];
	s0 =	simm.s32 @p1 $0x1  }
0x15: {  	[smem:$0x3FB5] =	sst s0;
	s0 =	simm.s32 @!p2 $0x0  }
0x16: {  	s3 =	sld [smem:$0x3FDB];
	s0 =	simm.s32 @p2 $0x1  }
0x17: {  	s4 =	simm.s32 $0x1BF5;
	[smem:$0x3FB7] =	sst s0  }
0x18: {  	s0 =	sld [smem:$0x3F9A];
	_ =	swait.ge [sflag:s4], $0x0  }
0x19: {  	s7 =	sld [smem:$0x3F9B]  }
0x1a: {  	s8 =	sadd.s32 $0xFFFFE003, lr  }
0x1b: {  	s9 =	sadd.s32 $0xFFFFFEF7, lr;
	s5 =	simm.s32 $0xFFFFFFFF;
	p2 =	slt.u32 s8, $0xFFFFF086  }
0x1c: {  	p1 =	slt.u32 s9, $0xF7A;
	s5 =	simm.s32 @!p2 $0x0  }
0x1d: {  	s5 =	simm.s32 @p1 $0x1;
	p0 =	seq.s32 s7, s2  }
0x1e: {  	s7 =	smul.u32 @!p0 $0xF7A, s2;
	p2 =	seq.s32 @!p0 s5, $0x0  }
0x1f: {  	s9 =	smul.u32 $0xF7A, s1;
	s8 =	simm.s32 @!p0 $0x1BF5;
	p2 =	por !p2, p0  }
0x20: {  	[sflag:s8] =	ssyncset.s32 @!p0 $0xFFFFF086;
	s6 =	sadd.s32 @!p0 s3, s7;
	s7 =	simm.s32 @!p0 $0x108  }
0x21: {  	s3 =	sadd.s32 s3, s9;
	s6 =	sadd.s32 @!p0 $0x88, s6;
	s7 =	simm.s32 @p2 $0x1082  }
0x22: {  	[simem:s7], [sflag:s8] =	dma.local @!p0 [hbm:s6], $0xF7A  }
0x23: {  	s9 =	sor.u32 $0xD0000000, s2;
	s6 =	simm.s32 $0x108;
	_ =	swait.ge @!p0 [sflag:s8], $0x0  }
0x24: {  	s3 =	sadd.s32 $0x88, s3;
	s6 =	simm.s32 @!p1 $0x1082;
	[sflag:s4] =	ssyncset.s32 $0xFFFFF086  }
0x25: {  	[simem:s6], [sflag:s4] =	dma.local [hbm:s3], $0xF7A  }
0x26: {  	[smem:$0x3F9B] =	sst s1;
	(tag) =	ssettag s2;
	_ =	strace s9  }
0x27: {  	s1 =	sld [smem:$0x3FAB]  }
0x28: {  	s2 =	sld [smem:$0x3FAC]  }
0x29: {  	s4 =	sld [smem:$0x3FAE]  }
0x2a: {  	p0 =	seq.s32 s5, $0x0;
	s5 =	sld [smem:$0x3FAF]  }
0x2b: {  	s6 =	sld [smem:$0x3FB0]  }
0x2c: {  	s7 =	sld [smem:$0x3FB1]  }
0x2d: {  	s3 =	simm.s32 $0x108;
	s8 =	sld [smem:$0x3FB2]  }
0x2e: {  	s3 =	simm.s32 @!p0 $0x1082;
	s9 =	sld [smem:$0x3FB3]  }
0x2f: {  	lr =	sadd.s32 s0, s3;
	s0 =	sld [smem:$0x3FAA]  }
0x30: {  	s3 =	sld [smem:$0x3FAD]  }
0x31: {  	[smem:$0x3FB6] =	sst s10  }
0x32: {  	s10 =	sld [smem:$0x3FB4];
	_ =	sdelay $0x3  }
0x33: {  	p0 =	seq.s32 s10, $0x1;
	s10 =	sld [smem:$0x3FB6];
	_ =	sdelay $0x3  }
0x34: {  	[smem:$0x3FB6] =	sst s10  }
0x35: {  	s10 =	sld [smem:$0x3FB5];
	_ =	sdelay $0x3  }
0x36: {  	p1 =	seq.s32 s10, $0x1;
	s10 =	sld [smem:$0x3FB6];
	_ =	sdelay $0x3  }
0x37: {  	[smem:$0x3FB6] =	sst s10  }
0x38: {  	s10 =	sld [smem:$0x3FB7]  }
0x39: {  	_ = 	snop;
	(pc) =	sbr.ind lr, $3  }
0x3a: {  	_ = 	snop  }
0x3b: {  	_ = 	snop  }
0x3c: {  	p2 =	seq.s32 s10, $0x1;
	s10 =	sld [smem:$0x3FB6]  }
0x3d: {  	_ =	shalt  }
0x3e: {  	_ =	shalt  }
0x3f: {  	_ =	shalt  }
0x40: {  	_ =	shalt  }
0x41: {  	_ =	shalt  }
0x42: {  	_ =	shalt  }
0x43: {  	_ =	shalt  }
0x44: {  	_ =	shalt  }
0x45: {  	_ =	shalt  }
0x46: {  	_ =	shalt  }
0x47: {  	_ =	shalt  }
0x48: {  	_ =	shalt  }
0x49: {  	_ =	shalt  }
0x4a: {  	_ =	shalt  }
0x4b: {  	_ =	shalt  }
0x4c: {  	_ =	shalt  }
0x4d: {  	_ =	shalt  }
0x4e: {  	_ =	shalt  }
0x4f: {  	_ =	shalt  }
0x50: {  	_ =	shalt  }
0x51: {  	_ =	shalt  }
0x52: {  	_ =	shalt  }
0x53: {  	_ =	shalt  }
0x54: {  	_ =	shalt  }
0x55: {  	_ =	shalt  }
0x56: {  	_ =	shalt  }
0x57: {  	_ =	shalt  }
0x58: {  	_ =	shalt  }
0x59: {  	_ =	shalt  }
0x5a: {  	_ =	shalt  }
0x5b: {  	_ =	shalt  }
0x5c: {  	_ =	shalt  }
0x5d: {  	_ =	shalt  }
0x5e: {  	_ =	shalt  }
0x5f: {  	_ =	shalt  }
0x60: {  	_ =	shalt  }
0x61: {  	_ =	shalt  }
0x62: {  	_ =	shalt  }
0x63: {  	_ =	shalt  }
0x64: {  	_ =	shalt  }
0x65: {  	_ =	shalt  }
0x66: {  	_ =	shalt  }
0x67: {  	_ =	shalt  }
0x68: {  	_ =	shalt  }
0x69: {  	_ =	shalt  }
0x6a: {  	_ =	shalt  }
0x6b: {  	_ =	shalt  }
0x6c: {  	_ =	shalt  }
0x6d: {  	_ =	shalt  }
0x6e: {  	_ =	shalt  }
0x6f: {  	_ =	shalt  }
0x70: {  	_ =	shalt  }
0x71: {  	_ =	shalt  }
0x72: {  	_ =	shalt  }
0x73: {  	_ =	shalt  }
0x74: {  	_ =	shalt  }
0x75: {  	_ =	shalt  }
0x76: {  	_ =	shalt  }
0x77: {  	_ =	shalt  }
0x78: {  	_ =	shalt  }
0x79: {  	_ =	shalt  }
0x7a: {  	_ =	shalt  }
0x7b: {  	_ =	shalt  }
0x7c: {  	_ =	shalt  }
0x7d: {  	_ =	shalt  }
0x7e: {  	_ =	shalt  }
0x7f: {  	_ =	shalt  }
0x80: {  	_ =	shalt  }
0x81: {  	_ =	shalt  }
0x82: {  	_ =	shalt  }
0x83: {  	_ =	shalt  }
0x84: {  	_ =	shalt  }
0x85: {  	_ =	shalt  }
0x86: {  	_ =	shalt  }
0x87: {  	_ =	shalt  }
.Lfunc_end0:
.L_simem_size_0:
called_computation.2_lowered:
.L_overlay_start_0:
0x88: {  	s2 =	sld [smem:$0x3FD9]  }
0x89: {  	s3 =	sld [smem:$0x3FFE];
	_ =	sdelay $0x1  }
0x8a: {  	s1 =	srdreg.scid  }
0x8b: {  	s0 =	sand.u32 $0x1, s1  }
0x8c: {  	s16 =	sshll.u32 s0, $0xA;
	s2 =	sadd.s32 s3, s2  }
0x8d: {  	s2 =	sadd.s32 s2, s16  }
0x8e: {  	[smem:$0x3FC2] =	sst s2  }
0x8f: {  	_ = 	snop  }
0x90: {  	(tm) =	ssettm $0x1  }
0x91: {  	s17 =	sld [smem:$0x3FFB];
	_ =	sdelay $0x3  }
0x92: {  	_ =	strace s17  }
0x93: {  	s2 =	sld [smem:$0x3FFC];
	_ =	sdelay $0x3  }
0x94: {  	_ =	strace s2  }
0x95: {  	s2 =	sld [smem:$0x3FFD];
	_ =	sdelay $0x3  }
0x96: {  	_ =	strace s2  }
0x97: {  	_ =	strace $0x8FFFFFFF  }
0x98: {  	s18 =	sld [smem:$0x3FDB];
	_ =	sdelay $0x1  }
0x99: {  	s19 =	simm.s32 $_scs_section_size  }
0x9a: {  	s4 =	simm.s32 $_size__tile_overlayer_lowered;
	s5 =	simm.s32 $_tile_overlayer_lowered  }
0x9b: {  	s22 =	simm.s32 $0x1BFF;
	s21 =	sshll.u32 s5, $0x1;
	s2 =	sadd.s32 s19, s18  }
0x9c: {  	s6 =	simm.s32 $0x0;
	s20 =	sshll.u32 s4, $0x1;
	s4 =	sadd.s32 s21, s2  }
0x9d: {  	[timem:s6], [sflag:s22] =	dma.local [hbm:s4], s20  }
0x9e: {  	_ =	swait.ge [sflag:s22], s20  }
0x9f: {  	s3 =	ssub.s32 $0x0, s20;
	[sflag:s22] =	ssyncset.done $0x0  }
0xa0: {  	[sflag:s22] =	ssyncadd.s32 s3;
	_ =	sdelay $0x1  }
0xa1: {  	s23 =	simm.s32 $0x1B8B  }
0xa2: {  	_ =	swait.ge [sflag:s23], $0x1  }
0xa3: {  	[sflag:s23] =	ssyncset.done $0x0  }
0xa4: {  	s25 =	simm.s32 $0x1B8E;
	s24 =	sld [smem:$0x3FFE];
	[sflag:s23] =	ssyncadd.s32 $0xFFFFFFFF  }
0xa5: {  	s26 =	simm.s32 $execute0_lowered;
	[smem:$0x3FD2] =	sst s25  }
0xa6: {  	s4 =	sshll.u32 s26, $0x1;
	_ =	strace $0x8000004C;
	[dreg:$0x1] =	wrdreg $0xFFFFFFFF  }
0xa7: {  	s28 =	simm.s32 $_size_execute0_lowered;
	s2 =	sadd.s32 s2, s4;
	[dreg:$0x0] =	wrdreg $0x0  }
0xa8: {  	s4 =	sshll.u32 s28, $0x1;
	[dreg:$0x2] =	wrdreg s2  }
0xa9: {  	[dreg:$0x3] =	wrdreg s4  }
0xaa: {  	[dreg:$0x4] =	wrdreg $0xC0  }
0xab: {  	_ =	task [dreg:s6], $0x5FFFF  }
0xac: {  	[dreg:$0x1] =	wrdreg $0xFFFFFFFF  }
0xad: {  	[dreg:$0x0] =	wrdreg $0x60  }
0xae: {  	[dreg:$0x2] =	wrdreg s24  }
0xaf: {  	[dreg:$0x3] =	wrdreg $0xC8A00  }
0xb0: {  	[dreg:$0x4] =	wrdreg $0x9  }
0xb1: {  	_ =	task.clear_ibuf [dreg:s6], $0x5FFFF;
	_ =	strace $0x9000004C  }
0xb2: {  	s29 =	simm.s32 $0x9;
	_ =	strace $0x8000004E  }
0xb3: {  	_ =	swait.ge [sflag:s29], $0x1  }
0xb4: {  	[sflag:s29] =	ssyncadd.s32 $0xFFFFFFFF  }
0xb5: {  	_ =	strace $0x9000004E  }
0xb6: {  	_ =	sfence  }
0xb7: {  	s30 =	sld [smem:$0x0];
	_ =	sdelay $0x2  }
0xb8: {  	s31 =	sshll.u32 s1, $0xD;
	s1 =	sshrl.u32 s1, $0x2  }
0xb9: {  	s3 =	sand.u32 $0x4000, s31;
	s1 =	sadd.s32 s1, s30  }
0xba: {  	s0 =	sor.u32 s3, s0;
	s1 =	sshll.u32 s1, $0x11  }
0xbb: {  	s0 =	sor.u32 s1, s0  }
0xbc: {  	s0 =	sadd.s32 $0x8F2B, s0  }
0xbd: {  	[sflag:s0] =	ssyncadd.remote.s32 $0x1  }
0xbe: {  	_ =	sfence.sel $0xFFFF  }
0xbf: {  	[dreg:$0x0] =	wrdreg $0xFFFFFFFF;
	(pc) =	sbr.abs _section_cstart, $3  }
0xc0: {  	[dreg:$0x1] =	wrdreg $0xFFFFFFFF  }
0xc1: {  	_ =	task.clear_ibuf [dreg:s6], $0x2FFFF;
	_ =	strace $0x9FFFFFFF  }
0xc2: {  	(tm) =	ssettm $0x7FFFFFFF  }
0xc3: {  	_ =	shalt  }
tec
execute0_lowered:
.L_overlay_start_1:
0x0: {  	(tag) =	ssettag $0x1  }
0x1: {  	s0 =	srdreg.scid;
	s4 =	rddreg [dreg:$0x0]  }
0x2: {  	s6 =	stileid.u32;
	s7 =	rddreg [dreg:$0x1]  }
0x3: {  	s2 =	simm.s32 $0x0;
	s25 =	simm.s32 $0x1;
	s29 =	simm.s32 $0x7620  }
0x4: {  	s26 =	simm.s32 $0x9E20;
	s28 =	simm.s32 $0x0;
	s0 =	sand.u32 $0x1, s0  }
0x5: {  	s8 =	smul.u32 $0x280, s6;
	[smem:$0x7FF] =	sst s2;
	s3 =	sadd.s32 $0x15A00, s4  }
0x6: {  	s1 =	sshll.u32 s0, $0x4;
	s5 =	smul.u32 $0x2800, s0;
	_ =	strace $0x8000004D  }
0x7: {  	s0 =	ssub.s32 $0x2, s0;
	s1 =	sor.u32 s6, s1;
	s6 =	smul.u32 $0xA000, s6  }
0x8: {  	s31 =	sshrl.u32 s0, $0x1;
	s1 =	smul.u32 $0x2710, s1;
	s5 =	sadd.s32 s8, s5  }
0x9: {  	s0 =	ssub.s32 s0, s31;
	s5 =	sshrl.u32 s5, $0x3;
	s6 =	sshrl.u32 s6, $0x2  }
0xa: {  	s24 =	smax.u32 s0, $0x1;
	s1 =	sshrl.u32 s1, $0x3;
	s23 =	sadd.s32 s5, s4  }
0xb: {  	s6 =	sadd.s32 s6, s7;
	s7 =	sadd.s32 s8, s7;
	s1 =	sadd.s32 s1, s4  }
0xc: {  	s8 =	sadd.s32 $0x2800, s7;
	s9 =	sadd.s32 $0x5000, s7;
	s10 =	sadd.s32 $0x7800, s7  }
0xd: {  	s11 =	sadd.s32 $0xA000, s7;
	s12 =	sadd.s32 $0xC800, s7;
	s13 =	sadd.s32 $0xF000, s7  }
0xe: {  	s14 =	sadd.s32 $0x11800, s7;
	s15 =	sadd.s32 $0x14000, s7;
	s16 =	sadd.s32 $0x16800, s7  }
0xf: {  	s17 =	sadd.s32 $0x19000, s7;
	s18 =	sadd.s32 $0x1B800, s7;
	s19 =	sadd.s32 $0x1E000, s7  }
0x10: {  	s20 =	sadd.s32 $0x20800, s7;
	s21 =	sadd.s32 $0x23000, s7;
	s22 =	sadd.s32 $0x25800, s7  }
0x11: {  	v0 =	vimm.f32 $0.0e+00;
	s23 =	sadd.s32 $0x16000, s23;
	s4 =	sadd.s32 $0x2000, s1;
	s5 =	sadd.s32 $0xBC40, s1  }
.LBB2_1:
0x12: {  	[tilespmem:s2], [sflag:$0x1] =	stream.linear.gather [hbm4b:s3+s2], $0x2800, $0x38;
	[tilespmem:$0xF0A0] =	vst v63  }
0x13: {  	_ =	swait.ge [sflag:s25], $0x2800  }
0x14: {  	[sflag:s25] =	ssyncset.done $0x0  }
0x15: {  	s1 =	simm.s32 $0x100;
	s0 =	simm.s32 $0x0;
	[sflag:s25] =	ssyncadd.s32 $0xFFFFD800  }
.LBB2_2:
0x16: {  	p0 =	sne.s32 s1, $0x9F00;
	[tilespmem:s0+$0x7650] =	vst v0;
	s30 =	smov.u32 s1;
	s1 =	sadd.s32 $0x100, s1  }
.Ltmp0:
0x17: {  	[tilespmem:s0+$0x7640] =	vst v0;
	(pc) =	sbr.rel @p0 .LBB2_2-.Ltmp0, $3  }
0x18: {  	[tilespmem:s0+$0x7620] =	vst v0  }
0x19: {  	[tilespmem:s0+$0x7630] =	vst v0;
	_ =	sdelay $0x1  }
0x1a: {  	s0 =	sshra.s32 s30, $0x2  }
0x1b: {  	[tilespmem:s0+$0x7650] =	vst v0  }
0x1c: {  	[tilespmem:s0+$0x7640] =	vst v0  }
0x1d: {  	[tilespmem:s0+$0x7620] =	vst v0  }
0x1e: {  	[tilespmem:s0+$0x7630] =	vst v0;
	s0 =	simm.s32 $0x0;
	s1 =	simm.s32 $0x2800  }
0x1f: {  	[tilespmem:s1], [sflag:$0x1] =	stream.linear.gather [hbm4b:s4+s0], $0x2710, $0x38;
	[tilespmem:$0xF0A0] =	vst v63  }
0x20: {  	_ =	swait.ge [sflag:s25], $0x2710  }
0x21: {  	[sflag:s25] =	ssyncset.done $0x0  }
0x22: {  	s31 =	simm.s32 $0x4F10;
	[sflag:s25] =	ssyncadd.s32 $0xFFFFD8F0  }
0x23: {  	[tilespmem:s31], [sflag:$0x1] =	stream.linear.gather [hbm4b:s5+s0], $0x2710, $0x38;
	[tilespmem:$0xF0A0] =	vst v63  }
0x24: {  	_ =	swait.ge [sflag:s25], $0x2710  }
0x25: {  	[sflag:s25] =	ssyncset.done $0x0  }
0x26: {  	[sflag:s25] =	ssyncadd.s32 $0xFFFFD8F0  }
.LBB2_4:
0x27: {  	s1 =	sshra.s32 s0, $0x2  }
0x28: {  	v1 =	vld [tilespmem:s1+$0x2800];
	_ =	sdelay $0x4  }
0x29: {  	v2 =	vld [tilespmem:s1+$0x4F10];
	_ =	sdelay $0x2  }
0x2a: {  	v1 =	vld.idx.msk [tilespmem:v1+s2+$0x0], $0xffff;
	_ =	sdelay $0x4  }
0x2b: {  	[tilespmem:v2+s29+$0x0] =	vst.idx.add.f32.msk $0xffff, v1  }
0x2c: {  	v1 =	vld [tilespmem:s1+$0x2810];
	_ =	sdelay $0x4  }
0x2d: {  	v2 =	vld [tilespmem:s1+$0x4F20];
	_ =	sdelay $0x2  }
0x2e: {  	v1 =	vld.idx.msk [tilespmem:v1+s2+$0x0], $0xffff;
	_ =	sdelay $0x4  }
0x2f: {  	[tilespmem:v2+s29+$0x0] =	vst.idx.add.f32.msk $0xffff, v1  }
0x30: {  	v1 =	vld [tilespmem:s1+$0x2820];
	_ =	sdelay $0x4  }
0x31: {  	v2 =	vld [tilespmem:s1+$0x4F30];
	_ =	sdelay $0x2  }
0x32: {  	v1 =	vld.idx.msk [tilespmem:v1+s2+$0x0], $0xffff;
	_ =	sdelay $0x4  }
0x33: {  	[tilespmem:v2+s29+$0x0] =	vst.idx.add.f32.msk $0xffff, v1  }
0x34: {  	v1 =	vld [tilespmem:s1+$0x2830];
	_ =	sdelay $0x4  }
0x35: {  	v2 =	vld [tilespmem:s1+$0x4F40];
	_ =	sdelay $0x2  }
0x36: {  	v1 =	vld.idx.msk [tilespmem:v1+s2+$0x0], $0xffff;
	_ =	sdelay $0x4  }
0x37: {  	[tilespmem:v2+s29+$0x0] =	vst.idx.add.f32.msk $0xffff, v1  }
0x38: {  	v1 =	vld [tilespmem:s1+$0x2840];
	_ =	sdelay $0x4  }
0x39: {  	v2 =	vld [tilespmem:s1+$0x4F50];
	_ =	sdelay $0x2  }
0x3a: {  	p0 =	sne.s32 s0, $0x9B00;
	v1 =	vld.idx.msk [tilespmem:v1+s2+$0x0], $0xffff  }
.Ltmp1:
0x3b: {  	_ = 	snop;
	(pc) =	sbr.rel @p0 .LBB2_4-.Ltmp1, $2  }
0x3c: {  	_ =	sdelay $0x2  }
0x3d: {  	s0 =	sadd.s32 $0x140, s0;
	[tilespmem:v2+s29+$0x0] =	vst.idx.add.f32.msk $0xffff, v1  }
0x3e: {  	[spmem:s6] =	stream.linear.scatter [tilespmem:s29], [sflag:$0x1], $0x2800, $0x38;
	[tilespmem:$0xF0A0] =	vst v63  }
0x3f: {  	_ =	swait.ge [sflag:s25], $0x2800  }
0x40: {  	[sflag:s25] =	ssyncset.done $0x0  }
0x41: {  	[sflag:s25] =	ssyncadd.s32 $0xFFFFD800  }
0x42: {  	s0 =	simm.s32 $0xA0A0;
	[bflag:$0x0] =	sbarrier.arrive $0xFFFF  }
0x43: {  	[tilespmem:s0], [sflag:$0x1] =	stream.linear.gather [spmem:s7], $0x280, $0x38;
	[tilespmem:$0xF0A0] =	vst v63  }
0x44: {  	_ =	swait.ge [sflag:s25], $0x280  }
0x45: {  	[sflag:s25] =	ssyncset.done $0x0  }
0x46: {  	s1 =	simm.s32 $0xA320;
	[sflag:s25] =	ssyncadd.s32 $0xFFFFFD80  }
0x47: {  	[tilespmem:s1], [sflag:$0x1] =	stream.linear.gather [spmem:s8], $0x280, $0x38;
	[tilespmem:$0xF0A0] =	vst v63  }
0x48: {  	_ =	swait.ge [sflag:s25], $0x280  }
0x49: {  	[sflag:s25] =	ssyncset.done $0x0  }
0x4a: {  	s1 =	simm.s32 $0xA5A0;
	[sflag:s25] =	ssyncadd.s32 $0xFFFFFD80  }
0x4b: {  	[tilespmem:s1], [sflag:$0x1] =	stream.linear.gather [spmem:s9], $0x280, $0x38;
	[tilespmem:$0xF0A0] =	vst v63  }
0x4c: {  	_ =	swait.ge [sflag:s25], $0x280  }
0x4d: {  	[sflag:s25] =	ssyncset.done $0x0  }
0x4e: {  	s1 =	simm.s32 $0xA820;
	[sflag:s25] =	ssyncadd.s32 $0xFFFFFD80  }
0x4f: {  	[tilespmem:s1], [sflag:$0x1] =	stream.linear.gather [spmem:s10], $0x280, $0x38;
	[tilespmem:$0xF0A0] =	vst v63  }
0x50: {  	_ =	swait.ge [sflag:s25], $0x280  }
0x51: {  	[sflag:s25] =	ssyncset.done $0x0  }
0x52: {  	s1 =	simm.s32 $0xAAA0;
	[sflag:s25] =	ssyncadd.s32 $0xFFFFFD80  }
0x53: {  	[tilespmem:s1], [sflag:$0x1] =	stream.linear.gather [spmem:s11], $0x280, $0x38;
	[tilespmem:$0xF0A0] =	vst v63  }
0x54: {  	_ =	swait.ge [sflag:s25], $0x280  }
0x55: {  	[sflag:s25] =	ssyncset.done $0x0  }
0x56: {  	s1 =	simm.s32 $0xAD20;
	[sflag:s25] =	ssyncadd.s32 $0xFFFFFD80  }
0x57: {  	[tilespmem:s1], [sflag:$0x1] =	stream.linear.gather [spmem:s12], $0x280, $0x38;
	[tilespmem:$0xF0A0] =	vst v63  }
0x58: {  	_ =	swait.ge [sflag:s25], $0x280  }
0x59: {  	[sflag:s25] =	ssyncset.done $0x0  }
0x5a: {  	s1 =	simm.s32 $0xAFA0;
	[sflag:s25] =	ssyncadd.s32 $0xFFFFFD80  }
0x5b: {  	[tilespmem:s1], [sflag:$0x1] =	stream.linear.gather [spmem:s13], $0x280, $0x38;
	[tilespmem:$0xF0A0] =	vst v63  }
0x5c: {  	_ =	swait.ge [sflag:s25], $0x280  }
0x5d: {  	[sflag:s25] =	ssyncset.done $0x0  }
0x5e: {  	s1 =	simm.s32 $0xB220;
	[sflag:s25] =	ssyncadd.s32 $0xFFFFFD80  }
0x5f: {  	[tilespmem:s1], [sflag:$0x1] =	stream.linear.gather [spmem:s14], $0x280, $0x38;
	[tilespmem:$0xF0A0] =	vst v63  }
0x60: {  	_ =	swait.ge [sflag:s25], $0x280  }
0x61: {  	[sflag:s25] =	ssyncset.done $0x0  }
0x62: {  	s1 =	simm.s32 $0xB4A0;
	[sflag:s25] =	ssyncadd.s32 $0xFFFFFD80  }
0x63: {  	[tilespmem:s1], [sflag:$0x1] =	stream.linear.gather [spmem:s15], $0x280, $0x38;
	[tilespmem:$0xF0A0] =	vst v63  }
0x64: {  	_ =	swait.ge [sflag:s25], $0x280  }
0x65: {  	[sflag:s25] =	ssyncset.done $0x0  }
0x66: {  	s1 =	simm.s32 $0xB720;
	[sflag:s25] =	ssyncadd.s32 $0xFFFFFD80  }
0x67: {  	[tilespmem:s1], [sflag:$0x1] =	stream.linear.gather [spmem:s16], $0x280, $0x38;
	[tilespmem:$0xF0A0] =	vst v63  }
0x68: {  	_ =	swait.ge [sflag:s25], $0x280  }
0x69: {  	[sflag:s25] =	ssyncset.done $0x0  }
0x6a: {  	s1 =	simm.s32 $0xB9A0;
	[sflag:s25] =	ssyncadd.s32 $0xFFFFFD80  }
0x6b: {  	[tilespmem:s1], [sflag:$0x1] =	stream.linear.gather [spmem:s17], $0x280, $0x38;
	[tilespmem:$0xF0A0] =	vst v63  }
0x6c: {  	_ =	swait.ge [sflag:s25], $0x280  }
0x6d: {  	[sflag:s25] =	ssyncset.done $0x0  }
0x6e: {  	s1 =	simm.s32 $0xBC20;
	[sflag:s25] =	ssyncadd.s32 $0xFFFFFD80  }
0x6f: {  	[tilespmem:s1], [sflag:$0x1] =	stream.linear.gather [spmem:s18], $0x280, $0x38;
	[tilespmem:$0xF0A0] =	vst v63  }
0x70: {  	_ =	swait.ge [sflag:s25], $0x280  }
0x71: {  	[sflag:s25] =	ssyncset.done $0x0  }
0x72: {  	s1 =	simm.s32 $0xBEA0;
	[sflag:s25] =	ssyncadd.s32 $0xFFFFFD80  }
0x73: {  	[tilespmem:s1], [sflag:$0x1] =	stream.linear.gather [spmem:s19], $0x280, $0x38;
	[tilespmem:$0xF0A0] =	vst v63  }
0x74: {  	_ =	swait.ge [sflag:s25], $0x280  }
0x75: {  	[sflag:s25] =	ssyncset.done $0x0  }
0x76: {  	s1 =	simm.s32 $0xC120;
	[sflag:s25] =	ssyncadd.s32 $0xFFFFFD80  }
0x77: {  	[tilespmem:s1], [sflag:$0x1] =	stream.linear.gather [spmem:s20], $0x280, $0x38;
	[tilespmem:$0xF0A0] =	vst v63  }
0x78: {  	_ =	swait.ge [sflag:s25], $0x280  }
0x79: {  	[sflag:s25] =	ssyncset.done $0x0  }
0x7a: {  	s1 =	simm.s32 $0xC3A0;
	[sflag:s25] =	ssyncadd.s32 $0xFFFFFD80  }
0x7b: {  	[tilespmem:s1], [sflag:$0x1] =	stream.linear.gather [spmem:s21], $0x280, $0x38;
	[tilespmem:$0xF0A0] =	vst v63  }
0x7c: {  	_ =	swait.ge [sflag:s25], $0x280  }
0x7d: {  	[sflag:s25] =	ssyncset.done $0x0  }
0x7e: {  	s1 =	simm.s32 $0xC620;
	[sflag:s25] =	ssyncadd.s32 $0xFFFFFD80  }
0x7f: {  	[tilespmem:s1], [sflag:$0x1] =	stream.linear.gather [spmem:s22], $0x280, $0x38;
	[tilespmem:$0xF0A0] =	vst v63  }
0x80: {  	_ =	swait.ge [sflag:s25], $0x280  }
0x81: {  	[sflag:s25] =	ssyncset.done $0x0  }
0x82: {  	s31 =	simm.s32 $0x0;
	[sflag:s25] =	ssyncadd.s32 $0xFFFFFD80  }
0x83: {  	v1 =	vld [tilespmem:s31+$0xA0A0]  }
0x84: {  	v2 =	vld [tilespmem:s31+$0xA320];
	_ =	sdelay $0x1  }
0x85: {  	v3 =	vld [tilespmem:s31+$0xA5A0];
	_ =	sdelay $0x1  }
0x86: {  	v4 =	vld [tilespmem:s31+$0xA820]  }
0x87: {  	v1 =	vadd.f32 v2, v1  }
0x88: {  	v2 =	vld [tilespmem:s31+$0xAAA0]  }
0x89: {  	v1 =	vadd.f32 v3, v1  }
0x8a: {  	v3 =	vld [tilespmem:s31+$0xAD20]  }
0x8b: {  	v1 =	vadd.f32 v4, v1  }
0x8c: {  	v4 =	vld [tilespmem:s31+$0xAFA0]  }
0x8d: {  	v1 =	vadd.f32 v2, v1  }
0x8e: {  	v2 =	vld [tilespmem:s31+$0xB220]  }
0x8f: {  	s30 =	simm.s32 $0x10;
	v5 =	vld [tilespmem:s31+$0xB4A0];
	v1 =	vadd.f32 v3, v1  }
0x90: {  	v6 =	vld [tilespmem:s30+$0xA0A0]  }
0x91: {  	v3 =	vld [tilespmem:s31+$0xB720];
	v1 =	vadd.f32 v4, v1  }
0x92: {  	v4 =	vld [tilespmem:s30+$0xA320]  }
0x93: {  	v7 =	vld [tilespmem:s30+$0xA5A0];
	v1 =	vadd.f32 v2, v1  }
0x94: {  	v2 =	vld [tilespmem:s31+$0xB9A0]  }
0x95: {  	v8 =	vld [tilespmem:s30+$0xA820];
	v1 =	vadd.f32 v5, v1  }
0x96: {  	v5 =	vld [tilespmem:s31+$0xBC20]  }
0x97: {  	v4 =	vadd.f32 v4, v6;
	v6 =	vld [tilespmem:s30+$0xAAA0];
	v1 =	vadd.f32 v3, v1  }
0x98: {  	v3 =	vld [tilespmem:s31+$0xBEA0]  }
0x99: {  	v4 =	vadd.f32 v7, v4;
	v7 =	vld [tilespmem:s30+$0xAD20];
	v1 =	vadd.f32 v2, v1  }
0x9a: {  	v2 =	vld [tilespmem:s31+$0xC120]  }
0x9b: {  	v9 =	vld [tilespmem:s30+$0xAFA0];
	v4 =	vadd.f32 v8, v4;
	v1 =	vadd.f32 v5, v1  }
0x9c: {  	v8 =	vld [tilespmem:s31+$0xC3A0]  }
0x9d: {  	v5 =	vadd.f32 v6, v4;
	v4 =	vld [tilespmem:s30+$0xB220];
	v6 =	vadd.f32 v3, v1  }
0x9e: {  	v3 =	vld [tilespmem:s31+$0xC620]  }
0x9f: {  	v1 =	vld [tilespmem:s30+$0xB720];
	v7 =	vadd.f32 v7, v5;
	v10 =	vadd.f32 v2, v6  }
0xa0: {  	s1 =	simm.s32 $0x20;
	v5 =	vld [tilespmem:s30+$0xB4A0]  }
0xa1: {  	s0 =	simm.s32 $0xC0;
	v2 =	vld [tilespmem:s1+$0xA0A0];
	v6 =	vadd.f32 v9, v7;
	v7 =	vadd.f32 v8, v10  }
.LBB2_6:
0xa2: {  	p0 =	sne.s32 s0, $0x9C0;
	v8 =	vld [tilespmem:s1+$0xA320]  }
0xa3: {  	v4 =	vadd.f32 v4, v6;
	v6 =	vld [tilespmem:s30+$0xB9A0];
	v3 =	vadd.f32 v3, v7  }
0xa4: {  	v7 =	vld [tilespmem:s1+$0xA5A0]  }
0xa5: {  	v4 =	vadd.f32 v5, v4;
	v5 =	vld [tilespmem:s30+$0xBC20];
	[tilespmem:s31+$0x9E20] =	vst v3;
	s31 =	smov.u32 s30;
	s30 =	smov.u32 s1  }
0xa6: {  	v3 =	vld [tilespmem:s30+$0xA820]  }
0xa7: {  	v2 =	vadd.f32 v8, v2;
	v1 =	vadd.f32 v1, v4;
	v4 =	vld [tilespmem:s31+$0xBEA0]  }
0xa8: {  	v8 =	vld [tilespmem:s30+$0xAAA0]  }
0xa9: {  	v2 =	vadd.f32 v7, v2;
	v1 =	vadd.f32 v6, v1;
	v6 =	vld [tilespmem:s31+$0xC120]  }
0xaa: {  	v7 =	vld [tilespmem:s30+$0xAD20]  }
0xab: {  	v2 =	vadd.f32 v3, v2;
	v1 =	vadd.f32 v5, v1;
	v9 =	vld [tilespmem:s31+$0xC3A0]  }
0xac: {  	v10 =	vld [tilespmem:s30+$0xAFA0]  }
.Ltmp2:
0xad: {  	v2 =	vadd.f32 v8, v2;
	v5 =	vadd.f32 v4, v1;
	v3 =	vld [tilespmem:s31+$0xC620];
	(pc) =	sbr.rel @p0 .LBB2_6-.Ltmp2, $4  }
0xae: {  	v4 =	vld [tilespmem:s30+$0xB220]  }
0xaf: {  	v7 =	vadd.f32 v7, v2;
	v1 =	vld [tilespmem:s30+$0xB720];
	v8 =	vadd.f32 v6, v5  }
0xb0: {  	s1 =	sshra.s32 s0, $0x2;
	v5 =	vld [tilespmem:s30+$0xB4A0]  }
0xb1: {  	s0 =	sadd.s32 $0x40, s0;
	v2 =	vld [tilespmem:s1+$0xA0A0];
	v6 =	vadd.f32 v10, v7;
	v7 =	vadd.f32 v9, v8  }
0xb2: {  	v8 =	vld [tilespmem:s1+$0xA320]  }
0xb3: {  	v9 =	vld [tilespmem:s30+$0xB9A0];
	v3 =	vadd.f32 v3, v7  }
0xb4: {  	v52 =	vld [tilespmem:s1+$0xA5A0]  }
0xb5: {  	v10 =	vld [tilespmem:s30+$0xBC20];
	v4 =	vadd.f32 v4, v6;
	[tilespmem:s31+$0x9E20] =	vst v3  }
0xb6: {  	v3 =	vld [tilespmem:s1+$0xA820]  }
0xb7: {  	v4 =	vadd.f32 v5, v4;
	v2 =	vadd.f32 v8, v2  }
0xb8: {  	v53 =	vld [tilespmem:s1+$0xAAA0]  }
0xb9: {  	v54 =	vld [tilespmem:s30+$0xBEA0];
	v1 =	vadd.f32 v1, v4;
	v2 =	vadd.f32 v52, v2  }
0xba: {  	v55 =	vld [tilespmem:s1+$0xAD20]  }
0xbb: {  	v56 =	vld [tilespmem:s30+$0xC120];
	v1 =	vadd.f32 v9, v1;
	v2 =	vadd.f32 v3, v2  }
0xbc: {  	v3 =	vld [tilespmem:s1+$0xAFA0]  }
0xbd: {  	v57 =	vld [tilespmem:s30+$0xC3A0];
	v1 =	vadd.f32 v10, v1;
	v2 =	vadd.f32 v53, v2  }
0xbe: {  	v58 =	vld [tilespmem:s1+$0xB220]  }
0xbf: {  	v59 =	vld [tilespmem:s30+$0xC620];
	v1 =	vadd.f32 v54, v1;
	v2 =	vadd.f32 v55, v2  }
0xc0: {  	v60 =	vld [tilespmem:s1+$0xB4A0]  }
0xc1: {  	v1 =	vadd.f32 v56, v1;
	v2 =	vadd.f32 v3, v2  }
0xc2: {  	v3 =	vld [tilespmem:s1+$0xB720]  }
0xc3: {  	v1 =	vadd.f32 v57, v1;
	v2 =	vadd.f32 v58, v2  }
0xc4: {  	v61 =	vld [tilespmem:s1+$0xB9A0]  }
0xc5: {  	v1 =	vadd.f32 v59, v1;
	v2 =	vadd.f32 v60, v2  }
0xc6: {  	v62 =	vld [tilespmem:s1+$0xBC20]  }
0xc7: {  	[tilespmem:s30+$0x9E20] =	vst v1;
	v1 =	vadd.f32 v3, v2  }
0xc8: {  	v2 =	vld [tilespmem:s1+$0xBEA0]  }
0xc9: {  	v1 =	vadd.f32 v61, v1  }
0xca: {  	v3 =	vld [tilespmem:s1+$0xC120]  }
0xcb: {  	v1 =	vadd.f32 v62, v1  }
0xcc: {  	v63 =	vld [tilespmem:s1+$0xC3A0]  }
0xcd: {  	v1 =	vadd.f32 v2, v1  }
0xce: {  	v2 =	vld [tilespmem:s1+$0xC620]  }
0xcf: {  	v1 =	vadd.f32 v3, v1;
	_ =	sdelay $0x1  }
0xd0: {  	v1 =	vadd.f32 v63, v1;
	_ =	sdelay $0x1  }
0xd1: {  	s28 =	sadd.s32 $0x1, s28;
	v1 =	vadd.f32 v2, v1  }
0xd2: {  	p0 =	sne.s32 s28, s24  }
.Ltmp3:
0xd3: {  	[tilespmem:s1+$0x9E20] =	vst v1;
	(pc) =	sbr.rel @p0 .LBB2_1-.Ltmp3, $4  }
0xd4: {  	[hbm4b:s23+s2] =	stream.linear.scatter [tilespmem:s26], [sflag:$0x1], $0x280, $0x38;
	[tilespmem:$0xF0A0] =	vst v63  }
0xd5: {  	_ =	swait.ge [sflag:s25], $0x280  }
0xd6: {  	[sflag:s25] =	ssyncset.done $0x0  }
0xd7: {  	[sflag:s25] =	ssyncadd.s32 $0xFFFFFD80  }
0xd8: {  	_ =	sfence.sel $0x180000  }
0xd9: {  	[bflag:$0x0] =	sbarrier.arrive $0xFFFF  }
0xda: {  	_ =	strace $0x9000004D  }
0xdb: {  	s0 =	stileid.u32;
	[bflag:$0x2] =	sbarrier.arrive $0xFFFF  }
0xdc: {  	p0 =	sne.s32 s0, $0x0;
	s0 =	rddreg [dreg:$0x2]  }
0xdd: {  	s0 =	sadd.s32 @!p0 $0x100000, s0  }
0xde: {  	[sflag:s0] =	ssyncadd.tile.s32 @!p0 $0x1;
	_ =	shalt  }
.Lfunc_end2:
_tile_overlayer_lowered:
.L_overlay_start_2:
0xdf: {  	(tag) =	ssettag $0x2  }
0xe0: {  	s0 =	rddreg [dreg:$0x0];
	s2 =	stileid.u32  }
0xe1: {  	s1 =	rddreg [dreg:$0x1];
	p0 =	sne.s32 s2, $0x0  }
0xe2: {  	s3 =	rddreg [dreg:$0x2];
	[bflag:$0x3] =	sbarrier.arrive $0xFFFF;
	s2 =	simm.s32 @!p0 $0x1C01  }
0xe3: {  	[timem:s3], [sflag:s2] =	dma.local @!p0 [hbm:s0], s1  }
0xe4: {  	s0 =	simm.s32 @!p0 $0x1  }
0xe5: {  	_ =	swait.ge @!p0 [sflag:s0], s1  }
0xe6: {  	s1 =	ssub.s32 @!p0 $0x0, s1;
	[sflag:s0] =	ssyncset.done @!p0 $0x0  }
0xe7: {  	[sflag:s0] =	ssyncadd.s32 @!p0 s1  }
0xe8: {  	[bflag:$0x3] =	sbarrier.arrive $0xFFFF  }
0xe9: {  	_ =	shalt  }

// kernel: kernel.9.cloned.1.call-start
scs
__scs_entry_jumppad:
0x0: {  	(pc) =	sbr.rel $0x88, $3  }
0x1: {  	(tag) =	ssettag $0x0;
	lr =	simm.s32 $0x1  }
0x2: {  	[smem:$0x3F9B] =	sst lr;
	_ =	strace $0xD0000000  }
0x3: {  	_ = 	snop  }
0x4: {  	_ = 	snop  }
0x5: {  	_ = 	snop  }
0x6: {  	_ = 	snop  }
0x7: {  	_ = 	snop  }
__scs_overlays_trampoline_lowered:
0x8: {  	[smem:$0x3FAA] =	sst s0  }
0x9: {  	[smem:$0x3FAB] =	sst s1  }
0xa: {  	[smem:$0x3FAC] =	sst s2  }
0xb: {  	[smem:$0x3FAD] =	sst s3  }
0xc: {  	[smem:$0x3FAE] =	sst s4  }
0xd: {  	[smem:$0x3FAF] =	sst s5  }
0xe: {  	[smem:$0x3FB0] =	sst s6  }
0xf: {  	[smem:$0x3FB1] =	sst s7  }
0x10: {  	[smem:$0x3FB2] =	sst s8  }
0x11: {  	[smem:$0x3FB3] =	sst s9;
	s0 =	simm.s32 @!p0 $0x0  }
0x12: {  	s1 =	sld [smem:$0x3F99];
	s0 =	simm.s32 @p0 $0x1  }
0x13: {  	[smem:$0x3FB4] =	sst s0;
	s0 =	simm.s32 @!p1 $0x0  }
0x14: {  	s2 =	sld [smem:$0x3F98];
	s0 =	simm.s32 @p1 $0x1  }
0x15: {  	[smem:$0x3FB5] =	sst s0;
	s0 =	simm.s32 @!p2 $0x0  }
0x16: {  	s3 =	sld [smem:$0x3FDB];
	s0 =	simm.s32 @p2 $0x1  }
0x17: {  	s4 =	simm.s32 $0x1BF5;
	[smem:$0x3FB7] =	sst s0  }
0x18: {  	s0 =	sld [smem:$0x3F9A];
	_ =	swait.ge [sflag:s4], $0x0  }
0x19: {  	s7 =	sld [smem:$0x3F9B]  }
0x1a: {  	s8 =	sadd.s32 $0xFFFFE003, lr  }
0x1b: {  	s9 =	sadd.s32 $0xFFFFFEF7, lr;
	s5 =	simm.s32 $0xFFFFFFFF;
	p2 =	slt.u32 s8, $0xFFFFF086  }
0x1c: {  	p1 =	slt.u32 s9, $0xF7A;
	s5 =	simm.s32 @!p2 $0x0  }
0x1d: {  	s5 =	simm.s32 @p1 $0x1;
	p0 =	seq.s32 s7, s2  }
0x1e: {  	s7 =	smul.u32 @!p0 $0xF7A, s2;
	p2 =	seq.s32 @!p0 s5, $0x0  }
0x1f: {  	s9 =	smul.u32 $0xF7A, s1;
	s8 =	simm.s32 @!p0 $0x1BF5;
	p2 =	por !p2, p0  }
0x20: {  	[sflag:s8] =	ssyncset.s32 @!p0 $0xFFFFF086;
	s6 =	sadd.s32 @!p0 s3, s7;
	s7 =	simm.s32 @!p0 $0x108  }
0x21: {  	s3 =	sadd.s32 s3, s9;
	s6 =	sadd.s32 @!p0 $0x88, s6;
	s7 =	simm.s32 @p2 $0x1082  }
0x22: {  	[simem:s7], [sflag:s8] =	dma.local @!p0 [hbm:s6], $0xF7A  }
0x23: {  	s9 =	sor.u32 $0xD0000000, s2;
	s6 =	simm.s32 $0x108;
	_ =	swait.ge @!p0 [sflag:s8], $0x0  }
0x24: {  	s3 =	sadd.s32 $0x88, s3;
	s6 =	simm.s32 @!p1 $0x1082;
	[sflag:s4] =	ssyncset.s32 $0xFFFFF086  }
0x25: {  	[simem:s6], [sflag:s4] =	dma.local [hbm:s3], $0xF7A  }
0x26: {  	[smem:$0x3F9B] =	sst s1;
	(tag) =	ssettag s2;
	_ =	strace s9  }
0x27: {  	s1 =	sld [smem:$0x3FAB]  }
0x28: {  	s2 =	sld [smem:$0x3FAC]  }
0x29: {  	s4 =	sld [smem:$0x3FAE]  }
0x2a: {  	p0 =	seq.s32 s5, $0x0;
	s5 =	sld [smem:$0x3FAF]  }
0x2b: {  	s6 =	sld [smem:$0x3FB0]  }
0x2c: {  	s7 =	sld [smem:$0x3FB1]  }
0x2d: {  	s3 =	simm.s32 $0x108;
	s8 =	sld [smem:$0x3FB2]  }
0x2e: {  	s3 =	simm.s32 @!p0 $0x1082;
	s9 =	sld [smem:$0x3FB3]  }
0x2f: {  	lr =	sadd.s32 s0, s3;
	s0 =	sld [smem:$0x3FAA]  }
0x30: {  	s3 =	sld [smem:$0x3FAD]  }
0x31: {  	[smem:$0x3FB6] =	sst s10  }
0x32: {  	s10 =	sld [smem:$0x3FB4];
	_ =	sdelay $0x3  }
0x33: {  	p0 =	seq.s32 s10, $0x1;
	s10 =	sld [smem:$0x3FB6];
	_ =	sdelay $0x3  }
0x34: {  	[smem:$0x3FB6] =	sst s10  }
0x35: {  	s10 =	sld [smem:$0x3FB5];
	_ =	sdelay $0x3  }
0x36: {  	p1 =	seq.s32 s10, $0x1;
	s10 =	sld [smem:$0x3FB6];
	_ =	sdelay $0x3  }
0x37: {  	[smem:$0x3FB6] =	sst s10  }
0x38: {  	s10 =	sld [smem:$0x3FB7]  }
0x39: {  	_ = 	snop;
	(pc) =	sbr.ind lr, $3  }
0x3a: {  	_ = 	snop  }
0x3b: {  	_ = 	snop  }
0x3c: {  	p2 =	seq.s32 s10, $0x1;
	s10 =	sld [smem:$0x3FB6]  }
0x3d: {  	_ =	shalt  }
0x3e: {  	_ =	shalt  }
0x3f: {  	_ =	shalt  }
0x40: {  	_ =	shalt  }
0x41: {  	_ =	shalt  }
0x42: {  	_ =	shalt  }
0x43: {  	_ =	shalt  }
0x44: {  	_ =	shalt  }
0x45: {  	_ =	shalt  }
0x46: {  	_ =	shalt  }
0x47: {  	_ =	shalt  }
0x48: {  	_ =	shalt  }
0x49: {  	_ =	shalt  }
0x4a: {  	_ =	shalt  }
0x4b: {  	_ =	shalt  }
0x4c: {  	_ =	shalt  }
0x4d: {  	_ =	shalt  }
0x4e: {  	_ =	shalt  }
0x4f: {  	_ =	shalt  }
0x50: {  	_ =	shalt  }
0x51: {  	_ =	shalt  }
0x52: {  	_ =	shalt  }
0x53: {  	_ =	shalt  }
0x54: {  	_ =	shalt  }
0x55: {  	_ =	shalt  }
0x56: {  	_ =	shalt  }
0x57: {  	_ =	shalt  }
0x58: {  	_ =	shalt  }
0x59: {  	_ =	shalt  }
0x5a: {  	_ =	shalt  }
0x5b: {  	_ =	shalt  }
0x5c: {  	_ =	shalt  }
0x5d: {  	_ =	shalt  }
0x5e: {  	_ =	shalt  }
0x5f: {  	_ =	shalt  }
0x60: {  	_ =	shalt  }
0x61: {  	_ =	shalt  }
0x62: {  	_ =	shalt  }
0x63: {  	_ =	shalt  }
0x64: {  	_ =	shalt  }
0x65: {  	_ =	shalt  }
0x66: {  	_ =	shalt  }
0x67: {  	_ =	shalt  }
0x68: {  	_ =	shalt  }
0x69: {  	_ =	shalt  }
0x6a: {  	_ =	shalt  }
0x6b: {  	_ =	shalt  }
0x6c: {  	_ =	shalt  }
0x6d: {  	_ =	shalt  }
0x6e: {  	_ =	shalt  }
0x6f: {  	_ =	shalt  }
0x70: {  	_ =	shalt  }
0x71: {  	_ =	shalt  }
0x72: {  	_ =	shalt  }
0x73: {  	_ =	shalt  }
0x74: {  	_ =	shalt  }
0x75: {  	_ =	shalt  }
0x76: {  	_ =	shalt  }
0x77: {  	_ =	shalt  }
0x78: {  	_ =	shalt  }
0x79: {  	_ =	shalt  }
0x7a: {  	_ =	shalt  }
0x7b: {  	_ =	shalt  }
0x7c: {  	_ =	shalt  }
0x7d: {  	_ =	shalt  }
0x7e: {  	_ =	shalt  }
0x7f: {  	_ =	shalt  }
0x80: {  	_ =	shalt  }
0x81: {  	_ =	shalt  }
0x82: {  	_ =	shalt  }
0x83: {  	_ =	shalt  }
0x84: {  	_ =	shalt  }
0x85: {  	_ =	shalt  }
0x86: {  	_ =	shalt  }
0x87: {  	_ =	shalt  }
.Lfunc_end0:
.L_simem_size_0:
called_computation_lowered:
.L_overlay_start_0:
0x88: {  	s2 =	sld [smem:$0x3FD9]  }
0x89: {  	s3 =	sld [smem:$0x3FFE];
	_ =	sdelay $0x1  }
0x8a: {  	s1 =	srdreg.scid  }
0x8b: {  	s0 =	sand.u32 $0x1, s1  }
0x8c: {  	s16 =	sshll.u32 s0, $0xA;
	s2 =	sadd.s32 s3, s2  }
0x8d: {  	s2 =	sadd.s32 s2, s16  }
0x8e: {  	[smem:$0x3FC2] =	sst s2  }
0x8f: {  	_ = 	snop  }
0x90: {  	(tm) =	ssettm $0x1  }
0x91: {  	s17 =	sld [smem:$0x3FFB];
	_ =	sdelay $0x3  }
0x92: {  	_ =	strace s17  }
0x93: {  	s2 =	sld [smem:$0x3FFC];
	_ =	sdelay $0x3  }
0x94: {  	_ =	strace s2  }
0x95: {  	s2 =	sld [smem:$0x3FFD];
	_ =	sdelay $0x3  }
0x96: {  	_ =	strace s2  }
0x97: {  	_ =	strace $0x8FFFFFFF  }
0x98: {  	s18 =	sld [smem:$0x3FDB];
	_ =	sdelay $0x1  }
0x99: {  	s19 =	simm.s32 $_scs_section_size  }
0x9a: {  	s4 =	simm.s32 $_size__tile_overlayer_lowered;
	s5 =	simm.s32 $_tile_overlayer_lowered  }
0x9b: {  	s22 =	simm.s32 $0x1BFF;
	s21 =	sshll.u32 s5, $0x1;
	s2 =	sadd.s32 s19, s18  }
0x9c: {  	s6 =	simm.s32 $0x0;
	s20 =	sshll.u32 s4, $0x1;
	s4 =	sadd.s32 s21, s2  }
0x9d: {  	[timem:s6], [sflag:s22] =	dma.local [hbm:s4], s20  }
0x9e: {  	_ =	swait.ge [sflag:s22], s20  }
0x9f: {  	s3 =	ssub.s32 $0x0, s20;
	[sflag:s22] =	ssyncset.done $0x0  }
0xa0: {  	[sflag:s22] =	ssyncadd.s32 s3;
	_ =	sdelay $0x1  }
0xa1: {  	s23 =	simm.s32 $0x1B8B  }
0xa2: {  	_ =	swait.ge [sflag:s23], $0x1  }
0xa3: {  	[sflag:s23] =	ssyncset.done $0x0  }
0xa4: {  	s25 =	simm.s32 $0x1B8E;
	s24 =	sld [smem:$0x3FFE];
	[sflag:s23] =	ssyncadd.s32 $0xFFFFFFFF  }
0xa5: {  	s26 =	simm.s32 $execute0_lowered;
	[smem:$0x3FD2] =	sst s25  }
0xa6: {  	s4 =	sshll.u32 s26, $0x1;
	_ =	strace $0x80000046;
	[dreg:$0x1] =	wrdreg $0xFFFFFFFF  }
0xa7: {  	s28 =	simm.s32 $_size_execute0_lowered;
	s2 =	sadd.s32 s2, s4;
	[dreg:$0x0] =	wrdreg $0x0  }
0xa8: {  	s4 =	sshll.u32 s28, $0x1;
	[dreg:$0x2] =	wrdreg s2  }
0xa9: {  	[dreg:$0x3] =	wrdreg s4  }
0xaa: {  	[dreg:$0x4] =	wrdreg $0xC0  }
0xab: {  	_ =	task [dreg:s6], $0x5FFFF  }
0xac: {  	[dreg:$0x1] =	wrdreg $0xFFFFFFFF  }
0xad: {  	[dreg:$0x0] =	wrdreg $0x60  }
0xae: {  	[dreg:$0x2] =	wrdreg s24  }
0xaf: {  	[dreg:$0x3] =	wrdreg $0x9  }
0xb0: {  	_ =	task.clear_ibuf [dreg:s6], $0x4FFFF;
	_ =	strace $0x90000046  }
0xb1: {  	s29 =	simm.s32 $0x9;
	_ =	strace $0x80000048  }
0xb2: {  	_ =	swait.ge [sflag:s29], $0x1  }
0xb3: {  	[sflag:s29] =	ssyncadd.s32 $0xFFFFFFFF  }
0xb4: {  	_ =	strace $0x90000048  }
0xb5: {  	_ =	sfence  }
0xb6: {  	s30 =	sld [smem:$0x0];
	_ =	sdelay $0x2  }
0xb7: {  	s31 =	sshll.u32 s1, $0xD;
	s1 =	sshrl.u32 s1, $0x2  }
0xb8: {  	s3 =	sand.u32 $0x4000, s31;
	s1 =	sadd.s32 s1, s30  }
0xb9: {  	s0 =	sor.u32 s3, s0;
	s1 =	sshll.u32 s1, $0x11  }
0xba: {  	s0 =	sor.u32 s1, s0  }
0xbb: {  	s0 =	sadd.s32 $0x8F2B, s0  }
0xbc: {  	[sflag:s0] =	ssyncadd.remote.s32 $0x1  }
0xbd: {  	_ =	sfence.sel $0xFFFF  }
0xbe: {  	[dreg:$0x0] =	wrdreg $0xFFFFFFFF;
	(pc) =	sbr.abs _section_cstart, $3  }
0xbf: {  	[dreg:$0x1] =	wrdreg $0xFFFFFFFF  }
0xc0: {  	_ =	task.clear_ibuf [dreg:s6], $0x2FFFF;
	_ =	strace $0x9FFFFFFF  }
0xc1: {  	(tm) =	ssettm $0x7FFFFFFF  }
tec
execute0_lowered:
.L_overlay_start_1:
0x0: {  	(tag) =	ssettag $0x1  }
0x1: {  	s0 =	srdreg.scid  }
0x2: {  	s3 =	sand.u32 $0x1, s0  }
0x3: {  	s0 =	stileid.u32;
	s1 =	sshll.u32 s3, $0x4  }
0x4: {  	s4 =	rddreg [dreg:$0x0];
	s5 =	sor.u32 s0, s1  }
0x5: {  	s2 =	simm.s32 $0x0;
	s8 =	simm.s32 $0x0;
	s6 =	smul.u32 $0x2710, s5  }
0x6: {  	[smem:$0x7FF] =	sst s2;
	s3 =	ssub.s32 $0x2, s3;
	s5 =	smul.u32 $0x500, s5  }
0x7: {  	s1 =	rddreg [dreg:$0x1];
	_ =	strace $0x80000047;
	s7 =	sshrl.u32 s3, $0x1  }
0x8: {  	s7 =	ssub.s32 s3, s7;
	s6 =	sshrl.u32 s6, $0x3;
	s5 =	sadd.s32 s5, s4  }
0x9: {  	s31 =	sadd.s32 s4, s6;
	s4 =	sadd.s32 $0x15A00, s5;
	s5 =	smax.u32 s7, $0x1  }
0xa: {  	v0 =	vimm.f32 $0.0e+00;
	v1 =	vimm.f32 $1.000000000e+00;
	s6 =	simm.s32 $0x1;
	s7 =	simm.s32 $0x2710;
	s3 =	sadd.s32 $0xBC40, s31  }
.LBB2_1:
0xb: {  	s10 =	simm.s32 $0x100;
	s9 =	simm.s32 $0x0  }
.LBB2_2:
0xc: {  	p0 =	sne.s32 s10, $0x9F00;
	[tilespmem:s9+$0x2740] =	vst v0;
	s11 =	smov.u32 s10;
	s10 =	sadd.s32 $0x100, s10  }
.Ltmp0:
0xd: {  	[tilespmem:s9+$0x2730] =	vst v0;
	(pc) =	sbr.rel @p0 .LBB2_2-.Ltmp0, $3  }
0xe: {  	[tilespmem:s9+$0x2710] =	vst v0  }
0xf: {  	[tilespmem:s9+$0x2720] =	vst v0;
	_ =	sdelay $0x1  }
0x10: {  	s9 =	sshra.s32 s11, $0x2  }
0x11: {  	[tilespmem:s9+$0x2740] =	vst v0  }
0x12: {  	[tilespmem:s9+$0x2730] =	vst v0  }
0x13: {  	[tilespmem:s9+$0x2710] =	vst v0  }
0x14: {  	[tilespmem:s9+$0x2720] =	vst v0;
	s9 =	simm.s32 $0x0  }
0x15: {  	[tilespmem:s9], [sflag:$0x1] =	stream.linear.gather [hbm4b:s3+s9], $0x2710, $0x38;
	[tilespmem:$0x4F10] =	vst v63  }
0x16: {  	_ =	swait.ge [sflag:s6], $0x2710  }
0x17: {  	[sflag:s6] =	ssyncset.done $0x0  }
0x18: {  	[sflag:s6] =	ssyncadd.s32 $0xFFFFD8F0  }
.LBB2_4:
0x19: {  	s10 =	sshra.s32 s9, $0x2  }
0x1a: {  	v2 =	vld [tilespmem:s10+$0x0];
	_ =	sdelay $0x7  }
0x1b: {  	[tilespmem:v2+s7+$0x0] =	vst.idx.add.f32.msk $0xffff, v1  }
0x1c: {  	v2 =	vld [tilespmem:s10+$0x10];
	_ =	sdelay $0x7  }
0x1d: {  	[tilespmem:v2+s7+$0x0] =	vst.idx.add.f32.msk $0xffff, v1  }
0x1e: {  	v2 =	vld [tilespmem:s10+$0x20];
	_ =	sdelay $0x7  }
0x1f: {  	[tilespmem:v2+s7+$0x0] =	vst.idx.add.f32.msk $0xffff, v1  }
0x20: {  	v2 =	vld [tilespmem:s10+$0x30];
	_ =	sdelay $0x7  }
0x21: {  	[tilespmem:v2+s7+$0x0] =	vst.idx.add.f32.msk $0xffff, v1  }
0x22: {  	v2 =	vld [tilespmem:s10+$0x40];
	_ =	sdelay $0x2  }
0x23: {  	p0 =	sne.s32 s9, $0x9B00  }
.Ltmp1:
0x24: {  	_ = 	snop;
	(pc) =	sbr.rel @p0 .LBB2_4-.Ltmp1, $2  }
0x25: {  	_ =	sdelay $0x2  }
0x26: {  	s9 =	sadd.s32 $0x140, s9;
	[tilespmem:v2+s7+$0x0] =	vst.idx.add.f32.msk $0xffff, v1  }
0x27: {  	s8 =	sadd.s32 $0x1, s8  }
0x28: {  	p0 =	sne.s32 s8, s5  }
.Ltmp2:
0x29: {  	_ = 	snop;
	(pc) =	sbr.rel @p0 .LBB2_1-.Ltmp2, $4  }
0x2a: {  	[hbm4b:s4+s2] =	stream.linear.scatter [tilespmem:s7], [sflag:$0x1], $0x2800, $0x38;
	[tilespmem:$0x4F10] =	vst v63  }
0x2b: {  	_ =	swait.ge [sflag:s6], $0x2800  }
0x2c: {  	[sflag:s6] =	ssyncset.done $0x0  }
0x2d: {  	[sflag:s6] =	ssyncadd.s32 $0xFFFFD800  }
0x2e: {  	_ =	sfence.sel $0x180000  }
0x2f: {  	[bflag:$0x0] =	sbarrier.arrive $0xFFFF  }
0x30: {  	p0 =	sne.s32 s0, $0x0;
	_ =	strace $0x90000047  }
0x31: {  	s0 =	sadd.s32 @!p0 $0x100000, s1;
	[bflag:$0x2] =	sbarrier.arrive $0xFFFF  }
0x32: {  	[sflag:s0] =	ssyncadd.tile.s32 @!p0 $0x1;
	_ =	shalt  }
.Lfunc_end2:
_tile_overlayer_lowered:
.L_overlay_start_2:
0x33: {  	(tag) =	ssettag $0x2  }
0x34: {  	s0 =	rddreg [dreg:$0x0];
	s2 =	stileid.u32  }
0x35: {  	s1 =	rddreg [dreg:$0x1];
	p0 =	sne.s32 s2, $0x0  }
0x36: {  	s3 =	rddreg [dreg:$0x2];
	[bflag:$0x3] =	sbarrier.arrive $0xFFFF;
	s2 =	simm.s32 @!p0 $0x1C01  }
0x37: {  	[timem:s3], [sflag:s2] =	dma.local @!p0 [hbm:s0], s1  }
0x38: {  	s0 =	simm.s32 @!p0 $0x1  }
0x39: {  	_ =	swait.ge @!p0 [sflag:s0], s1  }
0x3a: {  	s1 =	ssub.s32 @!p0 $0x0, s1;
	[sflag:s0] =	ssyncset.done @!p0 $0x0  }
0x3b: {  	[sflag:s0] =	ssyncadd.s32 @!p0 s1  }
0x3c: {  	[bflag:$0x3] =	sbarrier.arrive $0xFFFF  }
0x3d: {  	_ =	shalt  }

</sc_bundles>
